<compile_context>
chip_gen: v7x
topology: tpu7x:2x2x1
jax: 0.10.2.dev20260603
libtpu: 0.0.44.dev20260713+nightly
codegen_flags: <defaults>
</compile_context>

<pallas_src>
import functools
import math

import jax
import jax.numpy as jnp
from jax import lax
from jax.experimental import pallas as pl
from jax.experimental.pallas import tpu as pltpu
from jax.experimental.pallas import tpu_sc as plsc

N_NODES = 10000
N_EDGES = 160000
C = 16

NC = 2
NS = 16
NW = NC * NS

EPW_LO = 5008
EPW_HI = 4992
GCH = 1248
GNC = 4992 // GCH
NGRP = GCH // 16
GTL = 16

EPW = N_EDGES // NW
SCH = 128
SNF = EPW // SCH
STL = EPW - SNF * SCH
NPAD = 10240
RPS = NPAD // NS

_SC_MESH = plsc.VectorSubcoreMesh(core_axis_name="c", subcore_axis_name="s")
_SC_PARAMS = pltpu.CompilerParams(use_tc_tiling_on_sc=False,
                                  needs_layout_passes=False)


def _transpose_rows(rows, tb, ngrp):
    def grp(g, carry):
        rb = g * 16
        ridx = rb + lax.iota(jnp.int32, 16)
        for w in range(16):
            v = plsc.load_gather(rows, [ridx, jnp.full((16,), w, jnp.int32)])
            tb[w, pl.ds(rb, 16)] = v
        return carry
    lax.fori_loop(0, ngrp, grp, 0)


def _gather_body(hn_hbm, src_hbm, dst_hbm, hst_out, hdt_out,
                 idx_s, idx_d, rows_s, rows_d, tb_s, tb_d,
                 idx_st, idx_dt, rows_st, rows_dt, tb_st, tb_dt,
                 sem_g, sem_o):
    cid = lax.axis_index("c")
    sid = lax.axis_index("s")
    wid = sid * NC + cid
    lo = wid < 16
    base = jnp.where(lo, wid * EPW_LO, 16 * EPW_LO + (wid - 16) * EPW_HI)

    def chunk(j, carry):
        p = lax.rem(j, 2)
        off = base + j * GCH
        pltpu.sync_copy(src_hbm.at[pl.ds(off, GCH)], idx_s)
        pltpu.sync_copy(dst_hbm.at[pl.ds(off, GCH)], idx_d)
        g1 = pltpu.async_copy(hn_hbm.at[idx_s], rows_s, sem_g)
        g2 = pltpu.async_copy(hn_hbm.at[idx_d], rows_d, sem_g)
        g1.wait()
        g2.wait()

        @pl.when(j >= 2)
        def _():
            offw = off - 2 * GCH
            pltpu.make_async_copy(tb_s.at[p], hst_out.at[:, pl.ds(offw, GCH)],
                                  sem_o.at[p]).wait()
            pltpu.make_async_copy(tb_d.at[p], hdt_out.at[:, pl.ds(offw, GCH)],
                                  sem_o.at[p]).wait()

        _transpose_rows(rows_s, tb_s.at[p], NGRP)
        _transpose_rows(rows_d, tb_d.at[p], NGRP)
        pltpu.async_copy(tb_s.at[p], hst_out.at[:, pl.ds(off, GCH)], sem_o.at[p])
        pltpu.async_copy(tb_d.at[p], hdt_out.at[:, pl.ds(off, GCH)], sem_o.at[p])
        return carry

    lax.fori_loop(0, GNC, chunk, 0)

    for t in (GNC - 2, GNC - 1):
        p = t % 2
        off = base + t * GCH
        pltpu.make_async_copy(tb_s.at[p], hst_out.at[:, pl.ds(off, GCH)],
                              sem_o.at[p]).wait()
        pltpu.make_async_copy(tb_d.at[p], hdt_out.at[:, pl.ds(off, GCH)],
                              sem_o.at[p]).wait()

    @pl.when(lo)
    def _():
        off = base + GNC * GCH
        pltpu.sync_copy(src_hbm.at[pl.ds(off, GTL)], idx_st)
        pltpu.sync_copy(dst_hbm.at[pl.ds(off, GTL)], idx_dt)
        g1 = pltpu.async_copy(hn_hbm.at[idx_st], rows_st, sem_g)
        g2 = pltpu.async_copy(hn_hbm.at[idx_dt], rows_dt, sem_g)
        g1.wait()
        g2.wait()
        _transpose_rows(rows_st, tb_st, 1)
        _transpose_rows(rows_dt, tb_dt, 1)
        pltpu.sync_copy(tb_st, hst_out.at[:, pl.ds(off, GTL)])
        pltpu.sync_copy(tb_dt, hdt_out.at[:, pl.ds(off, GTL)])


_sc_gather = pl.kernel(
    _gather_body,
    out_type=(jax.ShapeDtypeStruct((C, N_EDGES), jnp.float32),
              jax.ShapeDtypeStruct((C, N_EDGES), jnp.float32)),
    mesh=_SC_MESH,
    scratch_types=[
        pltpu.VMEM((GCH,), jnp.int32),
        pltpu.VMEM((GCH,), jnp.int32),
        pltpu.VMEM((GCH, C), jnp.float32),
        pltpu.VMEM((GCH, C), jnp.float32),
        pltpu.VMEM((2, C, GCH), jnp.float32),
        pltpu.VMEM((2, C, GCH), jnp.float32),
        pltpu.VMEM((GTL,), jnp.int32),
        pltpu.VMEM((GTL,), jnp.int32),
        pltpu.VMEM((GTL, C), jnp.float32),
        pltpu.VMEM((GTL, C), jnp.float32),
        pltpu.VMEM((C, GTL), jnp.float32),
        pltpu.VMEM((C, GTL), jnp.float32),
        pltpu.SemaphoreType.DMA,
        pltpu.SemaphoreType.DMA((2,)),
    ],
    compiler_params=_SC_PARAMS,
    name="sc_gather_hn",
)


def _untranspose_cols(tb, rows, ngrp):
    def grp(g, carry):
        rb = g * 16
        ridx = rb + lax.iota(jnp.int32, 16)
        for w in range(16):
            widx = jnp.full((16,), w, jnp.int32)
            v = plsc.load_gather(tb, [widx, ridx])
            plsc.store_scatter(rows, [ridx, widx], v)
        return carry
    lax.fori_loop(0, ngrp, grp, 0)


def _scatter_body(valst_hbm, dsti_hbm, out_hbm, shared, zbuf,
                  idx_b0, tld_b0, val_b0, idx_b1, tld_b1, val_b1,
                  idx_t, tld_t, val_t, sem_s):
    cid = lax.axis_index("c")
    sid = lax.axis_index("s")
    wid = sid * NC + cid

    def zrow(i, carry):
        zbuf[i, :] = jnp.zeros((C,), jnp.float32)
        return carry

    lax.fori_loop(0, RPS, zrow, 0)
    pltpu.sync_copy(zbuf, shared.at[pl.ds(sid * RPS, RPS)])
    plsc.subcore_barrier()

    base = wid * EPW
    slot = [(idx_b0, tld_b0, val_b0), (idx_b1, tld_b1, val_b1)]

    def half(j, p):
        ib, tb, vb = slot[p]

        @pl.when(j >= 2)
        def _():
            pltpu.make_async_copy(vb, shared.at[ib], sem_s.at[p]).wait()

        off = base + j * SCH
        pltpu.sync_copy(dsti_hbm.at[pl.ds(off, SCH)], ib)
        pltpu.sync_copy(valst_hbm.at[:, pl.ds(off, SCH)], tb)
        _untranspose_cols(tb, vb, SCH // 16)
        pltpu.async_copy(vb, shared.at[ib], sem_s.at[p], add=True)

    def pair(t, carry):
        half(2 * t, 0)
        half(2 * t + 1, 1)
        return carry

    lax.fori_loop(0, SNF // 2, pair, 0)
    half(SNF - 1, 0)

    for k in (1, 0):
        ib, _, vb = slot[k]
        pltpu.make_async_copy(vb, shared.at[ib], sem_s.at[k]).wait()

    off = base + SNF * SCH
    pltpu.sync_copy(dsti_hbm.at[pl.ds(off, STL)], idx_t)
    pltpu.sync_copy(valst_hbm.at[:, pl.ds(off, STL)], tld_t)
    ridx = lax.iota(jnp.int32, 16)
    msk = ridx < STL
    for w in range(16):
        widx = jnp.full((16,), w, jnp.int32)
        v = plsc.load_gather(tld_t, [widx, ridx], mask=msk)
        plsc.store_scatter(val_t, [ridx, widx], v, mask=msk)
    pltpu.sync_copy(val_t.at[pl.ds(0, STL)], shared.at[idx_t], add=True)

    plsc.subcore_barrier()
    pltpu.sync_copy(shared.at[pl.ds(sid * RPS, RPS)],
                    out_hbm.at[pl.ds(cid * NPAD + sid * RPS, RPS)])


_sc_scatter = pl.kernel(
    _scatter_body,
    out_type=jax.ShapeDtypeStruct((NC * NPAD, C), jnp.float32),
    mesh=_SC_MESH,
    scratch_types=[
        pltpu.VMEM_SHARED((NPAD, C), jnp.float32),
        pltpu.VMEM((RPS, C), jnp.float32),
        pltpu.VMEM((SCH,), jnp.int32),
        pltpu.VMEM((C, SCH), jnp.float32),
        pltpu.VMEM((SCH, C), jnp.float32),
        pltpu.VMEM((SCH,), jnp.int32),
        pltpu.VMEM((C, SCH), jnp.float32),
        pltpu.VMEM((SCH, C), jnp.float32),
        pltpu.VMEM((STL,), jnp.int32),
        pltpu.VMEM((C, STL), jnp.float32),
        pltpu.VMEM((16, C), jnp.float32),
        pltpu.SemaphoreType.DMA((2,)),
    ],
    compiler_params=_SC_PARAMS,
    name="sc_scatter_nodeftr",
)


BT = 3200
_SQRT2 = math.sqrt(2.0)
_INV_SQRT48 = 1.0 / math.sqrt(48.0)
_BF = jnp.bfloat16


def _rep16(x):
    b = x.shape[1]
    return jnp.broadcast_to(x[:, None, :], (16, 16, b)).reshape(256, b)


def _sum16(x):
    b = x.shape[1]
    return x.reshape(16, 16, b).sum(axis=0)


def _edge_body(het_ref, hst_ref, hdt_ref, embt_ref, nrmt_ref,
               w12t_ref, m1t_ref, m2t_ref, henewt_ref, hesct_ref):
    het_b = het_ref[...]
    embt_b = embt_ref[...].astype(_BF)
    nrmt_b = nrmt_ref[...]

    h12 = jnp.maximum(jax.lax.dot(w12t_ref[...], embt_b,
                                  preferred_element_type=jnp.float32),
                      0.0) * _SQRT2
    h1t = h12[0:16, :]
    h2t = h12[16:32, :]

    featt = jnp.concatenate([het_b, hst_ref[...], hdt_ref[...]],
                            axis=0).astype(_BF)
    g1t = jax.lax.dot(m1t_ref[...], featt,
                      preferred_element_type=jnp.float32)
    tmpt = jnp.maximum(_sum16(_rep16(h1t) * g1t) * _INV_SQRT48, 0.0)

    g2t = jax.lax.dot(m2t_ref[...], tmpt.astype(_BF),
                      preferred_element_type=jnp.float32)
    he_newt = het_b + _sum16(_rep16(h2t) * g2t) * 0.25

    henewt_ref[...] = he_newt
    hesct_ref[...] = he_newt * nrmt_b


def _edge_mlp(het, hst, hdt, embt, nrmt, w12t, m1t, m2t):
    grid = (N_EDGES // BT,)
    col = lambda r: pl.BlockSpec((r, BT), lambda i: (0, i))
    full = lambda r, c: pl.BlockSpec((r, c), lambda i: (0, 0))
    return pl.pallas_call(
        _edge_body,
        grid=grid,
        in_specs=[col(C), col(C), col(C), col(10), col(1),
                  full(32, 10), full(256, 48), full(256, C)],
        out_specs=[col(C), col(C)],
        out_shape=(jax.ShapeDtypeStruct((C, N_EDGES), jnp.float32),
                   jax.ShapeDtypeStruct((C, N_EDGES), jnp.float32)),
        name="tc_edge_mlp",
    )(het, hst, hdt, embt, nrmt, w12t, m1t, m2t)


def _node_body(hnt_ref, nf0t_ref, nf1t_ref, l1t_ref, l2t_ref, out_ref):
    hnt_b = hnt_ref[...]
    nft = nf0t_ref[...] + nf1t_ref[...]
    cat = jnp.concatenate([hnt_b, nft], axis=0)
    h = jnp.maximum(jax.lax.dot(l1t_ref[...], cat,
                                preferred_element_type=jnp.float32),
                    0.0) * _SQRT2
    out_ref[...] = hnt_b + jax.lax.dot(l2t_ref[...], h,
                                       preferred_element_type=jnp.float32)


def _node_update(hnt, nf0t, nf1t, l1t, l2t):
    return pl.pallas_call(
        _node_body,
        out_shape=jax.ShapeDtypeStruct((C, N_NODES), jnp.float32),
        name="tc_node_update",
    )(hnt, nf0t, nf1t, l1t, l2t)


def kernel(hn, he, edge_vec, emb, norm, fc1_w1, fc1_w2, fc2_w1, fc2_w2,
           lin1_w, lin2_w, edge_index):
    del edge_vec
    src = edge_index[0]
    dst = edge_index[1]

    w12t = (jnp.concatenate([fc1_w1, fc2_w1], axis=1).T
            * (1.0 / math.sqrt(10.0))).astype(_BF)
    m1t = ((fc1_w2 * 0.25).reshape(16, 48, 16).transpose(1, 0, 2)
           .reshape(48, 256).T).astype(_BF)
    m2t = ((fc2_w2 * 0.25).reshape(16, 16, 16).transpose(1, 0, 2)
           .reshape(16, 256).T).astype(_BF)
    l1t = lin1_w.T * (1.0 / math.sqrt(32.0))
    l2t = lin2_w.T * 0.25

    hst, hdt = _sc_gather(hn, src, dst)
    he_newt, he_scaledt = _edge_mlp(he.T, hst, hdt, emb.T,
                                    norm.reshape(1, N_EDGES),
                                    w12t, m1t, m2t)
    nf_parts = _sc_scatter(he_scaledt, dst)
    nf = nf_parts.reshape(NC, NPAD, C)
    hn_newt = _node_update(hn.T, nf[0, :N_NODES].T, nf[1, :N_NODES].T,
                           l1t, l2t)
    return hn_newt.T, he_newt.T

# --- scband reference (transcript-rebuilt; emitter-appended) ---
"""Pipeline reference for scband-eq-nlmp2-18013092840058 (READ-ONLY COPY).

The authoritative reference and input builder live on the scoring server;
editing this copy changes nothing except your own understanding.
"""

import jax, jax.numpy as jnp
import numpy as np
import math

N_NODES = 10000
N_EDGES = 160000
C = 16            # multiplicity of irreps_input/irreps_output = '16x0e'
EDGE_BASIS = 10
FCH = 16
TP1_WNUMEL = (3 * C) * 1 * C   # FullyConnectedTensorProduct(48x0e, 1x0e path, 16x0e) = 768
TP2_WNUMEL = C * 1 * C         # 256


def fcnet(x, w1, w2):
    # e3nn nn.FullyConnectedNet([in, fch, out], relu): per-layer 1/sqrt(fan_in) scaling,
    # relu normalized to unit second moment (factor sqrt(2)), no act on last layer.
    h = x @ (w1 / math.sqrt(w1.shape[0]))
    h = jax.nn.relu(h) * math.sqrt(2.0)
    return h @ (w2 / math.sqrt(w2.shape[0]))


def spherical_harmonics_lmax2(edge_vec):
    # o3.spherical_harmonics(lmax=2, normalize=True, normalization='component')
    r = jnp.linalg.norm(edge_vec, axis=1, keepdims=True)
    u = edge_vec / jnp.maximum(r, 1e-9)
    x, y, z = u[:, 0], u[:, 1], u[:, 2]
    sh0 = jnp.ones_like(x)[:, None]
    sh1 = math.sqrt(3.0) * jnp.stack([y, z, x], axis=1)
    sh2 = jnp.stack([
        math.sqrt(15.0) * x * y,
        math.sqrt(15.0) * y * z,
        (math.sqrt(5.0) / 2.0) * (3.0 * z * z - 1.0),
        math.sqrt(15.0) * x * z,
        (math.sqrt(15.0) / 2.0) * (x * x - y * y),
    ], axis=1)
    return jnp.concatenate([sh0, sh1, sh2], axis=1)  # [E, 9]


def setup_inputs(seed: int = 0) -> dict:
    key = jax.random.key(seed)
    ks = jax.random.split(key, 12)
    hn = jax.random.normal(ks[0], (N_NODES, C), dtype=jnp.float32)
    he = jax.random.normal(ks[1], (N_EDGES, C), dtype=jnp.float32)
    edge_index = jax.random.randint(ks[2], (2, N_EDGES), 0, N_NODES, dtype=jnp.int32)
    edge_vec = jax.random.normal(ks[3], (N_EDGES, 3), dtype=jnp.float32)
    emb = jax.random.uniform(ks[4], (N_EDGES, EDGE_BASIS), dtype=jnp.float32)
    norm = jax.random.uniform(ks[5], (N_EDGES,), dtype=jnp.float32)
    # learned parameters (e3nn weights init N(0,1); normalization applied in forward)
    fc1_w1 = jax.random.normal(ks[6], (EDGE_BASIS, FCH), dtype=jnp.float32)
    fc1_w2 = jax.random.normal(ks[7], (FCH, TP1_WNUMEL), dtype=jnp.float32)
    fc2_w1 = jax.random.normal(ks[8], (EDGE_BASIS, FCH), dtype=jnp.float32)
    fc2_w2 = jax.random.normal(ks[9], (FCH, TP2_WNUMEL), dtype=jnp.float32)
    lin1_w = jax.random.normal(ks[10], (2 * C, C), dtype=jnp.float32)  # o3GatedLinear(32x0e->16x0e)
    lin2_w = jax.random.normal(ks[11], (C, C), dtype=jnp.float32)       # o3.Linear(16x0e->16x0e)
    return {"hn": hn, "he": he, "edge_vec": edge_vec, "emb": emb, "norm": norm,
            "fc1_w1": fc1_w1, "fc1_w2": fc1_w2, "fc2_w1": fc2_w1, "fc2_w2": fc2_w2,
            "lin1_w": lin1_w, "lin2_w": lin2_w, "edge_index": edge_index}


def reference(hn, he, edge_vec, emb, norm, fc1_w1, fc1_w2, fc2_w1, fc2_w2,
              lin1_w, lin2_w, edge_index):
    src = edge_index[0]
    dst = edge_index[1]
    sh = spherical_harmonics_lmax2(edge_vec)
    s0 = sh[:, 0:1]  # with scalar-only irreps, only the 0e path of the FCTP contributes
    # message tensor product: tp(cat[he, hn[src], hn[dst]], sh, weights=fc(emb))
    feat = jnp.concatenate([he, hn[src], hn[dst]], axis=1)  # [E, 48] gather
    w1 = fcnet(emb, fc1_w1, fc1_w2).reshape(-1, 3 * C, C)
    tmp = jnp.einsum('eu,euw->ew', feat, w1) * s0 / math.sqrt(3 * C)
    tmp = jax.nn.relu(tmp)  # Gate on scalar irreps == elementwise act
    # edge update: he += tp2(tmp, sh, weights=fc2(emb))
    w2 = fcnet(emb, fc2_w1, fc2_w2).reshape(-1, C, C)
    he_new = he + jnp.einsum('eu,euw->ew', tmp, w2) * s0 / math.sqrt(C)
    # node aggregation: scatter-add over dst
    node_ftr = jax.ops.segment_sum(he_new * norm[:, None], dst, num_segments=hn.shape[0])
    # node update: hn += Linear(Gate(Linear(cat[hn, node_ftr])))
    cat = jnp.concatenate([hn, node_ftr], axis=1)  # [N, 32]
    h = jax.nn.relu(cat @ (lin1_w / math.sqrt(2 * C))) * math.sqrt(2.0)
    hn_new = hn + h @ (lin2_w / math.sqrt(C))
    return hn_new, he_new


if False:  # reference __main__ guard neutralized (emitter)
    out = reference(**setup_inputs())
    print(out[0].shape, out[1].shape)

if __name__ == "__main__":
    import jax
    _d = setup_inputs()
    print(jax.jit(kernel)(*tuple(_d.values())))

</pallas_src>

<mosaic_0001>
#map = affine_map<(d0, d1) -> (0, 0)>
#map1 = affine_map<(d0, d1) -> (0)>
module attributes {stable_mosaic.version = 14 : i64} {
  func.func @sc_gather_hn(%arg0: i32, %arg1: i32, %arg2: memref<10000x16xf32, #tpu.memory_space<hbm>>, %arg3: memref<160000xi32, #tpu.memory_space<hbm>>, %arg4: memref<160000xi32, #tpu.memory_space<hbm>>, %arg5: memref<16x160000xf32, #tpu.memory_space<hbm>>, %arg6: memref<16x160000xf32, #tpu.memory_space<hbm>>, %arg7: memref<1248xi32, #tpu.memory_space<vmem>>, %arg8: memref<1248xi32, #tpu.memory_space<vmem>>, %arg9: memref<1248x16xf32, #tpu.memory_space<vmem>>, %arg10: memref<1248x16xf32, #tpu.memory_space<vmem>>, %arg11: memref<2x16x1248xf32, #tpu.memory_space<vmem>>, %arg12: memref<2x16x1248xf32, #tpu.memory_space<vmem>>, %arg13: memref<16xi32, #tpu.memory_space<vmem>>, %arg14: memref<16xi32, #tpu.memory_space<vmem>>, %arg15: memref<16x16xf32, #tpu.memory_space<vmem>>, %arg16: memref<16x16xf32, #tpu.memory_space<vmem>>, %arg17: memref<16x16xf32, #tpu.memory_space<vmem>>, %arg18: memref<16x16xf32, #tpu.memory_space<vmem>>, %arg19: memref<!tpu.dma_semaphore, #tpu.memory_space<semaphore_mem>>, %arg20: memref<2x!tpu.dma_semaphore, #tpu.memory_space<semaphore_mem>>) attributes {dimension_semantics = [#tpu.dimension_semantics<core_parallel>, #tpu.dimension_semantics<subcore_parallel>], iteration_bounds = array<i64: 2, 16>, scalar_prefetch = 0 : i64, scratch_operands = 14 : i64, tpu.core_type = #tpu.core_type<sc_vector_subcore>, window_params = [{transform_indices = #map}, {transform_indices = #map1}, {transform_indices = #map1}, {transform_indices = #map}, {transform_indices = #map}]} {
    %mul3A = arith.constant 2 : i32
    %mul3A_0 = arith.muli %arg1, %mul3A : i32
    %add3A = arith.addi %mul3A_0, %arg0 : i32
    %lt3A = arith.constant 16 : i32
    %lt3A_1 = arith.cmpi slt, %add3A, %lt3A : i32
    %mul3A_2 = arith.constant 5008 : i32
    %mul3A_3 = arith.muli %add3A, %mul3A_2 : i32
    %sub3A = arith.constant 16 : i32
    %sub3A_4 = arith.subi %add3A, %sub3A : i32
    %mul3A_5 = arith.constant 4992 : i32
    %mul3A_6 = arith.muli %sub3A_4, %mul3A_5 : i32
    %add3A_7 = arith.constant 80128 : i32
    %add3A_8 = arith.addi %add3A_7, %mul3A_6 : i32
    %select_n3A = arith.select %lt3A_1, %mul3A_3, %add3A_8 : i32
    %scan3A = arith.constant 0 : i32
    %scan3A_9 = arith.constant 0 : i32
    %scan3A_10 = arith.constant 4 : i32
    %scan3A_11 = arith.addi %scan3A_9, %scan3A_10 : i32
    %scan3A_12 = arith.constant 1 : i32
    scf.for %scan3A_82 = %scan3A_9 to %scan3A_11 step %scan3A_12  : i32 {
      %rem3A = arith.constant 2 : i32
      %rem3A_83 = arith.remsi %scan3A_82, %rem3A : i32
      %mul3A_84 = arith.constant 1248 : i32
      %mul3A_85 = arith.muli %scan3A_82, %mul3A_84 : i32
      %add3A_86 = arith.addi %select_n3A, %mul3A_85 : i32
      "tpu.region"() ({
        %run_scoped3A = tpu.sem_alloc : memref<!tpu.dma_semaphore, #tpu.memory_space<semaphore_mem>>
        %dma_start3A_142 = tpu.memref_slice %arg3[%add3A_86] : memref<160000xi32, #tpu.memory_space<hbm>> -> memref<1248xi32, #tpu.memory_space<hbm>>
        %dma_start3A_143 = tpu.memref_slice %arg3[%add3A_86] : memref<160000xi32, #tpu.memory_space<hbm>> -> memref<1248xi32, #tpu.memory_space<hbm>>
        tpu.enqueue_dma source(%dma_start3A_143 : memref<1248xi32, #tpu.memory_space<hbm>>) target(%arg7 : memref<1248xi32, #tpu.memory_space<vmem>>) target_semaphore(%run_scoped3A : memref<!tpu.dma_semaphore, #tpu.memory_space<semaphore_mem>>)
        %dma_wait3A_144 = tpu.memref_slice %arg3[%add3A_86] : memref<160000xi32, #tpu.memory_space<hbm>> -> memref<1248xi32, #tpu.memory_space<hbm>>
        %dma_wait3A_145 = tpu.memref_slice %arg3[%add3A_86] : memref<160000xi32, #tpu.memory_space<hbm>> -> memref<1248xi32, #tpu.memory_space<hbm>>
        tpu.wait_dma2 semaphore(%run_scoped3A : memref<!tpu.dma_semaphore, #tpu.memory_space<semaphore_mem>>) src(%dma_wait3A_145 : memref<1248xi32, #tpu.memory_space<hbm>>) dst(%arg7 : memref<1248xi32, #tpu.memory_space<vmem>>)
        tpu.yield
      }) : () -> ()
      "tpu.region"() ({
        %run_scoped3A = tpu.sem_alloc : memref<!tpu.dma_semaphore, #tpu.memory_space<semaphore_mem>>
        %dma_start3A_142 = tpu.memref_slice %arg4[%add3A_86] : memref<160000xi32, #tpu.memory_space<hbm>> -> memref<1248xi32, #tpu.memory_space<hbm>>
        %dma_start3A_143 = tpu.memref_slice %arg4[%add3A_86] : memref<160000xi32, #tpu.memory_space<hbm>> -> memref<1248xi32, #tpu.memory_space<hbm>>
        tpu.enqueue_dma source(%dma_start3A_143 : memref<1248xi32, #tpu.memory_space<hbm>>) target(%arg8 : memref<1248xi32, #tpu.memory_space<vmem>>) target_semaphore(%run_scoped3A : memref<!tpu.dma_semaphore, #tpu.memory_space<semaphore_mem>>)
        %dma_wait3A_144 = tpu.memref_slice %arg4[%add3A_86] : memref<160000xi32, #tpu.memory_space<hbm>> -> memref<1248xi32, #tpu.memory_space<hbm>>
        %dma_wait3A_145 = tpu.memref_slice %arg4[%add3A_86] : memref<160000xi32, #tpu.memory_space<hbm>> -> memref<1248xi32, #tpu.memory_space<hbm>>
        tpu.wait_dma2 semaphore(%run_scoped3A : memref<!tpu.dma_semaphore, #tpu.memory_space<semaphore_mem>>) src(%dma_wait3A_145 : memref<1248xi32, #tpu.memory_space<hbm>>) dst(%arg8 : memref<1248xi32, #tpu.memory_space<vmem>>)
        tpu.yield
      }) : () -> ()
      %dma_start3A = arith.constant 0 : i32
      %dma_start3A_87 = arith.constant 0 : i32
      %dma_start3A_88 = tpu.memref_slice %arg2[%dma_start3A, %dma_start3A_87] : memref<10000x16xf32, #tpu.memory_space<hbm>> -> memref<10000x16xf32, #tpu.memory_space<hbm>>
      tpu.enqueue_indirect_dma source(%dma_start3A_88 : memref<10000x16xf32, #tpu.memory_space<hbm>>) target(%arg9 : memref<1248x16xf32, #tpu.memory_space<vmem>>) offsets(%arg7 : memref<1248xi32, #tpu.memory_space<vmem>>) semaphore(%arg19 : memref<!tpu.dma_semaphore, #tpu.memory_space<semaphore_mem>>)
      %dma_start3A_89 = arith.constant 0 : i32
      %dma_start3A_90 = arith.constant 0 : i32
      %dma_start3A_91 = tpu.memref_slice %arg2[%dma_start3A_89, %dma_start3A_90] : memref<10000x16xf32, #tpu.memory_space<hbm>> -> memref<10000x16xf32, #tpu.memory_space<hbm>>
      tpu.enqueue_indirect_dma source(%dma_start3A_91 : memref<10000x16xf32, #tpu.memory_space<hbm>>) target(%arg10 : memref<1248x16xf32, #tpu.memory_space<vmem>>) offsets(%arg8 : memref<1248xi32, #tpu.memory_space<vmem>>) semaphore(%arg19 : memref<!tpu.dma_semaphore, #tpu.memory_space<semaphore_mem>>)
      %dma_wait3A_92 = arith.constant 0 : i32
      %dma_wait3A_93 = arith.constant 0 : i32
      %dma_wait3A_94 = tpu.memref_slice %arg2[%dma_wait3A_92, %dma_wait3A_93] : memref<10000x16xf32, #tpu.memory_space<hbm>> -> memref<10000x16xf32, #tpu.memory_space<hbm>>
      tpu.wait_indirect_dma semaphore(%arg19 : memref<!tpu.dma_semaphore, #tpu.memory_space<semaphore_mem>>) src(%dma_wait3A_94 : memref<10000x16xf32, #tpu.memory_space<hbm>>) dst(%arg9 : memref<1248x16xf32, #tpu.memory_space<vmem>>)
      %dma_wait3A_95 = arith.constant 0 : i32
      %dma_wait3A_96 = arith.constant 0 : i32
      %dma_wait3A_97 = tpu.memref_slice %arg2[%dma_wait3A_95, %dma_wait3A_96] : memref<10000x16xf32, #tpu.memory_space<hbm>> -> memref<10000x16xf32, #tpu.memory_space<hbm>>
      tpu.wait_indirect_dma semaphore(%arg19 : memref<!tpu.dma_semaphore, #tpu.memory_space<semaphore_mem>>) src(%dma_wait3A_97 : memref<10000x16xf32, #tpu.memory_space<hbm>>) dst(%arg10 : memref<1248x16xf32, #tpu.memory_space<vmem>>)
      %ge3A = arith.constant 2 : i32
      %ge3A_98 = arith.cmpi sge, %scan3A_82, %ge3A : i32
      %convert_element_type3A_99 = arith.extui %ge3A_98 : i1 to i32
      %cond3A_100 = arith.constant 0 : i32
      %cond3A_101 = arith.cmpi ne, %convert_element_type3A_99, %cond3A_100 : i32
      scf.if %cond3A_101 {
        %sub3A_142 = arith.constant 2496 : i32
        %sub3A_143 = arith.subi %add3A_86, %sub3A_142 : i32
        %dma_wait3A_144 = arith.constant 0 : i32
        %dma_wait3A_145 = arith.constant 0 : i32
        %dma_wait3A_146 = tpu.memref_slice %arg11[%rem3A_83, %dma_wait3A_144, %dma_wait3A_145] : memref<2x16x1248xf32, #tpu.memory_space<vmem>> -> memref<1x16x1248xf32, #tpu.memory_space<vmem>>
        %dma_wait3A_147 = tpu.memref_squeeze %dma_wait3A_146 : memref<1x16x1248xf32, #tpu.memory_space<vmem>> -> memref<16x1248xf32, #tpu.memory_space<vmem>>
        %dma_wait3A_148 = arith.constant 0 : i32
        %dma_wait3A_149 = tpu.memref_slice %arg5[%dma_wait3A_148, %sub3A_143] : memref<16x160000xf32, #tpu.memory_space<hbm>> -> memref<16x1248xf32, #tpu.memory_space<hbm>>
        %dma_wait3A_150 = tpu.memref_slice %arg20[%rem3A_83] : memref<2x!tpu.dma_semaphore, #tpu.memory_space<semaphore_mem>> -> memref<1x!tpu.dma_semaphore, #tpu.memory_space<semaphore_mem>>
        %dma_wait3A_151 = tpu.memref_squeeze %dma_wait3A_150 : memref<1x!tpu.dma_semaphore, #tpu.memory_space<semaphore_mem>> -> memref<!tpu.dma_semaphore, #tpu.memory_space<semaphore_mem>>
        %dma_wait3A_152 = arith.constant 0 : i32
        %dma_wait3A_153 = tpu.memref_slice %arg5[%dma_wait3A_152, %sub3A_143] : memref<16x160000xf32, #tpu.memory_space<hbm>> -> memref<16x1248xf32, #tpu.memory_space<hbm>>
        %dma_wait3A_154 = arith.constant 0 : i32
        %dma_wait3A_155 = arith.constant 0 : i32
        %dma_wait3A_156 = tpu.memref_slice %arg11[%rem3A_83, %dma_wait3A_154, %dma_wait3A_155] : memref<2x16x1248xf32, #tpu.memory_space<vmem>> -> memref<1x16x1248xf32, #tpu.memory_space<vmem>>
        %dma_wait3A_157 = tpu.memref_squeeze %dma_wait3A_156 : memref<1x16x1248xf32, #tpu.memory_space<vmem>> -> memref<16x1248xf32, #tpu.memory_space<vmem>>
        tpu.wait_dma2 semaphore(%dma_wait3A_151 : memref<!tpu.dma_semaphore, #tpu.memory_space<semaphore_mem>>) src(%dma_wait3A_157 : memref<16x1248xf32, #tpu.memory_space<vmem>>) dst(%dma_wait3A_153 : memref<16x1248xf32, #tpu.memory_space<hbm>>)
        %dma_wait3A_158 = arith.constant 0 : i32
        %dma_wait3A_159 = arith.constant 0 : i32
        %dma_wait3A_160 = tpu.memref_slice %arg12[%rem3A_83, %dma_wait3A_158, %dma_wait3A_159] : memref<2x16x1248xf32, #tpu.memory_space<vmem>> -> memref<1x16x1248xf32, #tpu.memory_space<vmem>>
        %dma_wait3A_161 = tpu.memref_squeeze %dma_wait3A_160 : memref<1x16x1248xf32, #tpu.memory_space<vmem>> -> memref<16x1248xf32, #tpu.memory_space<vmem>>
        %dma_wait3A_162 = arith.constant 0 : i32
        %dma_wait3A_163 = tpu.memref_slice %arg6[%dma_wait3A_162, %sub3A_143] : memref<16x160000xf32, #tpu.memory_space<hbm>> -> memref<16x1248xf32, #tpu.memory_space<hbm>>
        %dma_wait3A_164 = tpu.memref_slice %arg20[%rem3A_83] : memref<2x!tpu.dma_semaphore, #tpu.memory_space<semaphore_mem>> -> memref<1x!tpu.dma_semaphore, #tpu.memory_space<semaphore_mem>>
        %dma_wait3A_165 = tpu.memref_squeeze %dma_wait3A_164 : memref<1x!tpu.dma_semaphore, #tpu.memory_space<semaphore_mem>> -> memref<!tpu.dma_semaphore, #tpu.memory_space<semaphore_mem>>
        %dma_wait3A_166 = arith.constant 0 : i32
        %dma_wait3A_167 = tpu.memref_slice %arg6[%dma_wait3A_166, %sub3A_143] : memref<16x160000xf32, #tpu.memory_space<hbm>> -> memref<16x1248xf32, #tpu.memory_space<hbm>>
        %dma_wait3A_168 = arith.constant 0 : i32
        %dma_wait3A_169 = arith.constant 0 : i32
        %dma_wait3A_170 = tpu.memref_slice %arg12[%rem3A_83, %dma_wait3A_168, %dma_wait3A_169] : memref<2x16x1248xf32, #tpu.memory_space<vmem>> -> memref<1x16x1248xf32, #tpu.memory_space<vmem>>
        %dma_wait3A_171 = tpu.memref_squeeze %dma_wait3A_170 : memref<1x16x1248xf32, #tpu.memory_space<vmem>> -> memref<16x1248xf32, #tpu.memory_space<vmem>>
        tpu.wait_dma2 semaphore(%dma_wait3A_165 : memref<!tpu.dma_semaphore, #tpu.memory_space<semaphore_mem>>) src(%dma_wait3A_171 : memref<16x1248xf32, #tpu.memory_space<vmem>>) dst(%dma_wait3A_167 : memref<16x1248xf32, #tpu.memory_space<hbm>>)
      } else {
      }
      %scan3A_102 = arith.constant 0 : i32
      %scan3A_103 = arith.constant 0 : i32
      %scan3A_104 = arith.constant 78 : i32
      %scan3A_105 = arith.addi %scan3A_103, %scan3A_104 : i32
      %scan3A_106 = arith.constant 1 : i32
      scf.for %scan3A_142 = %scan3A_103 to %scan3A_105 step %scan3A_106  : i32 {
        %mul3A_143 = arith.constant 16 : i32
        %mul3A_144 = arith.muli %scan3A_142, %mul3A_143 : i32
        %iota3A = tpu.iota {dimensions = array<i32: 0>} : vector<16xi32>
        %add3A_145 = vector.broadcast %mul3A_144 : i32 to vector<16xi32>
        %add3A_146 = arith.addi %add3A_145, %iota3A : vector<16xi32>
        %broadcast_in_dim3A = arith.constant 0 : i32
        %broadcast_in_dim3A_147 = vector.broadcast %broadcast_in_dim3A : i32 to vector<16xi32>
        %gather3A = tpu.vector_load_idx %arg9[%add3A_146, %broadcast_in_dim3A_147] : memref<1248x16xf32, #tpu.memory_space<vmem>>[vector<16xi32>, vector<16xi32>], vector<16xf32>,
        %swap3A = arith.constant 0 : i32
        %swap3A_148 = arith.constant 0 : i32
        %swap3A_149 = arith.constant 0 : i32
        %swap3A_150 = tpu.memref_slice %arg11[%rem3A_83, %swap3A_148, %swap3A_149] : memref<2x16x1248xf32, #tpu.memory_space<vmem>> -> memref<1x16x1248xf32, #tpu.memory_space<vmem>>
        %swap3A_151 = tpu.memref_squeeze %swap3A_150 : memref<1x16x1248xf32, #tpu.memory_space<vmem>> -> memref<16x1248xf32, #tpu.memory_space<vmem>>
        %swap3A_152 = arith.index_cast %swap3A : i32 to index
        %swap3A_153 = arith.index_cast %mul3A_144 : i32 to index
        %swap3A_154 = tpu.vector_load %swap3A_151[%swap3A_152, %swap3A_153] {strides = array<i32>} : memref<16x1248xf32, #tpu.memory_space<vmem>>, vector<16xf32>,
        tpu.vector_store %swap3A_151[%swap3A_152, %swap3A_153], %gather3A {strides = array<i32>} : memref<16x1248xf32, #tpu.memory_space<vmem>>, vector<16xf32>,
        %broadcast_in_dim3A_155 = arith.constant 1 : i32
        %broadcast_in_dim3A_156 = vector.broadcast %broadcast_in_dim3A_155 : i32 to vector<16xi32>
        %gather3A_157 = tpu.vector_load_idx %arg9[%add3A_146, %broadcast_in_dim3A_156] : memref<1248x16xf32, #tpu.memory_space<vmem>>[vector<16xi32>, vector<16xi32>], vector<16xf32>,
        %swap3A_158 = arith.constant 1 : i32
        %swap3A_159 = arith.constant 0 : i32
        %swap3A_160 = arith.constant 0 : i32
        %swap3A_161 = tpu.memref_slice %arg11[%rem3A_83, %swap3A_159, %swap3A_160] : memref<2x16x1248xf32, #tpu.memory_space<vmem>> -> memref<1x16x1248xf32, #tpu.memory_space<vmem>>
        %swap3A_162 = tpu.memref_squeeze %swap3A_161 : memref<1x16x1248xf32, #tpu.memory_space<vmem>> -> memref<16x1248xf32, #tpu.memory_space<vmem>>
        %swap3A_163 = arith.index_cast %swap3A_158 : i32 to index
        %swap3A_164 = arith.index_cast %mul3A_144 : i32 to index
        %swap3A_165 = tpu.vector_load %swap3A_162[%swap3A_163, %swap3A_164] {strides = array<i32>} : memref<16x1248xf32, #tpu.memory_space<vmem>>, vector<16xf32>,
        tpu.vector_store %swap3A_162[%swap3A_163, %swap3A_164], %gather3A_157 {strides = array<i32>} : memref<16x1248xf32, #tpu.memory_space<vmem>>, vector<16xf32>,
        %broadcast_in_dim3A_166 = arith.constant 2 : i32
        %broadcast_in_dim3A_167 = vector.broadcast %broadcast_in_dim3A_166 : i32 to vector<16xi32>
        %gather3A_168 = tpu.vector_load_idx %arg9[%add3A_146, %broadcast_in_dim3A_167] : memref<1248x16xf32, #tpu.memory_space<vmem>>[vector<16xi32>, vector<16xi32>], vector<16xf32>,
        %swap3A_169 = arith.constant 2 : i32
        %swap3A_170 = arith.constant 0 : i32
        %swap3A_171 = arith.constant 0 : i32
        %swap3A_172 = tpu.memref_slice %arg11[%rem3A_83, %swap3A_170, %swap3A_171] : memref<2x16x1248xf32, #tpu.memory_space<vmem>> -> memref<1x16x1248xf32, #tpu.memory_space<vmem>>
        %swap3A_173 = tpu.memref_squeeze %swap3A_172 : memref<1x16x1248xf32, #tpu.memory_space<vmem>> -> memref<16x1248xf32, #tpu.memory_space<vmem>>
        %swap3A_174 = arith.index_cast %swap3A_169 : i32 to index
        %swap3A_175 = arith.index_cast %mul3A_144 : i32 to index
        %swap3A_176 = tpu.vector_load %swap3A_173[%swap3A_174, %swap3A_175] {strides = array<i32>} : memref<16x1248xf32, #tpu.memory_space<vmem>>, vector<16xf32>,
        tpu.vector_store %swap3A_173[%swap3A_174, %swap3A_175], %gather3A_168 {strides = array<i32>} : memref<16x1248xf32, #tpu.memory_space<vmem>>, vector<16xf32>,
        %broadcast_in_dim3A_177 = arith.constant 3 : i32
        %broadcast_in_dim3A_178 = vector.broadcast %broadcast_in_dim3A_177 : i32 to vector<16xi32>
        %gather3A_179 = tpu.vector_load_idx %arg9[%add3A_146, %broadcast_in_dim3A_178] : memref<1248x16xf32, #tpu.memory_space<vmem>>[vector<16xi32>, vector<16xi32>], vector<16xf32>,
        %swap3A_180 = arith.constant 3 : i32
        %swap3A_181 = arith.constant 0 : i32
        %swap3A_182 = arith.constant 0 : i32
        %swap3A_183 = tpu.memref_slice %arg11[%rem3A_83, %swap3A_181, %swap3A_182] : memref<2x16x1248xf32, #tpu.memory_space<vmem>> -> memref<1x16x1248xf32, #tpu.memory_space<vmem>>
        %swap3A_184 = tpu.memref_squeeze %swap3A_183 : memref<1x16x1248xf32, #tpu.memory_space<vmem>> -> memref<16x1248xf32, #tpu.memory_space<vmem>>
        %swap3A_185 = arith.index_cast %swap3A_180 : i32 to index
        %swap3A_186 = arith.index_cast %mul3A_144 : i32 to index
        %swap3A_187 = tpu.vector_load %swap3A_184[%swap3A_185, %swap3A_186] {strides = array<i32>} : memref<16x1248xf32, #tpu.memory_space<vmem>>, vector<16xf32>,
        tpu.vector_store %swap3A_184[%swap3A_185, %swap3A_186], %gather3A_179 {strides = array<i32>} : memref<16x1248xf32, #tpu.memory_space<vmem>>, vector<16xf32>,
        %broadcast_in_dim3A_188 = arith.constant 4 : i32
        %broadcast_in_dim3A_189 = vector.broadcast %broadcast_in_dim3A_188 : i32 to vector<16xi32>
        %gather3A_190 = tpu.vector_load_idx %arg9[%add3A_146, %broadcast_in_dim3A_189] : memref<1248x16xf32, #tpu.memory_space<vmem>>[vector<16xi32>, vector<16xi32>], vector<16xf32>,
        %swap3A_191 = arith.constant 4 : i32
        %swap3A_192 = arith.constant 0 : i32
        %swap3A_193 = arith.constant 0 : i32
        %swap3A_194 = tpu.memref_slice %arg11[%rem3A_83, %swap3A_192, %swap3A_193] : memref<2x16x1248xf32, #tpu.memory_space<vmem>> -> memref<1x16x1248xf32, #tpu.memory_space<vmem>>
        %swap3A_195 = tpu.memref_squeeze %swap3A_194 : memref<1x16x1248xf32, #tpu.memory_space<vmem>> -> memref<16x1248xf32, #tpu.memory_space<vmem>>
        %swap3A_196 = arith.index_cast %swap3A_191 : i32 to index
        %swap3A_197 = arith.index_cast %mul3A_144 : i32 to index
        %swap3A_198 = tpu.vector_load %swap3A_195[%swap3A_196, %swap3A_197] {strides = array<i32>} : memref<16x1248xf32, #tpu.memory_space<vmem>>, vector<16xf32>,
        tpu.vector_store %swap3A_195[%swap3A_196, %swap3A_197], %gather3A_190 {strides = array<i32>} : memref<16x1248xf32, #tpu.memory_space<vmem>>, vector<16xf32>,
        %broadcast_in_dim3A_199 = arith.constant 5 : i32
        %broadcast_in_dim3A_200 = vector.broadcast %broadcast_in_dim3A_199 : i32 to vector<16xi32>
        %gather3A_201 = tpu.vector_load_idx %arg9[%add3A_146, %broadcast_in_dim3A_200] : memref<1248x16xf32, #tpu.memory_space<vmem>>[vector<16xi32>, vector<16xi32>], vector<16xf32>,
        %swap3A_202 = arith.constant 5 : i32
        %swap3A_203 = arith.constant 0 : i32
        %swap3A_204 = arith.constant 0 : i32
        %swap3A_205 = tpu.memref_slice %arg11[%rem3A_83, %swap3A_203, %swap3A_204] : memref<2x16x1248xf32, #tpu.memory_space<vmem>> -> memref<1x16x1248xf32, #tpu.memory_space<vmem>>
        %swap3A_206 = tpu.memref_squeeze %swap3A_205 : memref<1x16x1248xf32, #tpu.memory_space<vmem>> -> memref<16x1248xf32, #tpu.memory_space<vmem>>
        %swap3A_207 = arith.index_cast %swap3A_202 : i32 to index
        %swap3A_208 = arith.index_cast %mul3A_144 : i32 to index
        %swap3A_209 = tpu.vector_load %swap3A_206[%swap3A_207, %swap3A_208] {strides = array<i32>} : memref<16x1248xf32, #tpu.memory_space<vmem>>, vector<16xf32>,
        tpu.vector_store %swap3A_206[%swap3A_207, %swap3A_208], %gather3A_201 {strides = array<i32>} : memref<16x1248xf32, #tpu.memory_space<vmem>>, vector<16xf32>,
        %broadcast_in_dim3A_210 = arith.constant 6 : i32
        %broadcast_in_dim3A_211 = vector.broadcast %broadcast_in_dim3A_210 : i32 to vector<16xi32>
        %gather3A_212 = tpu.vector_load_idx %arg9[%add3A_146, %broadcast_in_dim3A_211] : memref<1248x16xf32, #tpu.memory_space<vmem>>[vector<16xi32>, vector<16xi32>], vector<16xf32>,
        %swap3A_213 = arith.constant 6 : i32
        %swap3A_214 = arith.constant 0 : i32
        %swap3A_215 = arith.constant 0 : i32
        %swap3A_216 = tpu.memref_slice %arg11[%rem3A_83, %swap3A_214, %swap3A_215] : memref<2x16x1248xf32, #tpu.memory_space<vmem>> -> memref<1x16x1248xf32, #tpu.memory_space<vmem>>
        %swap3A_217 = tpu.memref_squeeze %swap3A_216 : memref<1x16x1248xf32, #tpu.memory_space<vmem>> -> memref<16x1248xf32, #tpu.memory_space<vmem>>
        %swap3A_218 = arith.index_cast %swap3A_213 : i32 to index
        %swap3A_219 = arith.index_cast %mul3A_144 : i32 to index
        %swap3A_220 = tpu.vector_load %swap3A_217[%swap3A_218, %swap3A_219] {strides = array<i32>} : memref<16x1248xf32, #tpu.memory_space<vmem>>, vector<16xf32>,
        tpu.vector_store %swap3A_217[%swap3A_218, %swap3A_219], %gather3A_212 {strides = array<i32>} : memref<16x1248xf32, #tpu.memory_space<vmem>>, vector<16xf32>,
        %broadcast_in_dim3A_221 = arith.constant 7 : i32
        %broadcast_in_dim3A_222 = vector.broadcast %broadcast_in_dim3A_221 : i32 to vector<16xi32>
        %gather3A_223 = tpu.vector_load_idx %arg9[%add3A_146, %broadcast_in_dim3A_222] : memref<1248x16xf32, #tpu.memory_space<vmem>>[vector<16xi32>, vector<16xi32>], vector<16xf32>,
        %swap3A_224 = arith.constant 7 : i32
        %swap3A_225 = arith.constant 0 : i32
        %swap3A_226 = arith.constant 0 : i32
        %swap3A_227 = tpu.memref_slice %arg11[%rem3A_83, %swap3A_225, %swap3A_226] : memref<2x16x1248xf32, #tpu.memory_space<vmem>> -> memref<1x16x1248xf32, #tpu.memory_space<vmem>>
        %swap3A_228 = tpu.memref_squeeze %swap3A_227 : memref<1x16x1248xf32, #tpu.memory_space<vmem>> -> memref<16x1248xf32, #tpu.memory_space<vmem>>
        %swap3A_229 = arith.index_cast %swap3A_224 : i32 to index
        %swap3A_230 = arith.index_cast %mul3A_144 : i32 to index
        %swap3A_231 = tpu.vector_load %swap3A_228[%swap3A_229, %swap3A_230] {strides = array<i32>} : memref<16x1248xf32, #tpu.memory_space<vmem>>, vector<16xf32>,
        tpu.vector_store %swap3A_228[%swap3A_229, %swap3A_230], %gather3A_223 {strides = array<i32>} : memref<16x1248xf32, #tpu.memory_space<vmem>>, vector<16xf32>,
        %broadcast_in_dim3A_232 = arith.constant 8 : i32
        %broadcast_in_dim3A_233 = vector.broadcast %broadcast_in_dim3A_232 : i32 to vector<16xi32>
        %gather3A_234 = tpu.vector_load_idx %arg9[%add3A_146, %broadcast_in_dim3A_233] : memref<1248x16xf32, #tpu.memory_space<vmem>>[vector<16xi32>, vector<16xi32>], vector<16xf32>,
        %swap3A_235 = arith.constant 8 : i32
        %swap3A_236 = arith.constant 0 : i32
        %swap3A_237 = arith.constant 0 : i32
        %swap3A_238 = tpu.memref_slice %arg11[%rem3A_83, %swap3A_236, %swap3A_237] : memref<2x16x1248xf32, #tpu.memory_space<vmem>> -> memref<1x16x1248xf32, #tpu.memory_space<vmem>>
        %swap3A_239 = tpu.memref_squeeze %swap3A_238 : memref<1x16x1248xf32, #tpu.memory_space<vmem>> -> memref<16x1248xf32, #tpu.memory_space<vmem>>
        %swap3A_240 = arith.index_cast %swap3A_235 : i32 to index
        %swap3A_241 = arith.index_cast %mul3A_144 : i32 to index
        %swap3A_242 = tpu.vector_load %swap3A_239[%swap3A_240, %swap3A_241] {strides = array<i32>} : memref<16x1248xf32, #tpu.memory_space<vmem>>, vector<16xf32>,
        tpu.vector_store %swap3A_239[%swap3A_240, %swap3A_241], %gather3A_234 {strides = array<i32>} : memref<16x1248xf32, #tpu.memory_space<vmem>>, vector<16xf32>,
        %broadcast_in_dim3A_243 = arith.constant 9 : i32
        %broadcast_in_dim3A_244 = vector.broadcast %broadcast_in_dim3A_243 : i32 to vector<16xi32>
        %gather3A_245 = tpu.vector_load_idx %arg9[%add3A_146, %broadcast_in_dim3A_244] : memref<1248x16xf32, #tpu.memory_space<vmem>>[vector<16xi32>, vector<16xi32>], vector<16xf32>,
        %swap3A_246 = arith.constant 9 : i32
        %swap3A_247 = arith.constant 0 : i32
        %swap3A_248 = arith.constant 0 : i32
        %swap3A_249 = tpu.memref_slice %arg11[%rem3A_83, %swap3A_247, %swap3A_248] : memref<2x16x1248xf32, #tpu.memory_space<vmem>> -> memref<1x16x1248xf32, #tpu.memory_space<vmem>>
        %swap3A_250 = tpu.memref_squeeze %swap3A_249 : memref<1x16x1248xf32, #tpu.memory_space<vmem>> -> memref<16x1248xf32, #tpu.memory_space<vmem>>
        %swap3A_251 = arith.index_cast %swap3A_246 : i32 to index
        %swap3A_252 = arith.index_cast %mul3A_144 : i32 to index
        %swap3A_253 = tpu.vector_load %swap3A_250[%swap3A_251, %swap3A_252] {strides = array<i32>} : memref<16x1248xf32, #tpu.memory_space<vmem>>, vector<16xf32>,
        tpu.vector_store %swap3A_250[%swap3A_251, %swap3A_252], %gather3A_245 {strides = array<i32>} : memref<16x1248xf32, #tpu.memory_space<vmem>>, vector<16xf32>,
        %broadcast_in_dim3A_254 = arith.constant 10 : i32
        %broadcast_in_dim3A_255 = vector.broadcast %broadcast_in_dim3A_254 : i32 to vector<16xi32>
        %gather3A_256 = tpu.vector_load_idx %arg9[%add3A_146, %broadcast_in_dim3A_255] : memref<1248x16xf32, #tpu.memory_space<vmem>>[vector<16xi32>, vector<16xi32>], vector<16xf32>,
        %swap3A_257 = arith.constant 10 : i32
        %swap3A_258 = arith.constant 0 : i32
        %swap3A_259 = arith.constant 0 : i32
        %swap3A_260 = tpu.memref_slice %arg11[%rem3A_83, %swap3A_258, %swap3A_259] : memref<2x16x1248xf32, #tpu.memory_space<vmem>> -> memref<1x16x1248xf32, #tpu.memory_space<vmem>>
        %swap3A_261 = tpu.memref_squeeze %swap3A_260 : memref<1x16x1248xf32, #tpu.memory_space<vmem>> -> memref<16x1248xf32, #tpu.memory_space<vmem>>
        %swap3A_262 = arith.index_cast %swap3A_257 : i32 to index
        %swap3A_263 = arith.index_cast %mul3A_144 : i32 to index
        %swap3A_264 = tpu.vector_load %swap3A_261[%swap3A_262, %swap3A_263] {strides = array<i32>} : memref<16x1248xf32, #tpu.memory_space<vmem>>, vector<16xf32>,
        tpu.vector_store %swap3A_261[%swap3A_262, %swap3A_263], %gather3A_256 {strides = array<i32>} : memref<16x1248xf32, #tpu.memory_space<vmem>>, vector<16xf32>,
        %broadcast_in_dim3A_265 = arith.constant 11 : i32
        %broadcast_in_dim3A_266 = vector.broadcast %broadcast_in_dim3A_265 : i32 to vector<16xi32>
        %gather3A_267 = tpu.vector_load_idx %arg9[%add3A_146, %broadcast_in_dim3A_266] : memref<1248x16xf32, #tpu.memory_space<vmem>>[vector<16xi32>, vector<16xi32>], vector<16xf32>,
        %swap3A_268 = arith.constant 11 : i32
        %swap3A_269 = arith.constant 0 : i32
        %swap3A_270 = arith.constant 0 : i32
        %swap3A_271 = tpu.memref_slice %arg11[%rem3A_83, %swap3A_269, %swap3A_270] : memref<2x16x1248xf32, #tpu.memory_space<vmem>> -> memref<1x16x1248xf32, #tpu.memory_space<vmem>>
        %swap3A_272 = tpu.memref_squeeze %swap3A_271 : memref<1x16x1248xf32, #tpu.memory_space<vmem>> -> memref<16x1248xf32, #tpu.memory_space<vmem>>
        %swap3A_273 = arith.index_cast %swap3A_268 : i32 to index
        %swap3A_274 = arith.index_cast %mul3A_144 : i32 to index
        %swap3A_275 = tpu.vector_load %swap3A_272[%swap3A_273, %swap3A_274] {strides = array<i32>} : memref<16x1248xf32, #tpu.memory_space<vmem>>, vector<16xf32>,
        tpu.vector_store %swap3A_272[%swap3A_273, %swap3A_274], %gather3A_267 {strides = array<i32>} : memref<16x1248xf32, #tpu.memory_space<vmem>>, vector<16xf32>,
        %broadcast_in_dim3A_276 = arith.constant 12 : i32
        %broadcast_in_dim3A_277 = vector.broadcast %broadcast_in_dim3A_276 : i32 to vector<16xi32>
        %gather3A_278 = tpu.vector_load_idx %arg9[%add3A_146, %broadcast_in_dim3A_277] : memref<1248x16xf32, #tpu.memory_space<vmem>>[vector<16xi32>, vector<16xi32>], vector<16xf32>,
        %swap3A_279 = arith.constant 12 : i32
        %swap3A_280 = arith.constant 0 : i32
        %swap3A_281 = arith.constant 0 : i32
        %swap3A_282 = tpu.memref_slice %arg11[%rem3A_83, %swap3A_280, %swap3A_281] : memref<2x16x1248xf32, #tpu.memory_space<vmem>> -> memref<1x16x1248xf32, #tpu.memory_space<vmem>>
        %swap3A_283 = tpu.memref_squeeze %swap3A_282 : memref<1x16x1248xf32, #tpu.memory_space<vmem>> -> memref<16x1248xf32, #tpu.memory_space<vmem>>
        %swap3A_284 = arith.index_cast %swap3A_279 : i32 to index
        %swap3A_285 = arith.index_cast %mul3A_144 : i32 to index
        %swap3A_286 = tpu.vector_load %swap3A_283[%swap3A_284, %swap3A_285] {strides = array<i32>} : memref<16x1248xf32, #tpu.memory_space<vmem>>, vector<16xf32>,
        tpu.vector_store %swap3A_283[%swap3A_284, %swap3A_285], %gather3A_278 {strides = array<i32>} : memref<16x1248xf32, #tpu.memory_space<vmem>>, vector<16xf32>,
        %broadcast_in_dim3A_287 = arith.constant 13 : i32
        %broadcast_in_dim3A_288 = vector.broadcast %broadcast_in_dim3A_287 : i32 to vector<16xi32>
        %gather3A_289 = tpu.vector_load_idx %arg9[%add3A_146, %broadcast_in_dim3A_288] : memref<1248x16xf32, #tpu.memory_space<vmem>>[vector<16xi32>, vector<16xi32>], vector<16xf32>,
        %swap3A_290 = arith.constant 13 : i32
        %swap3A_291 = arith.constant 0 : i32
        %swap3A_292 = arith.constant 0 : i32
        %swap3A_293 = tpu.memref_slice %arg11[%rem3A_83, %swap3A_291, %swap3A_292] : memref<2x16x1248xf32, #tpu.memory_space<vmem>> -> memref<1x16x1248xf32, #tpu.memory_space<vmem>>
        %swap3A_294 = tpu.memref_squeeze %swap3A_293 : memref<1x16x1248xf32, #tpu.memory_space<vmem>> -> memref<16x1248xf32, #tpu.memory_space<vmem>>
        %swap3A_295 = arith.index_cast %swap3A_290 : i32 to index
        %swap3A_296 = arith.index_cast %mul3A_144 : i32 to index
        %swap3A_297 = tpu.vector_load %swap3A_294[%swap3A_295, %swap3A_296] {strides = array<i32>} : memref<16x1248xf32, #tpu.memory_space<vmem>>, vector<16xf32>,
        tpu.vector_store %swap3A_294[%swap3A_295, %swap3A_296], %gather3A_289 {strides = array<i32>} : memref<16x1248xf32, #tpu.memory_space<vmem>>, vector<16xf32>,
        %broadcast_in_dim3A_298 = arith.constant 14 : i32
        %broadcast_in_dim3A_299 = vector.broadcast %broadcast_in_dim3A_298 : i32 to vector<16xi32>
        %gather3A_300 = tpu.vector_load_idx %arg9[%add3A_146, %broadcast_in_dim3A_299] : memref<1248x16xf32, #tpu.memory_space<vmem>>[vector<16xi32>, vector<16xi32>], vector<16xf32>,
        %swap3A_301 = arith.constant 14 : i32
        %swap3A_302 = arith.constant 0 : i32
        %swap3A_303 = arith.constant 0 : i32
        %swap3A_304 = tpu.memref_slice %arg11[%rem3A_83, %swap3A_302, %swap3A_303] : memref<2x16x1248xf32, #tpu.memory_space<vmem>> -> memref<1x16x1248xf32, #tpu.memory_space<vmem>>
        %swap3A_305 = tpu.memref_squeeze %swap3A_304 : memref<1x16x1248xf32, #tpu.memory_space<vmem>> -> memref<16x1248xf32, #tpu.memory_space<vmem>>
        %swap3A_306 = arith.index_cast %swap3A_301 : i32 to index
        %swap3A_307 = arith.index_cast %mul3A_144 : i32 to index
        %swap3A_308 = tpu.vector_load %swap3A_305[%swap3A_306, %swap3A_307] {strides = array<i32>} : memref<16x1248xf32, #tpu.memory_space<vmem>>, vector<16xf32>,
        tpu.vector_store %swap3A_305[%swap3A_306, %swap3A_307], %gather3A_300 {strides = array<i32>} : memref<16x1248xf32, #tpu.memory_space<vmem>>, vector<16xf32>,
        %broadcast_in_dim3A_309 = arith.constant 15 : i32
        %broadcast_in_dim3A_310 = vector.broadcast %broadcast_in_dim3A_309 : i32 to vector<16xi32>
        %gather3A_311 = tpu.vector_load_idx %arg9[%add3A_146, %broadcast_in_dim3A_310] : memref<1248x16xf32, #tpu.memory_space<vmem>>[vector<16xi32>, vector<16xi32>], vector<16xf32>,
        %swap3A_312 = arith.constant 15 : i32
        %swap3A_313 = arith.constant 0 : i32
        %swap3A_314 = arith.constant 0 : i32
        %swap3A_315 = tpu.memref_slice %arg11[%rem3A_83, %swap3A_313, %swap3A_314] : memref<2x16x1248xf32, #tpu.memory_space<vmem>> -> memref<1x16x1248xf32, #tpu.memory_space<vmem>>
        %swap3A_316 = tpu.memref_squeeze %swap3A_315 : memref<1x16x1248xf32, #tpu.memory_space<vmem>> -> memref<16x1248xf32, #tpu.memory_space<vmem>>
        %swap3A_317 = arith.index_cast %swap3A_312 : i32 to index
        %swap3A_318 = arith.index_cast %mul3A_144 : i32 to index
        %swap3A_319 = tpu.vector_load %swap3A_316[%swap3A_317, %swap3A_318] {strides = array<i32>} : memref<16x1248xf32, #tpu.memory_space<vmem>>, vector<16xf32>,
        tpu.vector_store %swap3A_316[%swap3A_317, %swap3A_318], %gather3A_311 {strides = array<i32>} : memref<16x1248xf32, #tpu.memory_space<vmem>>, vector<16xf32>,
      }
      %scan3A_107 = arith.constant 78 : i32
      %scan3A_108 = arith.constant 0 : i32
      %scan3A_109 = arith.constant 0 : i32
      %scan3A_110 = arith.constant 78 : i32
      %scan3A_111 = arith.addi %scan3A_109, %scan3A_110 : i32
      %scan3A_112 = arith.constant 1 : i32
      scf.for %scan3A_142 = %scan3A_109 to %scan3A_111 step %scan3A_112  : i32 {
        %mul3A_143 = arith.constant 16 : i32
        %mul3A_144 = arith.muli %scan3A_142, %mul3A_143 : i32
        %iota3A = tpu.iota {dimensions = array<i32: 0>} : vector<16xi32>
        %add3A_145 = vector.broadcast %mul3A_144 : i32 to vector<16xi32>
        %add3A_146 = arith.addi %add3A_145, %iota3A : vector<16xi32>
        %broadcast_in_dim3A = arith.constant 0 : i32
        %broadcast_in_dim3A_147 = vector.broadcast %broadcast_in_dim3A : i32 to vector<16xi32>
        %gather3A = tpu.vector_load_idx %arg10[%add3A_146, %broadcast_in_dim3A_147] : memref<1248x16xf32, #tpu.memory_space<vmem>>[vector<16xi32>, vector<16xi32>], vector<16xf32>,
        %swap3A = arith.constant 0 : i32
        %swap3A_148 = arith.constant 0 : i32
        %swap3A_149 = arith.constant 0 : i32
        %swap3A_150 = tpu.memref_slice %arg12[%rem3A_83, %swap3A_148, %swap3A_149] : memref<2x16x1248xf32, #tpu.memory_space<vmem>> -> memref<1x16x1248xf32, #tpu.memory_space<vmem>>
        %swap3A_151 = tpu.memref_squeeze %swap3A_150 : memref<1x16x1248xf32, #tpu.memory_space<vmem>> -> memref<16x1248xf32, #tpu.memory_space<vmem>>
        %swap3A_152 = arith.index_cast %swap3A : i32 to index
        %swap3A_153 = arith.index_cast %mul3A_144 : i32 to index
        %swap3A_154 = tpu.vector_load %swap3A_151[%swap3A_152, %swap3A_153] {strides = array<i32>} : memref<16x1248xf32, #tpu.memory_space<vmem>>, vector<16xf32>,
        tpu.vector_store %swap3A_151[%swap3A_152, %swap3A_153], %gather3A {strides = array<i32>} : memref<16x1248xf32, #tpu.memory_space<vmem>>, vector<16xf32>,
        %broadcast_in_dim3A_155 = arith.constant 1 : i32
        %broadcast_in_dim3A_156 = vector.broadcast %broadcast_in_dim3A_155 : i32 to vector<16xi32>
        %gather3A_157 = tpu.vector_load_idx %arg10[%add3A_146, %broadcast_in_dim3A_156] : memref<1248x16xf32, #tpu.memory_space<vmem>>[vector<16xi32>, vector<16xi32>], vector<16xf32>,
        %swap3A_158 = arith.constant 1 : i32
        %swap3A_159 = arith.constant 0 : i32
        %swap3A_160 = arith.constant 0 : i32
        %swap3A_161 = tpu.memref_slice %arg12[%rem3A_83, %swap3A_159, %swap3A_160] : memref<2x16x1248xf32, #tpu.memory_space<vmem>> -> memref<1x16x1248xf32, #tpu.memory_space<vmem>>
        %swap3A_162 = tpu.memref_squeeze %swap3A_161 : memref<1x16x1248xf32, #tpu.memory_space<vmem>> -> memref<16x1248xf32, #tpu.memory_space<vmem>>
        %swap3A_163 = arith.index_cast %swap3A_158 : i32 to index
        %swap3A_164 = arith.index_cast %mul3A_144 : i32 to index
        %swap3A_165 = tpu.vector_load %swap3A_162[%swap3A_163, %swap3A_164] {strides = array<i32>} : memref<16x1248xf32, #tpu.memory_space<vmem>>, vector<16xf32>,
        tpu.vector_store %swap3A_162[%swap3A_163, %swap3A_164], %gather3A_157 {strides = array<i32>} : memref<16x1248xf32, #tpu.memory_space<vmem>>, vector<16xf32>,
        %broadcast_in_dim3A_166 = arith.constant 2 : i32
        %broadcast_in_dim3A_167 = vector.broadcast %broadcast_in_dim3A_166 : i32 to vector<16xi32>
        %gather3A_168 = tpu.vector_load_idx %arg10[%add3A_146, %broadcast_in_dim3A_167] : memref<1248x16xf32, #tpu.memory_space<vmem>>[vector<16xi32>, vector<16xi32>], vector<16xf32>,
        %swap3A_169 = arith.constant 2 : i32
        %swap3A_170 = arith.constant 0 : i32
        %swap3A_171 = arith.constant 0 : i32
        %swap3A_172 = tpu.memref_slice %arg12[%rem3A_83, %swap3A_170, %swap3A_171] : memref<2x16x1248xf32, #tpu.memory_space<vmem>> -> memref<1x16x1248xf32, #tpu.memory_space<vmem>>
        %swap3A_173 = tpu.memref_squeeze %swap3A_172 : memref<1x16x1248xf32, #tpu.memory_space<vmem>> -> memref<16x1248xf32, #tpu.memory_space<vmem>>
        %swap3A_174 = arith.index_cast %swap3A_169 : i32 to index
        %swap3A_175 = arith.index_cast %mul3A_144 : i32 to index
        %swap3A_176 = tpu.vector_load %swap3A_173[%swap3A_174, %swap3A_175] {strides = array<i32>} : memref<16x1248xf32, #tpu.memory_space<vmem>>, vector<16xf32>,
        tpu.vector_store %swap3A_173[%swap3A_174, %swap3A_175], %gather3A_168 {strides = array<i32>} : memref<16x1248xf32, #tpu.memory_space<vmem>>, vector<16xf32>,
        %broadcast_in_dim3A_177 = arith.constant 3 : i32
        %broadcast_in_dim3A_178 = vector.broadcast %broadcast_in_dim3A_177 : i32 to vector<16xi32>
        %gather3A_179 = tpu.vector_load_idx %arg10[%add3A_146, %broadcast_in_dim3A_178] : memref<1248x16xf32, #tpu.memory_space<vmem>>[vector<16xi32>, vector<16xi32>], vector<16xf32>,
        %swap3A_180 = arith.constant 3 : i32
        %swap3A_181 = arith.constant 0 : i32
        %swap3A_182 = arith.constant 0 : i32
        %swap3A_183 = tpu.memref_slice %arg12[%rem3A_83, %swap3A_181, %swap3A_182] : memref<2x16x1248xf32, #tpu.memory_space<vmem>> -> memref<1x16x1248xf32, #tpu.memory_space<vmem>>
        %swap3A_184 = tpu.memref_squeeze %swap3A_183 : memref<1x16x1248xf32, #tpu.memory_space<vmem>> -> memref<16x1248xf32, #tpu.memory_space<vmem>>
        %swap3A_185 = arith.index_cast %swap3A_180 : i32 to index
        %swap3A_186 = arith.index_cast %mul3A_144 : i32 to index
        %swap3A_187 = tpu.vector_load %swap3A_184[%swap3A_185, %swap3A_186] {strides = array<i32>} : memref<16x1248xf32, #tpu.memory_space<vmem>>, vector<16xf32>,
        tpu.vector_store %swap3A_184[%swap3A_185, %swap3A_186], %gather3A_179 {strides = array<i32>} : memref<16x1248xf32, #tpu.memory_space<vmem>>, vector<16xf32>,
        %broadcast_in_dim3A_188 = arith.constant 4 : i32
        %broadcast_in_dim3A_189 = vector.broadcast %broadcast_in_dim3A_188 : i32 to vector<16xi32>
        %gather3A_190 = tpu.vector_load_idx %arg10[%add3A_146, %broadcast_in_dim3A_189] : memref<1248x16xf32, #tpu.memory_space<vmem>>[vector<16xi32>, vector<16xi32>], vector<16xf32>,
        %swap3A_191 = arith.constant 4 : i32
        %swap3A_192 = arith.constant 0 : i32
        %swap3A_193 = arith.constant 0 : i32
        %swap3A_194 = tpu.memref_slice %arg12[%rem3A_83, %swap3A_192, %swap3A_193] : memref<2x16x1248xf32, #tpu.memory_space<vmem>> -> memref<1x16x1248xf32, #tpu.memory_space<vmem>>
        %swap3A_195 = tpu.memref_squeeze %swap3A_194 : memref<1x16x1248xf32, #tpu.memory_space<vmem>> -> memref<16x1248xf32, #tpu.memory_space<vmem>>
        %swap3A_196 = arith.index_cast %swap3A_191 : i32 to index
        %swap3A_197 = arith.index_cast %mul3A_144 : i32 to index
        %swap3A_198 = tpu.vector_load %swap3A_195[%swap3A_196, %swap3A_197] {strides = array<i32>} : memref<16x1248xf32, #tpu.memory_space<vmem>>, vector<16xf32>,
        tpu.vector_store %swap3A_195[%swap3A_196, %swap3A_197], %gather3A_190 {strides = array<i32>} : memref<16x1248xf32, #tpu.memory_space<vmem>>, vector<16xf32>,
        %broadcast_in_dim3A_199 = arith.constant 5 : i32
        %broadcast_in_dim3A_200 = vector.broadcast %broadcast_in_dim3A_199 : i32 to vector<16xi32>
        %gather3A_201 = tpu.vector_load_idx %arg10[%add3A_146, %broadcast_in_dim3A_200] : memref<1248x16xf32, #tpu.memory_space<vmem>>[vector<16xi32>, vector<16xi32>], vector<16xf32>,
        %swap3A_202 = arith.constant 5 : i32
        %swap3A_203 = arith.constant 0 : i32
        %swap3A_204 = arith.constant 0 : i32
        %swap3A_205 = tpu.memref_slice %arg12[%rem3A_83, %swap3A_203, %swap3A_204] : memref<2x16x1248xf32, #tpu.memory_space<vmem>> -> memref<1x16x1248xf32, #tpu.memory_space<vmem>>
        %swap3A_206 = tpu.memref_squeeze %swap3A_205 : memref<1x16x1248xf32, #tpu.memory_space<vmem>> -> memref<16x1248xf32, #tpu.memory_space<vmem>>
        %swap3A_207 = arith.index_cast %swap3A_202 : i32 to index
        %swap3A_208 = arith.index_cast %mul3A_144 : i32 to index
        %swap3A_209 = tpu.vector_load %swap3A_206[%swap3A_207, %swap3A_208] {strides = array<i32>} : memref<16x1248xf32, #tpu.memory_space<vmem>>, vector<16xf32>,
        tpu.vector_store %swap3A_206[%swap3A_207, %swap3A_208], %gather3A_201 {strides = array<i32>} : memref<16x1248xf32, #tpu.memory_space<vmem>>, vector<16xf32>,
        %broadcast_in_dim3A_210 = arith.constant 6 : i32
        %broadcast_in_dim3A_211 = vector.broadcast %broadcast_in_dim3A_210 : i32 to vector<16xi32>
        %gather3A_212 = tpu.vector_load_idx %arg10[%add3A_146, %broadcast_in_dim3A_211] : memref<1248x16xf32, #tpu.memory_space<vmem>>[vector<16xi32>, vector<16xi32>], vector<16xf32>,
        %swap3A_213 = arith.constant 6 : i32
        %swap3A_214 = arith.constant 0 : i32
        %swap3A_215 = arith.constant 0 : i32
        %swap3A_216 = tpu.memref_slice %arg12[%rem3A_83, %swap3A_214, %swap3A_215] : memref<2x16x1248xf32, #tpu.memory_space<vmem>> -> memref<1x16x1248xf32, #tpu.memory_space<vmem>>
        %swap3A_217 = tpu.memref_squeeze %swap3A_216 : memref<1x16x1248xf32, #tpu.memory_space<vmem>> -> memref<16x1248xf32, #tpu.memory_space<vmem>>
        %swap3A_218 = arith.index_cast %swap3A_213 : i32 to index
        %swap3A_219 = arith.index_cast %mul3A_144 : i32 to index
        %swap3A_220 = tpu.vector_load %swap3A_217[%swap3A_218, %swap3A_219] {strides = array<i32>} : memref<16x1248xf32, #tpu.memory_space<vmem>>, vector<16xf32>,
        tpu.vector_store %swap3A_217[%swap3A_218, %swap3A_219], %gather3A_212 {strides = array<i32>} : memref<16x1248xf32, #tpu.memory_space<vmem>>, vector<16xf32>,
        %broadcast_in_dim3A_221 = arith.constant 7 : i32
        %broadcast_in_dim3A_222 = vector.broadcast %broadcast_in_dim3A_221 : i32 to vector<16xi32>
        %gather3A_223 = tpu.vector_load_idx %arg10[%add3A_146, %broadcast_in_dim3A_222] : memref<1248x16xf32, #tpu.memory_space<vmem>>[vector<16xi32>, vector<16xi32>], vector<16xf32>,
        %swap3A_224 = arith.constant 7 : i32
        %swap3A_225 = arith.constant 0 : i32
        %swap3A_226 = arith.constant 0 : i32
        %swap3A_227 = tpu.memref_slice %arg12[%rem3A_83, %swap3A_225, %swap3A_226] : memref<2x16x1248xf32, #tpu.memory_space<vmem>> -> memref<1x16x1248xf32, #tpu.memory_space<vmem>>
        %swap3A_228 = tpu.memref_squeeze %swap3A_227 : memref<1x16x1248xf32, #tpu.memory_space<vmem>> -> memref<16x1248xf32, #tpu.memory_space<vmem>>
        %swap3A_229 = arith.index_cast %swap3A_224 : i32 to index
        %swap3A_230 = arith.index_cast %mul3A_144 : i32 to index
        %swap3A_231 = tpu.vector_load %swap3A_228[%swap3A_229, %swap3A_230] {strides = array<i32>} : memref<16x1248xf32, #tpu.memory_space<vmem>>, vector<16xf32>,
        tpu.vector_store %swap3A_228[%swap3A_229, %swap3A_230], %gather3A_223 {strides = array<i32>} : memref<16x1248xf32, #tpu.memory_space<vmem>>, vector<16xf32>,
        %broadcast_in_dim3A_232 = arith.constant 8 : i32
        %broadcast_in_dim3A_233 = vector.broadcast %broadcast_in_dim3A_232 : i32 to vector<16xi32>
        %gather3A_234 = tpu.vector_load_idx %arg10[%add3A_146, %broadcast_in_dim3A_233] : memref<1248x16xf32, #tpu.memory_space<vmem>>[vector<16xi32>, vector<16xi32>], vector<16xf32>,
        %swap3A_235 = arith.constant 8 : i32
        %swap3A_236 = arith.constant 0 : i32
        %swap3A_237 = arith.constant 0 : i32
        %swap3A_238 = tpu.memref_slice %arg12[%rem3A_83, %swap3A_236, %swap3A_237] : memref<2x16x1248xf32, #tpu.memory_space<vmem>> -> memref<1x16x1248xf32, #tpu.memory_space<vmem>>
        %swap3A_239 = tpu.memref_squeeze %swap3A_238 : memref<1x16x1248xf32, #tpu.memory_space<vmem>> -> memref<16x1248xf32, #tpu.memory_space<vmem>>
        %swap3A_240 = arith.index_cast %swap3A_235 : i32 to index
        %swap3A_241 = arith.index_cast %mul3A_144 : i32 to index
        %swap3A_242 = tpu.vector_load %swap3A_239[%swap3A_240, %swap3A_241] {strides = array<i32>} : memref<16x1248xf32, #tpu.memory_space<vmem>>, vector<16xf32>,
        tpu.vector_store %swap3A_239[%swap3A_240, %swap3A_241], %gather3A_234 {strides = array<i32>} : memref<16x1248xf32, #tpu.memory_space<vmem>>, vector<16xf32>,
        %broadcast_in_dim3A_243 = arith.constant 9 : i32
        %broadcast_in_dim3A_244 = vector.broadcast %broadcast_in_dim3A_243 : i32 to vector<16xi32>
        %gather3A_245 = tpu.vector_load_idx %arg10[%add3A_146, %broadcast_in_dim3A_244] : memref<1248x16xf32, #tpu.memory_space<vmem>>[vector<16xi32>, vector<16xi32>], vector<16xf32>,
        %swap3A_246 = arith.constant 9 : i32
        %swap3A_247 = arith.constant 0 : i32
        %swap3A_248 = arith.constant 0 : i32
        %swap3A_249 = tpu.memref_slice %arg12[%rem3A_83, %swap3A_247, %swap3A_248] : memref<2x16x1248xf32, #tpu.memory_space<vmem>> -> memref<1x16x1248xf32, #tpu.memory_space<vmem>>
        %swap3A_250 = tpu.memref_squeeze %swap3A_249 : memref<1x16x1248xf32, #tpu.memory_space<vmem>> -> memref<16x1248xf32, #tpu.memory_space<vmem>>
        %swap3A_251 = arith.index_cast %swap3A_246 : i32 to index
        %swap3A_252 = arith.index_cast %mul3A_144 : i32 to index
        %swap3A_253 = tpu.vector_load %swap3A_250[%swap3A_251, %swap3A_252] {strides = array<i32>} : memref<16x1248xf32, #tpu.memory_space<vmem>>, vector<16xf32>,
        tpu.vector_store %swap3A_250[%swap3A_251, %swap3A_252], %gather3A_245 {strides = array<i32>} : memref<16x1248xf32, #tpu.memory_space<vmem>>, vector<16xf32>,
        %broadcast_in_dim3A_254 = arith.constant 10 : i32
        %broadcast_in_dim3A_255 = vector.broadcast %broadcast_in_dim3A_254 : i32 to vector<16xi32>
        %gather3A_256 = tpu.vector_load_idx %arg10[%add3A_146, %broadcast_in_dim3A_255] : memref<1248x16xf32, #tpu.memory_space<vmem>>[vector<16xi32>, vector<16xi32>], vector<16xf32>,
        %swap3A_257 = arith.constant 10 : i32
        %swap3A_258 = arith.constant 0 : i32
        %swap3A_259 = arith.constant 0 : i32
        %swap3A_260 = tpu.memref_slice %arg12[%rem3A_83, %swap3A_258, %swap3A_259] : memref<2x16x1248xf32, #tpu.memory_space<vmem>> -> memref<1x16x1248xf32, #tpu.memory_space<vmem>>
        %swap3A_261 = tpu.memref_squeeze %swap3A_260 : memref<1x16x1248xf32, #tpu.memory_space<vmem>> -> memref<16x1248xf32, #tpu.memory_space<vmem>>
        %swap3A_262 = arith.index_cast %swap3A_257 : i32 to index
        %swap3A_263 = arith.index_cast %mul3A_144 : i32 to index
        %swap3A_264 = tpu.vector_load %swap3A_261[%swap3A_262, %swap3A_263] {strides = array<i32>} : memref<16x1248xf32, #tpu.memory_space<vmem>>, vector<16xf32>,
        tpu.vector_store %swap3A_261[%swap3A_262, %swap3A_263], %gather3A_256 {strides = array<i32>} : memref<16x1248xf32, #tpu.memory_space<vmem>>, vector<16xf32>,
        %broadcast_in_dim3A_265 = arith.constant 11 : i32
        %broadcast_in_dim3A_266 = vector.broadcast %broadcast_in_dim3A_265 : i32 to vector<16xi32>
        %gather3A_267 = tpu.vector_load_idx %arg10[%add3A_146, %broadcast_in_dim3A_266] : memref<1248x16xf32, #tpu.memory_space<vmem>>[vector<16xi32>, vector<16xi32>], vector<16xf32>,
        %swap3A_268 = arith.constant 11 : i32
        %swap3A_269 = arith.constant 0 : i32
        %swap3A_270 = arith.constant 0 : i32
        %swap3A_271 = tpu.memref_slice %arg12[%rem3A_83, %swap3A_269, %swap3A_270] : memref<2x16x1248xf32, #tpu.memory_space<vmem>> -> memref<1x16x1248xf32, #tpu.memory_space<vmem>>
        %swap3A_272 = tpu.memref_squeeze %swap3A_271 : memref<1x16x1248xf32, #tpu.memory_space<vmem>> -> memref<16x1248xf32, #tpu.memory_space<vmem>>
        %swap3A_273 = arith.index_cast %swap3A_268 : i32 to index
        %swap3A_274 = arith.index_cast %mul3A_144 : i32 to index
        %swap3A_275 = tpu.vector_load %swap3A_272[%swap3A_273, %swap3A_274] {strides = array<i32>} : memref<16x1248xf32, #tpu.memory_space<vmem>>, vector<16xf32>,
        tpu.vector_store %swap3A_272[%swap3A_273, %swap3A_274], %gather3A_267 {strides = array<i32>} : memref<16x1248xf32, #tpu.memory_space<vmem>>, vector<16xf32>,
        %broadcast_in_dim3A_276 = arith.constant 12 : i32
        %broadcast_in_dim3A_277 = vector.broadcast %broadcast_in_dim3A_276 : i32 to vector<16xi32>
        %gather3A_278 = tpu.vector_load_idx %arg10[%add3A_146, %broadcast_in_dim3A_277] : memref<1248x16xf32, #tpu.memory_space<vmem>>[vector<16xi32>, vector<16xi32>], vector<16xf32>,
        %swap3A_279 = arith.constant 12 : i32
        %swap3A_280 = arith.constant 0 : i32
        %swap3A_281 = arith.constant 0 : i32
        %swap3A_282 = tpu.memref_slice %arg12[%rem3A_83, %swap3A_280, %swap3A_281] : memref<2x16x1248xf32, #tpu.memory_space<vmem>> -> memref<1x16x1248xf32, #tpu.memory_space<vmem>>
        %swap3A_283 = tpu.memref_squeeze %swap3A_282 : memref<1x16x1248xf32, #tpu.memory_space<vmem>> -> memref<16x1248xf32, #tpu.memory_space<vmem>>
        %swap3A_284 = arith.index_cast %swap3A_279 : i32 to index
        %swap3A_285 = arith.index_cast %mul3A_144 : i32 to index
        %swap3A_286 = tpu.vector_load %swap3A_283[%swap3A_284, %swap3A_285] {strides = array<i32>} : memref<16x1248xf32, #tpu.memory_space<vmem>>, vector<16xf32>,
        tpu.vector_store %swap3A_283[%swap3A_284, %swap3A_285], %gather3A_278 {strides = array<i32>} : memref<16x1248xf32, #tpu.memory_space<vmem>>, vector<16xf32>,
        %broadcast_in_dim3A_287 = arith.constant 13 : i32
        %broadcast_in_dim3A_288 = vector.broadcast %broadcast_in_dim3A_287 : i32 to vector<16xi32>
        %gather3A_289 = tpu.vector_load_idx %arg10[%add3A_146, %broadcast_in_dim3A_288] : memref<1248x16xf32, #tpu.memory_space<vmem>>[vector<16xi32>, vector<16xi32>], vector<16xf32>,
        %swap3A_290 = arith.constant 13 : i32
        %swap3A_291 = arith.constant 0 : i32
        %swap3A_292 = arith.constant 0 : i32
        %swap3A_293 = tpu.memref_slice %arg12[%rem3A_83, %swap3A_291, %swap3A_292] : memref<2x16x1248xf32, #tpu.memory_space<vmem>> -> memref<1x16x1248xf32, #tpu.memory_space<vmem>>
        %swap3A_294 = tpu.memref_squeeze %swap3A_293 : memref<1x16x1248xf32, #tpu.memory_space<vmem>> -> memref<16x1248xf32, #tpu.memory_space<vmem>>
        %swap3A_295 = arith.index_cast %swap3A_290 : i32 to index
        %swap3A_296 = arith.index_cast %mul3A_144 : i32 to index
        %swap3A_297 = tpu.vector_load %swap3A_294[%swap3A_295, %swap3A_296] {strides = array<i32>} : memref<16x1248xf32, #tpu.memory_space<vmem>>, vector<16xf32>,
        tpu.vector_store %swap3A_294[%swap3A_295, %swap3A_296], %gather3A_289 {strides = array<i32>} : memref<16x1248xf32, #tpu.memory_space<vmem>>, vector<16xf32>,
        %broadcast_in_dim3A_298 = arith.constant 14 : i32
        %broadcast_in_dim3A_299 = vector.broadcast %broadcast_in_dim3A_298 : i32 to vector<16xi32>
        %gather3A_300 = tpu.vector_load_idx %arg10[%add3A_146, %broadcast_in_dim3A_299] : memref<1248x16xf32, #tpu.memory_space<vmem>>[vector<16xi32>, vector<16xi32>], vector<16xf32>,
        %swap3A_301 = arith.constant 14 : i32
        %swap3A_302 = arith.constant 0 : i32
        %swap3A_303 = arith.constant 0 : i32
        %swap3A_304 = tpu.memref_slice %arg12[%rem3A_83, %swap3A_302, %swap3A_303] : memref<2x16x1248xf32, #tpu.memory_space<vmem>> -> memref<1x16x1248xf32, #tpu.memory_space<vmem>>
        %swap3A_305 = tpu.memref_squeeze %swap3A_304 : memref<1x16x1248xf32, #tpu.memory_space<vmem>> -> memref<16x1248xf32, #tpu.memory_space<vmem>>
        %swap3A_306 = arith.index_cast %swap3A_301 : i32 to index
        %swap3A_307 = arith.index_cast %mul3A_144 : i32 to index
        %swap3A_308 = tpu.vector_load %swap3A_305[%swap3A_306, %swap3A_307] {strides = array<i32>} : memref<16x1248xf32, #tpu.memory_space<vmem>>, vector<16xf32>,
        tpu.vector_store %swap3A_305[%swap3A_306, %swap3A_307], %gather3A_300 {strides = array<i32>} : memref<16x1248xf32, #tpu.memory_space<vmem>>, vector<16xf32>,
        %broadcast_in_dim3A_309 = arith.constant 15 : i32
        %broadcast_in_dim3A_310 = vector.broadcast %broadcast_in_dim3A_309 : i32 to vector<16xi32>
        %gather3A_311 = tpu.vector_load_idx %arg10[%add3A_146, %broadcast_in_dim3A_310] : memref<1248x16xf32, #tpu.memory_space<vmem>>[vector<16xi32>, vector<16xi32>], vector<16xf32>,
        %swap3A_312 = arith.constant 15 : i32
        %swap3A_313 = arith.constant 0 : i32
        %swap3A_314 = arith.constant 0 : i32
        %swap3A_315 = tpu.memref_slice %arg12[%rem3A_83, %swap3A_313, %swap3A_314] : memref<2x16x1248xf32, #tpu.memory_space<vmem>> -> memref<1x16x1248xf32, #tpu.memory_space<vmem>>
        %swap3A_316 = tpu.memref_squeeze %swap3A_315 : memref<1x16x1248xf32, #tpu.memory_space<vmem>> -> memref<16x1248xf32, #tpu.memory_space<vmem>>
        %swap3A_317 = arith.index_cast %swap3A_312 : i32 to index
        %swap3A_318 = arith.index_cast %mul3A_144 : i32 to index
        %swap3A_319 = tpu.vector_load %swap3A_316[%swap3A_317, %swap3A_318] {strides = array<i32>} : memref<16x1248xf32, #tpu.memory_space<vmem>>, vector<16xf32>,
        tpu.vector_store %swap3A_316[%swap3A_317, %swap3A_318], %gather3A_311 {strides = array<i32>} : memref<16x1248xf32, #tpu.memory_space<vmem>>, vector<16xf32>,
      }
      %scan3A_113 = arith.constant 78 : i32
      %dma_start3A_114 = arith.constant 0 : i32
      %dma_start3A_115 = arith.constant 0 : i32
      %dma_start3A_116 = tpu.memref_slice %arg11[%rem3A_83, %dma_start3A_114, %dma_start3A_115] : memref<2x16x1248xf32, #tpu.memory_space<vmem>> -> memref<1x16x1248xf32, #tpu.memory_space<vmem>>
      %dma_start3A_117 = tpu.memref_squeeze %dma_start3A_116 : memref<1x16x1248xf32, #tpu.memory_space<vmem>> -> memref<16x1248xf32, #tpu.memory_space<vmem>>
      %dma_start3A_118 = arith.constant 0 : i32
      %dma_start3A_119 = tpu.memref_slice %arg5[%dma_start3A_118, %add3A_86] : memref<16x160000xf32, #tpu.memory_space<hbm>> -> memref<16x1248xf32, #tpu.memory_space<hbm>>
      %dma_start3A_120 = tpu.memref_slice %arg20[%rem3A_83] : memref<2x!tpu.dma_semaphore, #tpu.memory_space<semaphore_mem>> -> memref<1x!tpu.dma_semaphore, #tpu.memory_space<semaphore_mem>>
      %dma_start3A_121 = tpu.memref_squeeze %dma_start3A_120 : memref<1x!tpu.dma_semaphore, #tpu.memory_space<semaphore_mem>> -> memref<!tpu.dma_semaphore, #tpu.memory_space<semaphore_mem>>
      %dma_start3A_122 = arith.constant 0 : i32
      %dma_start3A_123 = tpu.memref_slice %arg5[%dma_start3A_122, %add3A_86] : memref<16x160000xf32, #tpu.memory_space<hbm>> -> memref<16x1248xf32, #tpu.memory_space<hbm>>
      %dma_start3A_124 = arith.constant 0 : i32
      %dma_start3A_125 = arith.constant 0 : i32
      %dma_start3A_126 = tpu.memref_slice %arg11[%rem3A_83, %dma_start3A_124, %dma_start3A_125] : memref<2x16x1248xf32, #tpu.memory_space<vmem>> -> memref<1x16x1248xf32, #tpu.memory_space<vmem>>
      %dma_start3A_127 = tpu.memref_squeeze %dma_start3A_126 : memref<1x16x1248xf32, #tpu.memory_space<vmem>> -> memref<16x1248xf32, #tpu.memory_space<vmem>>
      tpu.enqueue_dma source(%dma_start3A_127 : memref<16x1248xf32, #tpu.memory_space<vmem>>) target(%dma_start3A_123 : memref<16x1248xf32, #tpu.memory_space<hbm>>) target_semaphore(%dma_start3A_121 : memref<!tpu.dma_semaphore, #tpu.memory_space<semaphore_mem>>)
      %dma_start3A_128 = arith.constant 0 : i32
      %dma_start3A_129 = arith.constant 0 : i32
      %dma_start3A_130 = tpu.memref_slice %arg12[%rem3A_83, %dma_start3A_128, %dma_start3A_129] : memref<2x16x1248xf32, #tpu.memory_space<vmem>> -> memref<1x16x1248xf32, #tpu.memory_space<vmem>>
      %dma_start3A_131 = tpu.memref_squeeze %dma_start3A_130 : memref<1x16x1248xf32, #tpu.memory_space<vmem>> -> memref<16x1248xf32, #tpu.memory_space<vmem>>
      %dma_start3A_132 = arith.constant 0 : i32
      %dma_start3A_133 = tpu.memref_slice %arg6[%dma_start3A_132, %add3A_86] : memref<16x160000xf32, #tpu.memory_space<hbm>> -> memref<16x1248xf32, #tpu.memory_space<hbm>>
      %dma_start3A_134 = tpu.memref_slice %arg20[%rem3A_83] : memref<2x!tpu.dma_semaphore, #tpu.memory_space<semaphore_mem>> -> memref<1x!tpu.dma_semaphore, #tpu.memory_space<semaphore_mem>>
      %dma_start3A_135 = tpu.memref_squeeze %dma_start3A_134 : memref<1x!tpu.dma_semaphore, #tpu.memory_space<semaphore_mem>> -> memref<!tpu.dma_semaphore, #tpu.memory_space<semaphore_mem>>
      %dma_start3A_136 = arith.constant 0 : i32
      %dma_start3A_137 = tpu.memref_slice %arg6[%dma_start3A_136, %add3A_86] : memref<16x160000xf32, #tpu.memory_space<hbm>> -> memref<16x1248xf32, #tpu.memory_space<hbm>>
      %dma_start3A_138 = arith.constant 0 : i32
      %dma_start3A_139 = arith.constant 0 : i32
      %dma_start3A_140 = tpu.memref_slice %arg12[%rem3A_83, %dma_start3A_138, %dma_start3A_139] : memref<2x16x1248xf32, #tpu.memory_space<vmem>> -> memref<1x16x1248xf32, #tpu.memory_space<vmem>>
      %dma_start3A_141 = tpu.memref_squeeze %dma_start3A_140 : memref<1x16x1248xf32, #tpu.memory_space<vmem>> -> memref<16x1248xf32, #tpu.memory_space<vmem>>
      tpu.enqueue_dma source(%dma_start3A_141 : memref<16x1248xf32, #tpu.memory_space<vmem>>) target(%dma_start3A_137 : memref<16x1248xf32, #tpu.memory_space<hbm>>) target_semaphore(%dma_start3A_135 : memref<!tpu.dma_semaphore, #tpu.memory_space<semaphore_mem>>)
    }
    %scan3A_13 = arith.constant 4 : i32
    %add3A_14 = arith.constant 2496 : i32
    %add3A_15 = arith.addi %select_n3A, %add3A_14 : i32
    %dma_wait3A = arith.constant 0 : i32
    %dma_wait3A_16 = arith.constant 0 : i32
    %dma_wait3A_17 = arith.constant 0 : i32
    %dma_wait3A_18 = arith.constant 0 : i32
    %dma_wait3A_19 = tpu.memref_slice %arg11[%dma_wait3A, %dma_wait3A_17, %dma_wait3A_18] : memref<2x16x1248xf32, #tpu.memory_space<vmem>> -> memref<1x16x1248xf32, #tpu.memory_space<vmem>>
    %dma_wait3A_20 = tpu.memref_squeeze %dma_wait3A_19 : memref<1x16x1248xf32, #tpu.memory_space<vmem>> -> memref<16x1248xf32, #tpu.memory_space<vmem>>
    %dma_wait3A_21 = arith.constant 0 : i32
    %dma_wait3A_22 = tpu.memref_slice %arg5[%dma_wait3A_21, %add3A_15] : memref<16x160000xf32, #tpu.memory_space<hbm>> -> memref<16x1248xf32, #tpu.memory_space<hbm>>
    %dma_wait3A_23 = tpu.memref_slice %arg20[%dma_wait3A_16] : memref<2x!tpu.dma_semaphore, #tpu.memory_space<semaphore_mem>> -> memref<1x!tpu.dma_semaphore, #tpu.memory_space<semaphore_mem>>
    %dma_wait3A_24 = tpu.memref_squeeze %dma_wait3A_23 : memref<1x!tpu.dma_semaphore, #tpu.memory_space<semaphore_mem>> -> memref<!tpu.dma_semaphore, #tpu.memory_space<semaphore_mem>>
    %dma_wait3A_25 = arith.constant 0 : i32
    %dma_wait3A_26 = tpu.memref_slice %arg5[%dma_wait3A_25, %add3A_15] : memref<16x160000xf32, #tpu.memory_space<hbm>> -> memref<16x1248xf32, #tpu.memory_space<hbm>>
    %dma_wait3A_27 = arith.constant 0 : i32
    %dma_wait3A_28 = arith.constant 0 : i32
    %dma_wait3A_29 = tpu.memref_slice %arg11[%dma_wait3A, %dma_wait3A_27, %dma_wait3A_28] : memref<2x16x1248xf32, #tpu.memory_space<vmem>> -> memref<1x16x1248xf32, #tpu.memory_space<vmem>>
    %dma_wait3A_30 = tpu.memref_squeeze %dma_wait3A_29 : memref<1x16x1248xf32, #tpu.memory_space<vmem>> -> memref<16x1248xf32, #tpu.memory_space<vmem>>
    tpu.wait_dma2 semaphore(%dma_wait3A_24 : memref<!tpu.dma_semaphore, #tpu.memory_space<semaphore_mem>>) src(%dma_wait3A_30 : memref<16x1248xf32, #tpu.memory_space<vmem>>) dst(%dma_wait3A_26 : memref<16x1248xf32, #tpu.memory_space<hbm>>)
    %dma_wait3A_31 = arith.constant 0 : i32
    %dma_wait3A_32 = arith.constant 0 : i32
    %dma_wait3A_33 = arith.constant 0 : i32
    %dma_wait3A_34 = arith.constant 0 : i32
    %dma_wait3A_35 = tpu.memref_slice %arg12[%dma_wait3A_31, %dma_wait3A_33, %dma_wait3A_34] : memref<2x16x1248xf32, #tpu.memory_space<vmem>> -> memref<1x16x1248xf32, #tpu.memory_space<vmem>>
    %dma_wait3A_36 = tpu.memref_squeeze %dma_wait3A_35 : memref<1x16x1248xf32, #tpu.memory_space<vmem>> -> memref<16x1248xf32, #tpu.memory_space<vmem>>
    %dma_wait3A_37 = arith.constant 0 : i32
    %dma_wait3A_38 = tpu.memref_slice %arg6[%dma_wait3A_37, %add3A_15] : memref<16x160000xf32, #tpu.memory_space<hbm>> -> memref<16x1248xf32, #tpu.memory_space<hbm>>
    %dma_wait3A_39 = tpu.memref_slice %arg20[%dma_wait3A_32] : memref<2x!tpu.dma_semaphore, #tpu.memory_space<semaphore_mem>> -> memref<1x!tpu.dma_semaphore, #tpu.memory_space<semaphore_mem>>
    %dma_wait3A_40 = tpu.memref_squeeze %dma_wait3A_39 : memref<1x!tpu.dma_semaphore, #tpu.memory_space<semaphore_mem>> -> memref<!tpu.dma_semaphore, #tpu.memory_space<semaphore_mem>>
    %dma_wait3A_41 = arith.constant 0 : i32
    %dma_wait3A_42 = tpu.memref_slice %arg6[%dma_wait3A_41, %add3A_15] : memref<16x160000xf32, #tpu.memory_space<hbm>> -> memref<16x1248xf32, #tpu.memory_space<hbm>>
    %dma_wait3A_43 = arith.constant 0 : i32
    %dma_wait3A_44 = arith.constant 0 : i32
    %dma_wait3A_45 = tpu.memref_slice %arg12[%dma_wait3A_31, %dma_wait3A_43, %dma_wait3A_44] : memref<2x16x1248xf32, #tpu.memory_space<vmem>> -> memref<1x16x1248xf32, #tpu.memory_space<vmem>>
    %dma_wait3A_46 = tpu.memref_squeeze %dma_wait3A_45 : memref<1x16x1248xf32, #tpu.memory_space<vmem>> -> memref<16x1248xf32, #tpu.memory_space<vmem>>
    tpu.wait_dma2 semaphore(%dma_wait3A_40 : memref<!tpu.dma_semaphore, #tpu.memory_space<semaphore_mem>>) src(%dma_wait3A_46 : memref<16x1248xf32, #tpu.memory_space<vmem>>) dst(%dma_wait3A_42 : memref<16x1248xf32, #tpu.memory_space<hbm>>)
    %add3A_47 = arith.constant 3744 : i32
    %add3A_48 = arith.addi %select_n3A, %add3A_47 : i32
    %dma_wait3A_49 = arith.constant 1 : i32
    %dma_wait3A_50 = arith.constant 1 : i32
    %dma_wait3A_51 = arith.constant 0 : i32
    %dma_wait3A_52 = arith.constant 0 : i32
    %dma_wait3A_53 = tpu.memref_slice %arg11[%dma_wait3A_49, %dma_wait3A_51, %dma_wait3A_52] : memref<2x16x1248xf32, #tpu.memory_space<vmem>> -> memref<1x16x1248xf32, #tpu.memory_space<vmem>>
    %dma_wait3A_54 = tpu.memref_squeeze %dma_wait3A_53 : memref<1x16x1248xf32, #tpu.memory_space<vmem>> -> memref<16x1248xf32, #tpu.memory_space<vmem>>
    %dma_wait3A_55 = arith.constant 0 : i32
    %dma_wait3A_56 = tpu.memref_slice %arg5[%dma_wait3A_55, %add3A_48] : memref<16x160000xf32, #tpu.memory_space<hbm>> -> memref<16x1248xf32, #tpu.memory_space<hbm>>
    %dma_wait3A_57 = tpu.memref_slice %arg20[%dma_wait3A_50] : memref<2x!tpu.dma_semaphore, #tpu.memory_space<semaphore_mem>> -> memref<1x!tpu.dma_semaphore, #tpu.memory_space<semaphore_mem>>
    %dma_wait3A_58 = tpu.memref_squeeze %dma_wait3A_57 : memref<1x!tpu.dma_semaphore, #tpu.memory_space<semaphore_mem>> -> memref<!tpu.dma_semaphore, #tpu.memory_space<semaphore_mem>>
    %dma_wait3A_59 = arith.constant 0 : i32
    %dma_wait3A_60 = tpu.memref_slice %arg5[%dma_wait3A_59, %add3A_48] : memref<16x160000xf32, #tpu.memory_space<hbm>> -> memref<16x1248xf32, #tpu.memory_space<hbm>>
    %dma_wait3A_61 = arith.constant 0 : i32
    %dma_wait3A_62 = arith.constant 0 : i32
    %dma_wait3A_63 = tpu.memref_slice %arg11[%dma_wait3A_49, %dma_wait3A_61, %dma_wait3A_62] : memref<2x16x1248xf32, #tpu.memory_space<vmem>> -> memref<1x16x1248xf32, #tpu.memory_space<vmem>>
    %dma_wait3A_64 = tpu.memref_squeeze %dma_wait3A_63 : memref<1x16x1248xf32, #tpu.memory_space<vmem>> -> memref<16x1248xf32, #tpu.memory_space<vmem>>
    tpu.wait_dma2 semaphore(%dma_wait3A_58 : memref<!tpu.dma_semaphore, #tpu.memory_space<semaphore_mem>>) src(%dma_wait3A_64 : memref<16x1248xf32, #tpu.memory_space<vmem>>) dst(%dma_wait3A_60 : memref<16x1248xf32, #tpu.memory_space<hbm>>)
    %dma_wait3A_65 = arith.constant 1 : i32
    %dma_wait3A_66 = arith.constant 1 : i32
    %dma_wait3A_67 = arith.constant 0 : i32
    %dma_wait3A_68 = arith.constant 0 : i32
    %dma_wait3A_69 = tpu.memref_slice %arg12[%dma_wait3A_65, %dma_wait3A_67, %dma_wait3A_68] : memref<2x16x1248xf32, #tpu.memory_space<vmem>> -> memref<1x16x1248xf32, #tpu.memory_space<vmem>>
    %dma_wait3A_70 = tpu.memref_squeeze %dma_wait3A_69 : memref<1x16x1248xf32, #tpu.memory_space<vmem>> -> memref<16x1248xf32, #tpu.memory_space<vmem>>
    %dma_wait3A_71 = arith.constant 0 : i32
    %dma_wait3A_72 = tpu.memref_slice %arg6[%dma_wait3A_71, %add3A_48] : memref<16x160000xf32, #tpu.memory_space<hbm>> -> memref<16x1248xf32, #tpu.memory_space<hbm>>
    %dma_wait3A_73 = tpu.memref_slice %arg20[%dma_wait3A_66] : memref<2x!tpu.dma_semaphore, #tpu.memory_space<semaphore_mem>> -> memref<1x!tpu.dma_semaphore, #tpu.memory_space<semaphore_mem>>
    %dma_wait3A_74 = tpu.memref_squeeze %dma_wait3A_73 : memref<1x!tpu.dma_semaphore, #tpu.memory_space<semaphore_mem>> -> memref<!tpu.dma_semaphore, #tpu.memory_space<semaphore_mem>>
    %dma_wait3A_75 = arith.constant 0 : i32
    %dma_wait3A_76 = tpu.memref_slice %arg6[%dma_wait3A_75, %add3A_48] : memref<16x160000xf32, #tpu.memory_space<hbm>> -> memref<16x1248xf32, #tpu.memory_space<hbm>>
    %dma_wait3A_77 = arith.constant 0 : i32
    %dma_wait3A_78 = arith.constant 0 : i32
    %dma_wait3A_79 = tpu.memref_slice %arg12[%dma_wait3A_65, %dma_wait3A_77, %dma_wait3A_78] : memref<2x16x1248xf32, #tpu.memory_space<vmem>> -> memref<1x16x1248xf32, #tpu.memory_space<vmem>>
    %dma_wait3A_80 = tpu.memref_squeeze %dma_wait3A_79 : memref<1x16x1248xf32, #tpu.memory_space<vmem>> -> memref<16x1248xf32, #tpu.memory_space<vmem>>
    tpu.wait_dma2 semaphore(%dma_wait3A_74 : memref<!tpu.dma_semaphore, #tpu.memory_space<semaphore_mem>>) src(%dma_wait3A_80 : memref<16x1248xf32, #tpu.memory_space<vmem>>) dst(%dma_wait3A_76 : memref<16x1248xf32, #tpu.memory_space<hbm>>)
    %convert_element_type3A = arith.extui %lt3A_1 : i1 to i32
    %cond3A = arith.constant 0 : i32
    %cond3A_81 = arith.cmpi ne, %convert_element_type3A, %cond3A : i32
    scf.if %cond3A_81 {
      %add3A_82 = arith.constant 4992 : i32
      %add3A_83 = arith.addi %select_n3A, %add3A_82 : i32
      "tpu.region"() ({
        %run_scoped3A = tpu.sem_alloc : memref<!tpu.dma_semaphore, #tpu.memory_space<semaphore_mem>>
        %dma_start3A_331 = tpu.memref_slice %arg3[%add3A_83] : memref<160000xi32, #tpu.memory_space<hbm>> -> memref<16xi32, #tpu.memory_space<hbm>>
        %dma_start3A_332 = tpu.memref_slice %arg3[%add3A_83] : memref<160000xi32, #tpu.memory_space<hbm>> -> memref<16xi32, #tpu.memory_space<hbm>>
        tpu.enqueue_dma source(%dma_start3A_332 : memref<16xi32, #tpu.memory_space<hbm>>) target(%arg13 : memref<16xi32, #tpu.memory_space<vmem>>) target_semaphore(%run_scoped3A : memref<!tpu.dma_semaphore, #tpu.memory_space<semaphore_mem>>)
        %dma_wait3A_333 = tpu.memref_slice %arg3[%add3A_83] : memref<160000xi32, #tpu.memory_space<hbm>> -> memref<16xi32, #tpu.memory_space<hbm>>
        %dma_wait3A_334 = tpu.memref_slice %arg3[%add3A_83] : memref<160000xi32, #tpu.memory_space<hbm>> -> memref<16xi32, #tpu.memory_space<hbm>>
        tpu.wait_dma2 semaphore(%run_scoped3A : memref<!tpu.dma_semaphore, #tpu.memory_space<semaphore_mem>>) src(%dma_wait3A_334 : memref<16xi32, #tpu.memory_space<hbm>>) dst(%arg13 : memref<16xi32, #tpu.memory_space<vmem>>)
        tpu.yield
      }) : () -> ()
      "tpu.region"() ({
        %run_scoped3A = tpu.sem_alloc : memref<!tpu.dma_semaphore, #tpu.memory_space<semaphore_mem>>
        %dma_start3A_331 = tpu.memref_slice %arg4[%add3A_83] : memref<160000xi32, #tpu.memory_space<hbm>> -> memref<16xi32, #tpu.memory_space<hbm>>
        %dma_start3A_332 = tpu.memref_slice %arg4[%add3A_83] : memref<160000xi32, #tpu.memory_space<hbm>> -> memref<16xi32, #tpu.memory_space<hbm>>
        tpu.enqueue_dma source(%dma_start3A_332 : memref<16xi32, #tpu.memory_space<hbm>>) target(%arg14 : memref<16xi32, #tpu.memory_space<vmem>>) target_semaphore(%run_scoped3A : memref<!tpu.dma_semaphore, #tpu.memory_space<semaphore_mem>>)
        %dma_wait3A_333 = tpu.memref_slice %arg4[%add3A_83] : memref<160000xi32, #tpu.memory_space<hbm>> -> memref<16xi32, #tpu.memory_space<hbm>>
        %dma_wait3A_334 = tpu.memref_slice %arg4[%add3A_83] : memref<160000xi32, #tpu.memory_space<hbm>> -> memref<16xi32, #tpu.memory_space<hbm>>
        tpu.wait_dma2 semaphore(%run_scoped3A : memref<!tpu.dma_semaphore, #tpu.memory_space<semaphore_mem>>) src(%dma_wait3A_334 : memref<16xi32, #tpu.memory_space<hbm>>) dst(%arg14 : memref<16xi32, #tpu.memory_space<vmem>>)
        tpu.yield
      }) : () -> ()
      %dma_start3A = arith.constant 0 : i32
      %dma_start3A_84 = arith.constant 0 : i32
      %dma_start3A_85 = tpu.memref_slice %arg2[%dma_start3A, %dma_start3A_84] : memref<10000x16xf32, #tpu.memory_space<hbm>> -> memref<10000x16xf32, #tpu.memory_space<hbm>>
      tpu.enqueue_indirect_dma source(%dma_start3A_85 : memref<10000x16xf32, #tpu.memory_space<hbm>>) target(%arg15 : memref<16x16xf32, #tpu.memory_space<vmem>>) offsets(%arg13 : memref<16xi32, #tpu.memory_space<vmem>>) semaphore(%arg19 : memref<!tpu.dma_semaphore, #tpu.memory_space<semaphore_mem>>)
      %dma_start3A_86 = arith.constant 0 : i32
      %dma_start3A_87 = arith.constant 0 : i32
      %dma_start3A_88 = tpu.memref_slice %arg2[%dma_start3A_86, %dma_start3A_87] : memref<10000x16xf32, #tpu.memory_space<hbm>> -> memref<10000x16xf32, #tpu.memory_space<hbm>>
      tpu.enqueue_indirect_dma source(%dma_start3A_88 : memref<10000x16xf32, #tpu.memory_space<hbm>>) target(%arg16 : memref<16x16xf32, #tpu.memory_space<vmem>>) offsets(%arg14 : memref<16xi32, #tpu.memory_space<vmem>>) semaphore(%arg19 : memref<!tpu.dma_semaphore, #tpu.memory_space<semaphore_mem>>)
      %dma_wait3A_89 = arith.constant 0 : i32
      %dma_wait3A_90 = arith.constant 0 : i32
      %dma_wait3A_91 = tpu.memref_slice %arg2[%dma_wait3A_89, %dma_wait3A_90] : memref<10000x16xf32, #tpu.memory_space<hbm>> -> memref<10000x16xf32, #tpu.memory_space<hbm>>
      tpu.wait_indirect_dma semaphore(%arg19 : memref<!tpu.dma_semaphore, #tpu.memory_space<semaphore_mem>>) src(%dma_wait3A_91 : memref<10000x16xf32, #tpu.memory_space<hbm>>) dst(%arg15 : memref<16x16xf32, #tpu.memory_space<vmem>>)
      %dma_wait3A_92 = arith.constant 0 : i32
      %dma_wait3A_93 = arith.constant 0 : i32
      %dma_wait3A_94 = tpu.memref_slice %arg2[%dma_wait3A_92, %dma_wait3A_93] : memref<10000x16xf32, #tpu.memory_space<hbm>> -> memref<10000x16xf32, #tpu.memory_space<hbm>>
      tpu.wait_indirect_dma semaphore(%arg19 : memref<!tpu.dma_semaphore, #tpu.memory_space<semaphore_mem>>) src(%dma_wait3A_94 : memref<10000x16xf32, #tpu.memory_space<hbm>>) dst(%arg16 : memref<16x16xf32, #tpu.memory_space<vmem>>)
      %scan3A_95 = arith.constant 0 : i32
      %scan3A_96 = arith.constant 0 : i32
      %mul3A_97 = arith.constant 16 : i32
      %mul3A_98 = arith.muli %scan3A_96, %mul3A_97 : i32
      %iota3A = tpu.iota {dimensions = array<i32: 0>} : vector<16xi32>
      %add3A_99 = vector.broadcast %mul3A_98 : i32 to vector<16xi32>
      %add3A_100 = arith.addi %add3A_99, %iota3A : vector<16xi32>
      %broadcast_in_dim3A = arith.constant 0 : i32
      %broadcast_in_dim3A_101 = vector.broadcast %broadcast_in_dim3A : i32 to vector<16xi32>
      %gather3A = tpu.vector_load_idx %arg15[%add3A_100, %broadcast_in_dim3A_101] : memref<16x16xf32, #tpu.memory_space<vmem>>[vector<16xi32>, vector<16xi32>], vector<16xf32>,
      %swap3A = arith.constant 0 : i32
      %swap3A_102 = arith.index_cast %swap3A : i32 to index
      %swap3A_103 = arith.index_cast %mul3A_98 : i32 to index
      %swap3A_104 = tpu.vector_load %arg17[%swap3A_102, %swap3A_103] {strides = array<i32>} : memref<16x16xf32, #tpu.memory_space<vmem>>, vector<16xf32>,
      tpu.vector_store %arg17[%swap3A_102, %swap3A_103], %gather3A {strides = array<i32>} : memref<16x16xf32, #tpu.memory_space<vmem>>, vector<16xf32>,
      %broadcast_in_dim3A_105 = arith.constant 1 : i32
      %broadcast_in_dim3A_106 = vector.broadcast %broadcast_in_dim3A_105 : i32 to vector<16xi32>
      %gather3A_107 = tpu.vector_load_idx %arg15[%add3A_100, %broadcast_in_dim3A_106] : memref<16x16xf32, #tpu.memory_space<vmem>>[vector<16xi32>, vector<16xi32>], vector<16xf32>,
      %swap3A_108 = arith.constant 1 : i32
      %swap3A_109 = arith.index_cast %swap3A_108 : i32 to index
      %swap3A_110 = arith.index_cast %mul3A_98 : i32 to index
      %swap3A_111 = tpu.vector_load %arg17[%swap3A_109, %swap3A_110] {strides = array<i32>} : memref<16x16xf32, #tpu.memory_space<vmem>>, vector<16xf32>,
      tpu.vector_store %arg17[%swap3A_109, %swap3A_110], %gather3A_107 {strides = array<i32>} : memref<16x16xf32, #tpu.memory_space<vmem>>, vector<16xf32>,
      %broadcast_in_dim3A_112 = arith.constant 2 : i32
      %broadcast_in_dim3A_113 = vector.broadcast %broadcast_in_dim3A_112 : i32 to vector<16xi32>
      %gather3A_114 = tpu.vector_load_idx %arg15[%add3A_100, %broadcast_in_dim3A_113] : memref<16x16xf32, #tpu.memory_space<vmem>>[vector<16xi32>, vector<16xi32>], vector<16xf32>,
      %swap3A_115 = arith.constant 2 : i32
      %swap3A_116 = arith.index_cast %swap3A_115 : i32 to index
      %swap3A_117 = arith.index_cast %mul3A_98 : i32 to index
      %swap3A_118 = tpu.vector_load %arg17[%swap3A_116, %swap3A_117] {strides = array<i32>} : memref<16x16xf32, #tpu.memory_space<vmem>>, vector<16xf32>,
      tpu.vector_store %arg17[%swap3A_116, %swap3A_117], %gather3A_114 {strides = array<i32>} : memref<16x16xf32, #tpu.memory_space<vmem>>, vector<16xf32>,
      %broadcast_in_dim3A_119 = arith.constant 3 : i32
      %broadcast_in_dim3A_120 = vector.broadcast %broadcast_in_dim3A_119 : i32 to vector<16xi32>
      %gather3A_121 = tpu.vector_load_idx %arg15[%add3A_100, %broadcast_in_dim3A_120] : memref<16x16xf32, #tpu.memory_space<vmem>>[vector<16xi32>, vector<16xi32>], vector<16xf32>,
      %swap3A_122 = arith.constant 3 : i32
      %swap3A_123 = arith.index_cast %swap3A_122 : i32 to index
      %swap3A_124 = arith.index_cast %mul3A_98 : i32 to index
      %swap3A_125 = tpu.vector_load %arg17[%swap3A_123, %swap3A_124] {strides = array<i32>} : memref<16x16xf32, #tpu.memory_space<vmem>>, vector<16xf32>,
      tpu.vector_store %arg17[%swap3A_123, %swap3A_124], %gather3A_121 {strides = array<i32>} : memref<16x16xf32, #tpu.memory_space<vmem>>, vector<16xf32>,
      %broadcast_in_dim3A_126 = arith.constant 4 : i32
      %broadcast_in_dim3A_127 = vector.broadcast %broadcast_in_dim3A_126 : i32 to vector<16xi32>
      %gather3A_128 = tpu.vector_load_idx %arg15[%add3A_100, %broadcast_in_dim3A_127] : memref<16x16xf32, #tpu.memory_space<vmem>>[vector<16xi32>, vector<16xi32>], vector<16xf32>,
      %swap3A_129 = arith.constant 4 : i32
      %swap3A_130 = arith.index_cast %swap3A_129 : i32 to index
      %swap3A_131 = arith.index_cast %mul3A_98 : i32 to index
      %swap3A_132 = tpu.vector_load %arg17[%swap3A_130, %swap3A_131] {strides = array<i32>} : memref<16x16xf32, #tpu.memory_space<vmem>>, vector<16xf32>,
      tpu.vector_store %arg17[%swap3A_130, %swap3A_131], %gather3A_128 {strides = array<i32>} : memref<16x16xf32, #tpu.memory_space<vmem>>, vector<16xf32>,
      %broadcast_in_dim3A_133 = arith.constant 5 : i32
      %broadcast_in_dim3A_134 = vector.broadcast %broadcast_in_dim3A_133 : i32 to vector<16xi32>
      %gather3A_135 = tpu.vector_load_idx %arg15[%add3A_100, %broadcast_in_dim3A_134] : memref<16x16xf32, #tpu.memory_space<vmem>>[vector<16xi32>, vector<16xi32>], vector<16xf32>,
      %swap3A_136 = arith.constant 5 : i32
      %swap3A_137 = arith.index_cast %swap3A_136 : i32 to index
      %swap3A_138 = arith.index_cast %mul3A_98 : i32 to index
      %swap3A_139 = tpu.vector_load %arg17[%swap3A_137, %swap3A_138] {strides = array<i32>} : memref<16x16xf32, #tpu.memory_space<vmem>>, vector<16xf32>,
      tpu.vector_store %arg17[%swap3A_137, %swap3A_138], %gather3A_135 {strides = array<i32>} : memref<16x16xf32, #tpu.memory_space<vmem>>, vector<16xf32>,
      %broadcast_in_dim3A_140 = arith.constant 6 : i32
      %broadcast_in_dim3A_141 = vector.broadcast %broadcast_in_dim3A_140 : i32 to vector<16xi32>
      %gather3A_142 = tpu.vector_load_idx %arg15[%add3A_100, %broadcast_in_dim3A_141] : memref<16x16xf32, #tpu.memory_space<vmem>>[vector<16xi32>, vector<16xi32>], vector<16xf32>,
      %swap3A_143 = arith.constant 6 : i32
      %swap3A_144 = arith.index_cast %swap3A_143 : i32 to index
      %swap3A_145 = arith.index_cast %mul3A_98 : i32 to index
      %swap3A_146 = tpu.vector_load %arg17[%swap3A_144, %swap3A_145] {strides = array<i32>} : memref<16x16xf32, #tpu.memory_space<vmem>>, vector<16xf32>,
      tpu.vector_store %arg17[%swap3A_144, %swap3A_145], %gather3A_142 {strides = array<i32>} : memref<16x16xf32, #tpu.memory_space<vmem>>, vector<16xf32>,
      %broadcast_in_dim3A_147 = arith.constant 7 : i32
      %broadcast_in_dim3A_148 = vector.broadcast %broadcast_in_dim3A_147 : i32 to vector<16xi32>
      %gather3A_149 = tpu.vector_load_idx %arg15[%add3A_100, %broadcast_in_dim3A_148] : memref<16x16xf32, #tpu.memory_space<vmem>>[vector<16xi32>, vector<16xi32>], vector<16xf32>,
      %swap3A_150 = arith.constant 7 : i32
      %swap3A_151 = arith.index_cast %swap3A_150 : i32 to index
      %swap3A_152 = arith.index_cast %mul3A_98 : i32 to index
      %swap3A_153 = tpu.vector_load %arg17[%swap3A_151, %swap3A_152] {strides = array<i32>} : memref<16x16xf32, #tpu.memory_space<vmem>>, vector<16xf32>,
      tpu.vector_store %arg17[%swap3A_151, %swap3A_152], %gather3A_149 {strides = array<i32>} : memref<16x16xf32, #tpu.memory_space<vmem>>, vector<16xf32>,
      %broadcast_in_dim3A_154 = arith.constant 8 : i32
      %broadcast_in_dim3A_155 = vector.broadcast %broadcast_in_dim3A_154 : i32 to vector<16xi32>
      %gather3A_156 = tpu.vector_load_idx %arg15[%add3A_100, %broadcast_in_dim3A_155] : memref<16x16xf32, #tpu.memory_space<vmem>>[vector<16xi32>, vector<16xi32>], vector<16xf32>,
      %swap3A_157 = arith.constant 8 : i32
      %swap3A_158 = arith.index_cast %swap3A_157 : i32 to index
      %swap3A_159 = arith.index_cast %mul3A_98 : i32 to index
      %swap3A_160 = tpu.vector_load %arg17[%swap3A_158, %swap3A_159] {strides = array<i32>} : memref<16x16xf32, #tpu.memory_space<vmem>>, vector<16xf32>,
      tpu.vector_store %arg17[%swap3A_158, %swap3A_159], %gather3A_156 {strides = array<i32>} : memref<16x16xf32, #tpu.memory_space<vmem>>, vector<16xf32>,
      %broadcast_in_dim3A_161 = arith.constant 9 : i32
      %broadcast_in_dim3A_162 = vector.broadcast %broadcast_in_dim3A_161 : i32 to vector<16xi32>
      %gather3A_163 = tpu.vector_load_idx %arg15[%add3A_100, %broadcast_in_dim3A_162] : memref<16x16xf32, #tpu.memory_space<vmem>>[vector<16xi32>, vector<16xi32>], vector<16xf32>,
      %swap3A_164 = arith.constant 9 : i32
      %swap3A_165 = arith.index_cast %swap3A_164 : i32 to index
      %swap3A_166 = arith.index_cast %mul3A_98 : i32 to index
      %swap3A_167 = tpu.vector_load %arg17[%swap3A_165, %swap3A_166] {strides = array<i32>} : memref<16x16xf32, #tpu.memory_space<vmem>>, vector<16xf32>,
      tpu.vector_store %arg17[%swap3A_165, %swap3A_166], %gather3A_163 {strides = array<i32>} : memref<16x16xf32, #tpu.memory_space<vmem>>, vector<16xf32>,
      %broadcast_in_dim3A_168 = arith.constant 10 : i32
      %broadcast_in_dim3A_169 = vector.broadcast %broadcast_in_dim3A_168 : i32 to vector<16xi32>
      %gather3A_170 = tpu.vector_load_idx %arg15[%add3A_100, %broadcast_in_dim3A_169] : memref<16x16xf32, #tpu.memory_space<vmem>>[vector<16xi32>, vector<16xi32>], vector<16xf32>,
      %swap3A_171 = arith.constant 10 : i32
      %swap3A_172 = arith.index_cast %swap3A_171 : i32 to index
      %swap3A_173 = arith.index_cast %mul3A_98 : i32 to index
      %swap3A_174 = tpu.vector_load %arg17[%swap3A_172, %swap3A_173] {strides = array<i32>} : memref<16x16xf32, #tpu.memory_space<vmem>>, vector<16xf32>,
      tpu.vector_store %arg17[%swap3A_172, %swap3A_173], %gather3A_170 {strides = array<i32>} : memref<16x16xf32, #tpu.memory_space<vmem>>, vector<16xf32>,
      %broadcast_in_dim3A_175 = arith.constant 11 : i32
      %broadcast_in_dim3A_176 = vector.broadcast %broadcast_in_dim3A_175 : i32 to vector<16xi32>
      %gather3A_177 = tpu.vector_load_idx %arg15[%add3A_100, %broadcast_in_dim3A_176] : memref<16x16xf32, #tpu.memory_space<vmem>>[vector<16xi32>, vector<16xi32>], vector<16xf32>,
      %swap3A_178 = arith.constant 11 : i32
      %swap3A_179 = arith.index_cast %swap3A_178 : i32 to index
      %swap3A_180 = arith.index_cast %mul3A_98 : i32 to index
      %swap3A_181 = tpu.vector_load %arg17[%swap3A_179, %swap3A_180] {strides = array<i32>} : memref<16x16xf32, #tpu.memory_space<vmem>>, vector<16xf32>,
      tpu.vector_store %arg17[%swap3A_179, %swap3A_180], %gather3A_177 {strides = array<i32>} : memref<16x16xf32, #tpu.memory_space<vmem>>, vector<16xf32>,
      %broadcast_in_dim3A_182 = arith.constant 12 : i32
      %broadcast_in_dim3A_183 = vector.broadcast %broadcast_in_dim3A_182 : i32 to vector<16xi32>
      %gather3A_184 = tpu.vector_load_idx %arg15[%add3A_100, %broadcast_in_dim3A_183] : memref<16x16xf32, #tpu.memory_space<vmem>>[vector<16xi32>, vector<16xi32>], vector<16xf32>,
      %swap3A_185 = arith.constant 12 : i32
      %swap3A_186 = arith.index_cast %swap3A_185 : i32 to index
      %swap3A_187 = arith.index_cast %mul3A_98 : i32 to index
      %swap3A_188 = tpu.vector_load %arg17[%swap3A_186, %swap3A_187] {strides = array<i32>} : memref<16x16xf32, #tpu.memory_space<vmem>>, vector<16xf32>,
      tpu.vector_store %arg17[%swap3A_186, %swap3A_187], %gather3A_184 {strides = array<i32>} : memref<16x16xf32, #tpu.memory_space<vmem>>, vector<16xf32>,
      %broadcast_in_dim3A_189 = arith.constant 13 : i32
      %broadcast_in_dim3A_190 = vector.broadcast %broadcast_in_dim3A_189 : i32 to vector<16xi32>
      %gather3A_191 = tpu.vector_load_idx %arg15[%add3A_100, %broadcast_in_dim3A_190] : memref<16x16xf32, #tpu.memory_space<vmem>>[vector<16xi32>, vector<16xi32>], vector<16xf32>,
      %swap3A_192 = arith.constant 13 : i32
      %swap3A_193 = arith.index_cast %swap3A_192 : i32 to index
      %swap3A_194 = arith.index_cast %mul3A_98 : i32 to index
      %swap3A_195 = tpu.vector_load %arg17[%swap3A_193, %swap3A_194] {strides = array<i32>} : memref<16x16xf32, #tpu.memory_space<vmem>>, vector<16xf32>,
      tpu.vector_store %arg17[%swap3A_193, %swap3A_194], %gather3A_191 {strides = array<i32>} : memref<16x16xf32, #tpu.memory_space<vmem>>, vector<16xf32>,
      %broadcast_in_dim3A_196 = arith.constant 14 : i32
      %broadcast_in_dim3A_197 = vector.broadcast %broadcast_in_dim3A_196 : i32 to vector<16xi32>
      %gather3A_198 = tpu.vector_load_idx %arg15[%add3A_100, %broadcast_in_dim3A_197] : memref<16x16xf32, #tpu.memory_space<vmem>>[vector<16xi32>, vector<16xi32>], vector<16xf32>,
      %swap3A_199 = arith.constant 14 : i32
      %swap3A_200 = arith.index_cast %swap3A_199 : i32 to index
      %swap3A_201 = arith.index_cast %mul3A_98 : i32 to index
      %swap3A_202 = tpu.vector_load %arg17[%swap3A_200, %swap3A_201] {strides = array<i32>} : memref<16x16xf32, #tpu.memory_space<vmem>>, vector<16xf32>,
      tpu.vector_store %arg17[%swap3A_200, %swap3A_201], %gather3A_198 {strides = array<i32>} : memref<16x16xf32, #tpu.memory_space<vmem>>, vector<16xf32>,
      %broadcast_in_dim3A_203 = arith.constant 15 : i32
      %broadcast_in_dim3A_204 = vector.broadcast %broadcast_in_dim3A_203 : i32 to vector<16xi32>
      %gather3A_205 = tpu.vector_load_idx %arg15[%add3A_100, %broadcast_in_dim3A_204] : memref<16x16xf32, #tpu.memory_space<vmem>>[vector<16xi32>, vector<16xi32>], vector<16xf32>,
      %swap3A_206 = arith.constant 15 : i32
      %swap3A_207 = arith.index_cast %swap3A_206 : i32 to index
      %swap3A_208 = arith.index_cast %mul3A_98 : i32 to index
      %swap3A_209 = tpu.vector_load %arg17[%swap3A_207, %swap3A_208] {strides = array<i32>} : memref<16x16xf32, #tpu.memory_space<vmem>>, vector<16xf32>,
      tpu.vector_store %arg17[%swap3A_207, %swap3A_208], %gather3A_205 {strides = array<i32>} : memref<16x16xf32, #tpu.memory_space<vmem>>, vector<16xf32>,
      %scan3A_210 = arith.constant 1 : i32
      %scan3A_211 = arith.constant 0 : i32
      %scan3A_212 = arith.constant 0 : i32
      %mul3A_213 = arith.constant 16 : i32
      %mul3A_214 = arith.muli %scan3A_212, %mul3A_213 : i32
      %iota3A_215 = tpu.iota {dimensions = array<i32: 0>} : vector<16xi32>
      %add3A_216 = vector.broadcast %mul3A_214 : i32 to vector<16xi32>
      %add3A_217 = arith.addi %add3A_216, %iota3A_215 : vector<16xi32>
      %broadcast_in_dim3A_218 = arith.constant 0 : i32
      %broadcast_in_dim3A_219 = vector.broadcast %broadcast_in_dim3A_218 : i32 to vector<16xi32>
      %gather3A_220 = tpu.vector_load_idx %arg16[%add3A_217, %broadcast_in_dim3A_219] : memref<16x16xf32, #tpu.memory_space<vmem>>[vector<16xi32>, vector<16xi32>], vector<16xf32>,
      %swap3A_221 = arith.constant 0 : i32
      %swap3A_222 = arith.index_cast %swap3A_221 : i32 to index
      %swap3A_223 = arith.index_cast %mul3A_214 : i32 to index
      %swap3A_224 = tpu.vector_load %arg18[%swap3A_222, %swap3A_223] {strides = array<i32>} : memref<16x16xf32, #tpu.memory_space<vmem>>, vector<16xf32>,
      tpu.vector_store %arg18[%swap3A_222, %swap3A_223], %gather3A_220 {strides = array<i32>} : memref<16x16xf32, #tpu.memory_space<vmem>>, vector<16xf32>,
      %broadcast_in_dim3A_225 = arith.constant 1 : i32
      %broadcast_in_dim3A_226 = vector.broadcast %broadcast_in_dim3A_225 : i32 to vector<16xi32>
      %gather3A_227 = tpu.vector_load_idx %arg16[%add3A_217, %broadcast_in_dim3A_226] : memref<16x16xf32, #tpu.memory_space<vmem>>[vector<16xi32>, vector<16xi32>], vector<16xf32>,
      %swap3A_228 = arith.constant 1 : i32
      %swap3A_229 = arith.index_cast %swap3A_228 : i32 to index
      %swap3A_230 = arith.index_cast %mul3A_214 : i32 to index
      %swap3A_231 = tpu.vector_load %arg18[%swap3A_229, %swap3A_230] {strides = array<i32>} : memref<16x16xf32, #tpu.memory_space<vmem>>, vector<16xf32>,
      tpu.vector_store %arg18[%swap3A_229, %swap3A_230], %gather3A_227 {strides = array<i32>} : memref<16x16xf32, #tpu.memory_space<vmem>>, vector<16xf32>,
      %broadcast_in_dim3A_232 = arith.constant 2 : i32
      %broadcast_in_dim3A_233 = vector.broadcast %broadcast_in_dim3A_232 : i32 to vector<16xi32>
      %gather3A_234 = tpu.vector_load_idx %arg16[%add3A_217, %broadcast_in_dim3A_233] : memref<16x16xf32, #tpu.memory_space<vmem>>[vector<16xi32>, vector<16xi32>], vector<16xf32>,
      %swap3A_235 = arith.constant 2 : i32
      %swap3A_236 = arith.index_cast %swap3A_235 : i32 to index
      %swap3A_237 = arith.index_cast %mul3A_214 : i32 to index
      %swap3A_238 = tpu.vector_load %arg18[%swap3A_236, %swap3A_237] {strides = array<i32>} : memref<16x16xf32, #tpu.memory_space<vmem>>, vector<16xf32>,
      tpu.vector_store %arg18[%swap3A_236, %swap3A_237], %gather3A_234 {strides = array<i32>} : memref<16x16xf32, #tpu.memory_space<vmem>>, vector<16xf32>,
      %broadcast_in_dim3A_239 = arith.constant 3 : i32
      %broadcast_in_dim3A_240 = vector.broadcast %broadcast_in_dim3A_239 : i32 to vector<16xi32>
      %gather3A_241 = tpu.vector_load_idx %arg16[%add3A_217, %broadcast_in_dim3A_240] : memref<16x16xf32, #tpu.memory_space<vmem>>[vector<16xi32>, vector<16xi32>], vector<16xf32>,
      %swap3A_242 = arith.constant 3 : i32
      %swap3A_243 = arith.index_cast %swap3A_242 : i32 to index
      %swap3A_244 = arith.index_cast %mul3A_214 : i32 to index
      %swap3A_245 = tpu.vector_load %arg18[%swap3A_243, %swap3A_244] {strides = array<i32>} : memref<16x16xf32, #tpu.memory_space<vmem>>, vector<16xf32>,
      tpu.vector_store %arg18[%swap3A_243, %swap3A_244], %gather3A_241 {strides = array<i32>} : memref<16x16xf32, #tpu.memory_space<vmem>>, vector<16xf32>,
      %broadcast_in_dim3A_246 = arith.constant 4 : i32
      %broadcast_in_dim3A_247 = vector.broadcast %broadcast_in_dim3A_246 : i32 to vector<16xi32>
      %gather3A_248 = tpu.vector_load_idx %arg16[%add3A_217, %broadcast_in_dim3A_247] : memref<16x16xf32, #tpu.memory_space<vmem>>[vector<16xi32>, vector<16xi32>], vector<16xf32>,
      %swap3A_249 = arith.constant 4 : i32
      %swap3A_250 = arith.index_cast %swap3A_249 : i32 to index
      %swap3A_251 = arith.index_cast %mul3A_214 : i32 to index
      %swap3A_252 = tpu.vector_load %arg18[%swap3A_250, %swap3A_251] {strides = array<i32>} : memref<16x16xf32, #tpu.memory_space<vmem>>, vector<16xf32>,
      tpu.vector_store %arg18[%swap3A_250, %swap3A_251], %gather3A_248 {strides = array<i32>} : memref<16x16xf32, #tpu.memory_space<vmem>>, vector<16xf32>,
      %broadcast_in_dim3A_253 = arith.constant 5 : i32
      %broadcast_in_dim3A_254 = vector.broadcast %broadcast_in_dim3A_253 : i32 to vector<16xi32>
      %gather3A_255 = tpu.vector_load_idx %arg16[%add3A_217, %broadcast_in_dim3A_254] : memref<16x16xf32, #tpu.memory_space<vmem>>[vector<16xi32>, vector<16xi32>], vector<16xf32>,
      %swap3A_256 = arith.constant 5 : i32
      %swap3A_257 = arith.index_cast %swap3A_256 : i32 to index
      %swap3A_258 = arith.index_cast %mul3A_214 : i32 to index
      %swap3A_259 = tpu.vector_load %arg18[%swap3A_257, %swap3A_258] {strides = array<i32>} : memref<16x16xf32, #tpu.memory_space<vmem>>, vector<16xf32>,
      tpu.vector_store %arg18[%swap3A_257, %swap3A_258], %gather3A_255 {strides = array<i32>} : memref<16x16xf32, #tpu.memory_space<vmem>>, vector<16xf32>,
      %broadcast_in_dim3A_260 = arith.constant 6 : i32
      %broadcast_in_dim3A_261 = vector.broadcast %broadcast_in_dim3A_260 : i32 to vector<16xi32>
      %gather3A_262 = tpu.vector_load_idx %arg16[%add3A_217, %broadcast_in_dim3A_261] : memref<16x16xf32, #tpu.memory_space<vmem>>[vector<16xi32>, vector<16xi32>], vector<16xf32>,
      %swap3A_263 = arith.constant 6 : i32
      %swap3A_264 = arith.index_cast %swap3A_263 : i32 to index
      %swap3A_265 = arith.index_cast %mul3A_214 : i32 to index
      %swap3A_266 = tpu.vector_load %arg18[%swap3A_264, %swap3A_265] {strides = array<i32>} : memref<16x16xf32, #tpu.memory_space<vmem>>, vector<16xf32>,
      tpu.vector_store %arg18[%swap3A_264, %swap3A_265], %gather3A_262 {strides = array<i32>} : memref<16x16xf32, #tpu.memory_space<vmem>>, vector<16xf32>,
      %broadcast_in_dim3A_267 = arith.constant 7 : i32
      %broadcast_in_dim3A_268 = vector.broadcast %broadcast_in_dim3A_267 : i32 to vector<16xi32>
      %gather3A_269 = tpu.vector_load_idx %arg16[%add3A_217, %broadcast_in_dim3A_268] : memref<16x16xf32, #tpu.memory_space<vmem>>[vector<16xi32>, vector<16xi32>], vector<16xf32>,
      %swap3A_270 = arith.constant 7 : i32
      %swap3A_271 = arith.index_cast %swap3A_270 : i32 to index
      %swap3A_272 = arith.index_cast %mul3A_214 : i32 to index
      %swap3A_273 = tpu.vector_load %arg18[%swap3A_271, %swap3A_272] {strides = array<i32>} : memref<16x16xf32, #tpu.memory_space<vmem>>, vector<16xf32>,
      tpu.vector_store %arg18[%swap3A_271, %swap3A_272], %gather3A_269 {strides = array<i32>} : memref<16x16xf32, #tpu.memory_space<vmem>>, vector<16xf32>,
      %broadcast_in_dim3A_274 = arith.constant 8 : i32
      %broadcast_in_dim3A_275 = vector.broadcast %broadcast_in_dim3A_274 : i32 to vector<16xi32>
      %gather3A_276 = tpu.vector_load_idx %arg16[%add3A_217, %broadcast_in_dim3A_275] : memref<16x16xf32, #tpu.memory_space<vmem>>[vector<16xi32>, vector<16xi32>], vector<16xf32>,
      %swap3A_277 = arith.constant 8 : i32
      %swap3A_278 = arith.index_cast %swap3A_277 : i32 to index
      %swap3A_279 = arith.index_cast %mul3A_214 : i32 to index
      %swap3A_280 = tpu.vector_load %arg18[%swap3A_278, %swap3A_279] {strides = array<i32>} : memref<16x16xf32, #tpu.memory_space<vmem>>, vector<16xf32>,
      tpu.vector_store %arg18[%swap3A_278, %swap3A_279], %gather3A_276 {strides = array<i32>} : memref<16x16xf32, #tpu.memory_space<vmem>>, vector<16xf32>,
      %broadcast_in_dim3A_281 = arith.constant 9 : i32
      %broadcast_in_dim3A_282 = vector.broadcast %broadcast_in_dim3A_281 : i32 to vector<16xi32>
      %gather3A_283 = tpu.vector_load_idx %arg16[%add3A_217, %broadcast_in_dim3A_282] : memref<16x16xf32, #tpu.memory_space<vmem>>[vector<16xi32>, vector<16xi32>], vector<16xf32>,
      %swap3A_284 = arith.constant 9 : i32
      %swap3A_285 = arith.index_cast %swap3A_284 : i32 to index
      %swap3A_286 = arith.index_cast %mul3A_214 : i32 to index
      %swap3A_287 = tpu.vector_load %arg18[%swap3A_285, %swap3A_286] {strides = array<i32>} : memref<16x16xf32, #tpu.memory_space<vmem>>, vector<16xf32>,
      tpu.vector_store %arg18[%swap3A_285, %swap3A_286], %gather3A_283 {strides = array<i32>} : memref<16x16xf32, #tpu.memory_space<vmem>>, vector<16xf32>,
      %broadcast_in_dim3A_288 = arith.constant 10 : i32
      %broadcast_in_dim3A_289 = vector.broadcast %broadcast_in_dim3A_288 : i32 to vector<16xi32>
      %gather3A_290 = tpu.vector_load_idx %arg16[%add3A_217, %broadcast_in_dim3A_289] : memref<16x16xf32, #tpu.memory_space<vmem>>[vector<16xi32>, vector<16xi32>], vector<16xf32>,
      %swap3A_291 = arith.constant 10 : i32
      %swap3A_292 = arith.index_cast %swap3A_291 : i32 to index
      %swap3A_293 = arith.index_cast %mul3A_214 : i32 to index
      %swap3A_294 = tpu.vector_load %arg18[%swap3A_292, %swap3A_293] {strides = array<i32>} : memref<16x16xf32, #tpu.memory_space<vmem>>, vector<16xf32>,
      tpu.vector_store %arg18[%swap3A_292, %swap3A_293], %gather3A_290 {strides = array<i32>} : memref<16x16xf32, #tpu.memory_space<vmem>>, vector<16xf32>,
      %broadcast_in_dim3A_295 = arith.constant 11 : i32
      %broadcast_in_dim3A_296 = vector.broadcast %broadcast_in_dim3A_295 : i32 to vector<16xi32>
      %gather3A_297 = tpu.vector_load_idx %arg16[%add3A_217, %broadcast_in_dim3A_296] : memref<16x16xf32, #tpu.memory_space<vmem>>[vector<16xi32>, vector<16xi32>], vector<16xf32>,
      %swap3A_298 = arith.constant 11 : i32
      %swap3A_299 = arith.index_cast %swap3A_298 : i32 to index
      %swap3A_300 = arith.index_cast %mul3A_214 : i32 to index
      %swap3A_301 = tpu.vector_load %arg18[%swap3A_299, %swap3A_300] {strides = array<i32>} : memref<16x16xf32, #tpu.memory_space<vmem>>, vector<16xf32>,
      tpu.vector_store %arg18[%swap3A_299, %swap3A_300], %gather3A_297 {strides = array<i32>} : memref<16x16xf32, #tpu.memory_space<vmem>>, vector<16xf32>,
      %broadcast_in_dim3A_302 = arith.constant 12 : i32
      %broadcast_in_dim3A_303 = vector.broadcast %broadcast_in_dim3A_302 : i32 to vector<16xi32>
      %gather3A_304 = tpu.vector_load_idx %arg16[%add3A_217, %broadcast_in_dim3A_303] : memref<16x16xf32, #tpu.memory_space<vmem>>[vector<16xi32>, vector<16xi32>], vector<16xf32>,
      %swap3A_305 = arith.constant 12 : i32
      %swap3A_306 = arith.index_cast %swap3A_305 : i32 to index
      %swap3A_307 = arith.index_cast %mul3A_214 : i32 to index
      %swap3A_308 = tpu.vector_load %arg18[%swap3A_306, %swap3A_307] {strides = array<i32>} : memref<16x16xf32, #tpu.memory_space<vmem>>, vector<16xf32>,
      tpu.vector_store %arg18[%swap3A_306, %swap3A_307], %gather3A_304 {strides = array<i32>} : memref<16x16xf32, #tpu.memory_space<vmem>>, vector<16xf32>,
      %broadcast_in_dim3A_309 = arith.constant 13 : i32
      %broadcast_in_dim3A_310 = vector.broadcast %broadcast_in_dim3A_309 : i32 to vector<16xi32>
      %gather3A_311 = tpu.vector_load_idx %arg16[%add3A_217, %broadcast_in_dim3A_310] : memref<16x16xf32, #tpu.memory_space<vmem>>[vector<16xi32>, vector<16xi32>], vector<16xf32>,
      %swap3A_312 = arith.constant 13 : i32
      %swap3A_313 = arith.index_cast %swap3A_312 : i32 to index
      %swap3A_314 = arith.index_cast %mul3A_214 : i32 to index
      %swap3A_315 = tpu.vector_load %arg18[%swap3A_313, %swap3A_314] {strides = array<i32>} : memref<16x16xf32, #tpu.memory_space<vmem>>, vector<16xf32>,
      tpu.vector_store %arg18[%swap3A_313, %swap3A_314], %gather3A_311 {strides = array<i32>} : memref<16x16xf32, #tpu.memory_space<vmem>>, vector<16xf32>,
      %broadcast_in_dim3A_316 = arith.constant 14 : i32
      %broadcast_in_dim3A_317 = vector.broadcast %broadcast_in_dim3A_316 : i32 to vector<16xi32>
      %gather3A_318 = tpu.vector_load_idx %arg16[%add3A_217, %broadcast_in_dim3A_317] : memref<16x16xf32, #tpu.memory_space<vmem>>[vector<16xi32>, vector<16xi32>], vector<16xf32>,
      %swap3A_319 = arith.constant 14 : i32
      %swap3A_320 = arith.index_cast %swap3A_319 : i32 to index
      %swap3A_321 = arith.index_cast %mul3A_214 : i32 to index
      %swap3A_322 = tpu.vector_load %arg18[%swap3A_320, %swap3A_321] {strides = array<i32>} : memref<16x16xf32, #tpu.memory_space<vmem>>, vector<16xf32>,
      tpu.vector_store %arg18[%swap3A_320, %swap3A_321], %gather3A_318 {strides = array<i32>} : memref<16x16xf32, #tpu.memory_space<vmem>>, vector<16xf32>,
      %broadcast_in_dim3A_323 = arith.constant 15 : i32
      %broadcast_in_dim3A_324 = vector.broadcast %broadcast_in_dim3A_323 : i32 to vector<16xi32>
      %gather3A_325 = tpu.vector_load_idx %arg16[%add3A_217, %broadcast_in_dim3A_324] : memref<16x16xf32, #tpu.memory_space<vmem>>[vector<16xi32>, vector<16xi32>], vector<16xf32>,
      %swap3A_326 = arith.constant 15 : i32
      %swap3A_327 = arith.index_cast %swap3A_326 : i32 to index
      %swap3A_328 = arith.index_cast %mul3A_214 : i32 to index
      %swap3A_329 = tpu.vector_load %arg18[%swap3A_327, %swap3A_328] {strides = array<i32>} : memref<16x16xf32, #tpu.memory_space<vmem>>, vector<16xf32>,
      tpu.vector_store %arg18[%swap3A_327, %swap3A_328], %gather3A_325 {strides = array<i32>} : memref<16x16xf32, #tpu.memory_space<vmem>>, vector<16xf32>,
      %scan3A_330 = arith.constant 1 : i32
      "tpu.region"() ({
        %run_scoped3A = tpu.sem_alloc : memref<!tpu.dma_semaphore, #tpu.memory_space<semaphore_mem>>
        %dma_start3A_331 = arith.constant 0 : i32
        %dma_start3A_332 = tpu.memref_slice %arg5[%dma_start3A_331, %add3A_83] : memref<16x160000xf32, #tpu.memory_space<hbm>> -> memref<16x16xf32, #tpu.memory_space<hbm>>
        %dma_start3A_333 = arith.constant 0 : i32
        %dma_start3A_334 = tpu.memref_slice %arg5[%dma_start3A_333, %add3A_83] : memref<16x160000xf32, #tpu.memory_space<hbm>> -> memref<16x16xf32, #tpu.memory_space<hbm>>
        tpu.enqueue_dma source(%arg17 : memref<16x16xf32, #tpu.memory_space<vmem>>) target(%dma_start3A_334 : memref<16x16xf32, #tpu.memory_space<hbm>>) target_semaphore(%run_scoped3A : memref<!tpu.dma_semaphore, #tpu.memory_space<semaphore_mem>>)
        %dma_wait3A_335 = arith.constant 0 : i32
        %dma_wait3A_336 = tpu.memref_slice %arg5[%dma_wait3A_335, %add3A_83] : memref<16x160000xf32, #tpu.memory_space<hbm>> -> memref<16x16xf32, #tpu.memory_space<hbm>>
        %dma_wait3A_337 = arith.constant 0 : i32
        %dma_wait3A_338 = tpu.memref_slice %arg5[%dma_wait3A_337, %add3A_83] : memref<16x160000xf32, #tpu.memory_space<hbm>> -> memref<16x16xf32, #tpu.memory_space<hbm>>
        tpu.wait_dma2 semaphore(%run_scoped3A : memref<!tpu.dma_semaphore, #tpu.memory_space<semaphore_mem>>) src(%arg17 : memref<16x16xf32, #tpu.memory_space<vmem>>) dst(%dma_wait3A_338 : memref<16x16xf32, #tpu.memory_space<hbm>>)
        tpu.yield
      }) : () -> ()
      "tpu.region"() ({
        %run_scoped3A = tpu.sem_alloc : memref<!tpu.dma_semaphore, #tpu.memory_space<semaphore_mem>>
        %dma_start3A_331 = arith.constant 0 : i32
        %dma_start3A_332 = tpu.memref_slice %arg6[%dma_start3A_331, %add3A_83] : memref<16x160000xf32, #tpu.memory_space<hbm>> -> memref<16x16xf32, #tpu.memory_space<hbm>>
        %dma_start3A_333 = arith.constant 0 : i32
        %dma_start3A_334 = tpu.memref_slice %arg6[%dma_start3A_333, %add3A_83] : memref<16x160000xf32, #tpu.memory_space<hbm>> -> memref<16x16xf32, #tpu.memory_space<hbm>>
        tpu.enqueue_dma source(%arg18 : memref<16x16xf32, #tpu.memory_space<vmem>>) target(%dma_start3A_334 : memref<16x16xf32, #tpu.memory_space<hbm>>) target_semaphore(%run_scoped3A : memref<!tpu.dma_semaphore, #tpu.memory_space<semaphore_mem>>)
        %dma_wait3A_335 = arith.constant 0 : i32
        %dma_wait3A_336 = tpu.memref_slice %arg6[%dma_wait3A_335, %add3A_83] : memref<16x160000xf32, #tpu.memory_space<hbm>> -> memref<16x16xf32, #tpu.memory_space<hbm>>
        %dma_wait3A_337 = arith.constant 0 : i32
        %dma_wait3A_338 = tpu.memref_slice %arg6[%dma_wait3A_337, %add3A_83] : memref<16x160000xf32, #tpu.memory_space<hbm>> -> memref<16x16xf32, #tpu.memory_space<hbm>>
        tpu.wait_dma2 semaphore(%run_scoped3A : memref<!tpu.dma_semaphore, #tpu.memory_space<semaphore_mem>>) src(%arg18 : memref<16x16xf32, #tpu.memory_space<vmem>>) dst(%dma_wait3A_338 : memref<16x16xf32, #tpu.memory_space<hbm>>)
        tpu.yield
      }) : () -> ()
    } else {
    }
    return
  }
}

#map = affine_map<(d0, d1) -> (0, 0)>
#map1 = affine_map<(d0, d1) -> (0)>
module attributes {stable_mosaic.version = 14 : i64} {
  func.func @sc_scatter_nodeftr(%arg0: i32, %arg1: i32, %arg2: memref<16x160000xf32, #tpu.memory_space<hbm>>, %arg3: memref<160000xi32, #tpu.memory_space<hbm>>, %arg4: memref<20480x16xf32, #tpu.memory_space<hbm>>, %arg5: memref<10240x16xf32, #tpu.memory_space<vmem_shared>>, %arg6: memref<640x16xf32, #tpu.memory_space<vmem>>, %arg7: memref<128xi32, #tpu.memory_space<vmem>>, %arg8: memref<16x128xf32, #tpu.memory_space<vmem>>, %arg9: memref<128x16xf32, #tpu.memory_space<vmem>>, %arg10: memref<128xi32, #tpu.memory_space<vmem>>, %arg11: memref<16x128xf32, #tpu.memory_space<vmem>>, %arg12: memref<128x16xf32, #tpu.memory_space<vmem>>, %arg13: memref<8xi32, #tpu.memory_space<vmem>>, %arg14: memref<16x8xf32, #tpu.memory_space<vmem>>, %arg15: memref<16x16xf32, #tpu.memory_space<vmem>>, %arg16: memref<2x!tpu.dma_semaphore, #tpu.memory_space<semaphore_mem>>) attributes {dimension_semantics = [#tpu.dimension_semantics<core_parallel>, #tpu.dimension_semantics<subcore_parallel>], iteration_bounds = array<i64: 2, 16>, scalar_prefetch = 0 : i64, scratch_operands = 12 : i64, tpu.core_type = #tpu.core_type<sc_vector_subcore>, window_params = [{transform_indices = #map}, {transform_indices = #map1}, {transform_indices = #map}]} {
    %mul3A = arith.constant 2 : i32
    %mul3A_0 = arith.muli %arg1, %mul3A : i32
    %add3A = arith.addi %mul3A_0, %arg0 : i32
    %scan3A = arith.constant 0 : i32
    %scan3A_1 = arith.constant 0 : i32
    %scan3A_2 = arith.constant 640 : i32
    %scan3A_3 = arith.addi %scan3A_1, %scan3A_2 : i32
    %scan3A_4 = arith.constant 1 : i32
    scf.for %scan3A_104 = %scan3A_1 to %scan3A_3 step %scan3A_4  : i32 {
      %broadcast_in_dim3A_105 = arith.constant 0.000000e+00 : f32
      %broadcast_in_dim3A_106 = vector.broadcast %broadcast_in_dim3A_105 : f32 to vector<16xf32>
      %swap3A = arith.index_cast %scan3A_104 : i32 to index
      %swap3A_107 = arith.constant 0 : index
      %swap3A_108 = tpu.vector_load %arg6[%swap3A, %swap3A_107] {strides = array<i32>} : memref<640x16xf32, #tpu.memory_space<vmem>>, vector<16xf32>,
      tpu.vector_store %arg6[%swap3A, %swap3A_107], %broadcast_in_dim3A_106 {strides = array<i32>} : memref<640x16xf32, #tpu.memory_space<vmem>>, vector<16xf32>,
    }
    %scan3A_5 = arith.constant 640 : i32
    %mul3A_6 = arith.constant 640 : i32
    %mul3A_7 = arith.muli %arg1, %mul3A_6 : i32
    "tpu.region"() ({
      %run_scoped3A = tpu.sem_alloc : memref<!tpu.dma_semaphore, #tpu.memory_space<semaphore_mem>>
      %dma_start3A_104 = arith.constant 0 : i32
      %dma_start3A_105 = tpu.memref_slice %arg5[%mul3A_7, %dma_start3A_104] : memref<10240x16xf32, #tpu.memory_space<vmem_shared>> -> memref<640x16xf32, #tpu.memory_space<vmem_shared>>
      %dma_start3A_106 = arith.constant 0 : i32
      %dma_start3A_107 = tpu.memref_slice %arg5[%mul3A_7, %dma_start3A_106] : memref<10240x16xf32, #tpu.memory_space<vmem_shared>> -> memref<640x16xf32, #tpu.memory_space<vmem_shared>>
      tpu.enqueue_dma source(%arg6 : memref<640x16xf32, #tpu.memory_space<vmem>>) target(%dma_start3A_107 : memref<640x16xf32, #tpu.memory_space<vmem_shared>>) target_semaphore(%run_scoped3A : memref<!tpu.dma_semaphore, #tpu.memory_space<semaphore_mem>>)
      %dma_wait3A_108 = arith.constant 0 : i32
      %dma_wait3A_109 = tpu.memref_slice %arg5[%mul3A_7, %dma_wait3A_108] : memref<10240x16xf32, #tpu.memory_space<vmem_shared>> -> memref<640x16xf32, #tpu.memory_space<vmem_shared>>
      %dma_wait3A_110 = arith.constant 0 : i32
      %dma_wait3A_111 = tpu.memref_slice %arg5[%mul3A_7, %dma_wait3A_110] : memref<10240x16xf32, #tpu.memory_space<vmem_shared>> -> memref<640x16xf32, #tpu.memory_space<vmem_shared>>
      tpu.wait_dma2 semaphore(%run_scoped3A : memref<!tpu.dma_semaphore, #tpu.memory_space<semaphore_mem>>) src(%arg6 : memref<640x16xf32, #tpu.memory_space<vmem>>) dst(%dma_wait3A_111 : memref<640x16xf32, #tpu.memory_space<vmem_shared>>)
      tpu.yield
    }) : () -> ()
    %barrier3A = arith.constant 0 : index
    tpu.barrier barrier_id(%barrier3A)
    %mul3A_8 = arith.constant 5000 : i32
    %mul3A_9 = arith.muli %add3A, %mul3A_8 : i32
    %scan3A_10 = arith.constant 0 : i32
    %scan3A_11 = arith.constant 0 : i32
    %scan3A_12 = arith.constant 19 : i32
    %scan3A_13 = arith.addi %scan3A_11, %scan3A_12 : i32
    %scan3A_14 = arith.constant 1 : i32
    scf.for %scan3A_104 = %scan3A_11 to %scan3A_13 step %scan3A_14  : i32 {
      %mul3A_105 = arith.constant 2 : i32
      %mul3A_106 = arith.muli %mul3A_105, %scan3A_104 : i32
      %ge3A = arith.constant 2 : i32
      %ge3A_107 = arith.cmpi sge, %mul3A_106, %ge3A : i32
      %convert_element_type3A = arith.extui %ge3A_107 : i1 to i32
      %cond3A = arith.constant 0 : i32
      %cond3A_108 = arith.cmpi ne, %convert_element_type3A, %cond3A : i32
      scf.if %cond3A_108 {
        %dma_wait3A_148 = arith.constant 0 : i32
        %dma_wait3A_149 = arith.constant 0 : i32
        %dma_wait3A_150 = arith.constant 0 : i32
        %dma_wait3A_151 = tpu.memref_slice %arg5[%dma_wait3A_149, %dma_wait3A_150] : memref<10240x16xf32, #tpu.memory_space<vmem_shared>> -> memref<10240x16xf32, #tpu.memory_space<vmem_shared>>
        %dma_wait3A_152 = tpu.memref_slice %arg16[%dma_wait3A_148] : memref<2x!tpu.dma_semaphore, #tpu.memory_space<semaphore_mem>> -> memref<1x!tpu.dma_semaphore, #tpu.memory_space<semaphore_mem>>
        %dma_wait3A_153 = tpu.memref_squeeze %dma_wait3A_152 : memref<1x!tpu.dma_semaphore, #tpu.memory_space<semaphore_mem>> -> memref<!tpu.dma_semaphore, #tpu.memory_space<semaphore_mem>>
        tpu.wait_indirect_dma semaphore(%dma_wait3A_153 : memref<!tpu.dma_semaphore, #tpu.memory_space<semaphore_mem>>) src(%arg9 : memref<128x16xf32, #tpu.memory_space<vmem>>) dst(%dma_wait3A_151 : memref<10240x16xf32, #tpu.memory_space<vmem_shared>>)
      } else {
      }
      %mul3A_109 = arith.constant 128 : i32
      %mul3A_110 = arith.muli %mul3A_106, %mul3A_109 : i32
      %add3A_111 = arith.addi %mul3A_9, %mul3A_110 : i32
      "tpu.region"() ({
        %run_scoped3A = tpu.sem_alloc : memref<!tpu.dma_semaphore, #tpu.memory_space<semaphore_mem>>
        %dma_start3A_148 = tpu.memref_slice %arg3[%add3A_111] : memref<160000xi32, #tpu.memory_space<hbm>> -> memref<128xi32, #tpu.memory_space<hbm>>
        %dma_start3A_149 = tpu.memref_slice %arg3[%add3A_111] : memref<160000xi32, #tpu.memory_space<hbm>> -> memref<128xi32, #tpu.memory_space<hbm>>
        tpu.enqueue_dma source(%dma_start3A_149 : memref<128xi32, #tpu.memory_space<hbm>>) target(%arg7 : memref<128xi32, #tpu.memory_space<vmem>>) target_semaphore(%run_scoped3A : memref<!tpu.dma_semaphore, #tpu.memory_space<semaphore_mem>>)
        %dma_wait3A_150 = tpu.memref_slice %arg3[%add3A_111] : memref<160000xi32, #tpu.memory_space<hbm>> -> memref<128xi32, #tpu.memory_space<hbm>>
        %dma_wait3A_151 = tpu.memref_slice %arg3[%add3A_111] : memref<160000xi32, #tpu.memory_space<hbm>> -> memref<128xi32, #tpu.memory_space<hbm>>
        tpu.wait_dma2 semaphore(%run_scoped3A : memref<!tpu.dma_semaphore, #tpu.memory_space<semaphore_mem>>) src(%dma_wait3A_151 : memref<128xi32, #tpu.memory_space<hbm>>) dst(%arg7 : memref<128xi32, #tpu.memory_space<vmem>>)
        tpu.yield
      }) : () -> ()
      "tpu.region"() ({
        %run_scoped3A = tpu.sem_alloc : memref<!tpu.dma_semaphore, #tpu.memory_space<semaphore_mem>>
        %dma_start3A_148 = arith.constant 0 : i32
        %dma_start3A_149 = tpu.memref_slice %arg2[%dma_start3A_148, %add3A_111] : memref<16x160000xf32, #tpu.memory_space<hbm>> -> memref<16x128xf32, #tpu.memory_space<hbm>>
        %dma_start3A_150 = arith.constant 0 : i32
        %dma_start3A_151 = tpu.memref_slice %arg2[%dma_start3A_150, %add3A_111] : memref<16x160000xf32, #tpu.memory_space<hbm>> -> memref<16x128xf32, #tpu.memory_space<hbm>>
        tpu.enqueue_dma source(%dma_start3A_151 : memref<16x128xf32, #tpu.memory_space<hbm>>) target(%arg8 : memref<16x128xf32, #tpu.memory_space<vmem>>) target_semaphore(%run_scoped3A : memref<!tpu.dma_semaphore, #tpu.memory_space<semaphore_mem>>)
        %dma_wait3A_152 = arith.constant 0 : i32
        %dma_wait3A_153 = tpu.memref_slice %arg2[%dma_wait3A_152, %add3A_111] : memref<16x160000xf32, #tpu.memory_space<hbm>> -> memref<16x128xf32, #tpu.memory_space<hbm>>
        %dma_wait3A_154 = arith.constant 0 : i32
        %dma_wait3A_155 = tpu.memref_slice %arg2[%dma_wait3A_154, %add3A_111] : memref<16x160000xf32, #tpu.memory_space<hbm>> -> memref<16x128xf32, #tpu.memory_space<hbm>>
        tpu.wait_dma2 semaphore(%run_scoped3A : memref<!tpu.dma_semaphore, #tpu.memory_space<semaphore_mem>>) src(%dma_wait3A_155 : memref<16x128xf32, #tpu.memory_space<hbm>>) dst(%arg8 : memref<16x128xf32, #tpu.memory_space<vmem>>)
        tpu.yield
      }) : () -> ()
      %scan3A_112 = arith.constant 0 : i32
      %scan3A_113 = arith.constant 0 : i32
      %scan3A_114 = arith.constant 8 : i32
      %scan3A_115 = arith.addi %scan3A_113, %scan3A_114 : i32
      %scan3A_116 = arith.constant 1 : i32
      scf.for %scan3A_148 = %scan3A_113 to %scan3A_115 step %scan3A_116  : i32 {
        %mul3A_149 = arith.constant 16 : i32
        %mul3A_150 = arith.muli %scan3A_148, %mul3A_149 : i32
        %iota3A_151 = tpu.iota {dimensions = array<i32: 0>} : vector<16xi32>
        %add3A_152 = vector.broadcast %mul3A_150 : i32 to vector<16xi32>
        %add3A_153 = arith.addi %add3A_152, %iota3A_151 : vector<16xi32>
        %broadcast_in_dim3A_154 = arith.constant 0 : i32
        %broadcast_in_dim3A_155 = vector.broadcast %broadcast_in_dim3A_154 : i32 to vector<16xi32>
        %gather3A_156 = tpu.vector_load_idx %arg8[%broadcast_in_dim3A_155, %add3A_153] : memref<16x128xf32, #tpu.memory_space<vmem>>[vector<16xi32>, vector<16xi32>], vector<16xf32>,
        tpu.vector_store_idx %arg9[%add3A_153, %broadcast_in_dim3A_155], %gather3A_156 : memref<128x16xf32, #tpu.memory_space<vmem>>[vector<16xi32>, vector<16xi32>], vector<16xf32>,
        %broadcast_in_dim3A_157 = arith.constant 1 : i32
        %broadcast_in_dim3A_158 = vector.broadcast %broadcast_in_dim3A_157 : i32 to vector<16xi32>
        %gather3A_159 = tpu.vector_load_idx %arg8[%broadcast_in_dim3A_158, %add3A_153] : memref<16x128xf32, #tpu.memory_space<vmem>>[vector<16xi32>, vector<16xi32>], vector<16xf32>,
        tpu.vector_store_idx %arg9[%add3A_153, %broadcast_in_dim3A_158], %gather3A_159 : memref<128x16xf32, #tpu.memory_space<vmem>>[vector<16xi32>, vector<16xi32>], vector<16xf32>,
        %broadcast_in_dim3A_160 = arith.constant 2 : i32
        %broadcast_in_dim3A_161 = vector.broadcast %broadcast_in_dim3A_160 : i32 to vector<16xi32>
        %gather3A_162 = tpu.vector_load_idx %arg8[%broadcast_in_dim3A_161, %add3A_153] : memref<16x128xf32, #tpu.memory_space<vmem>>[vector<16xi32>, vector<16xi32>], vector<16xf32>,
        tpu.vector_store_idx %arg9[%add3A_153, %broadcast_in_dim3A_161], %gather3A_162 : memref<128x16xf32, #tpu.memory_space<vmem>>[vector<16xi32>, vector<16xi32>], vector<16xf32>,
        %broadcast_in_dim3A_163 = arith.constant 3 : i32
        %broadcast_in_dim3A_164 = vector.broadcast %broadcast_in_dim3A_163 : i32 to vector<16xi32>
        %gather3A_165 = tpu.vector_load_idx %arg8[%broadcast_in_dim3A_164, %add3A_153] : memref<16x128xf32, #tpu.memory_space<vmem>>[vector<16xi32>, vector<16xi32>], vector<16xf32>,
        tpu.vector_store_idx %arg9[%add3A_153, %broadcast_in_dim3A_164], %gather3A_165 : memref<128x16xf32, #tpu.memory_space<vmem>>[vector<16xi32>, vector<16xi32>], vector<16xf32>,
        %broadcast_in_dim3A_166 = arith.constant 4 : i32
        %broadcast_in_dim3A_167 = vector.broadcast %broadcast_in_dim3A_166 : i32 to vector<16xi32>
        %gather3A_168 = tpu.vector_load_idx %arg8[%broadcast_in_dim3A_167, %add3A_153] : memref<16x128xf32, #tpu.memory_space<vmem>>[vector<16xi32>, vector<16xi32>], vector<16xf32>,
        tpu.vector_store_idx %arg9[%add3A_153, %broadcast_in_dim3A_167], %gather3A_168 : memref<128x16xf32, #tpu.memory_space<vmem>>[vector<16xi32>, vector<16xi32>], vector<16xf32>,
        %broadcast_in_dim3A_169 = arith.constant 5 : i32
        %broadcast_in_dim3A_170 = vector.broadcast %broadcast_in_dim3A_169 : i32 to vector<16xi32>
        %gather3A_171 = tpu.vector_load_idx %arg8[%broadcast_in_dim3A_170, %add3A_153] : memref<16x128xf32, #tpu.memory_space<vmem>>[vector<16xi32>, vector<16xi32>], vector<16xf32>,
        tpu.vector_store_idx %arg9[%add3A_153, %broadcast_in_dim3A_170], %gather3A_171 : memref<128x16xf32, #tpu.memory_space<vmem>>[vector<16xi32>, vector<16xi32>], vector<16xf32>,
        %broadcast_in_dim3A_172 = arith.constant 6 : i32
        %broadcast_in_dim3A_173 = vector.broadcast %broadcast_in_dim3A_172 : i32 to vector<16xi32>
        %gather3A_174 = tpu.vector_load_idx %arg8[%broadcast_in_dim3A_173, %add3A_153] : memref<16x128xf32, #tpu.memory_space<vmem>>[vector<16xi32>, vector<16xi32>], vector<16xf32>,
        tpu.vector_store_idx %arg9[%add3A_153, %broadcast_in_dim3A_173], %gather3A_174 : memref<128x16xf32, #tpu.memory_space<vmem>>[vector<16xi32>, vector<16xi32>], vector<16xf32>,
        %broadcast_in_dim3A_175 = arith.constant 7 : i32
        %broadcast_in_dim3A_176 = vector.broadcast %broadcast_in_dim3A_175 : i32 to vector<16xi32>
        %gather3A_177 = tpu.vector_load_idx %arg8[%broadcast_in_dim3A_176, %add3A_153] : memref<16x128xf32, #tpu.memory_space<vmem>>[vector<16xi32>, vector<16xi32>], vector<16xf32>,
        tpu.vector_store_idx %arg9[%add3A_153, %broadcast_in_dim3A_176], %gather3A_177 : memref<128x16xf32, #tpu.memory_space<vmem>>[vector<16xi32>, vector<16xi32>], vector<16xf32>,
        %broadcast_in_dim3A_178 = arith.constant 8 : i32
        %broadcast_in_dim3A_179 = vector.broadcast %broadcast_in_dim3A_178 : i32 to vector<16xi32>
        %gather3A_180 = tpu.vector_load_idx %arg8[%broadcast_in_dim3A_179, %add3A_153] : memref<16x128xf32, #tpu.memory_space<vmem>>[vector<16xi32>, vector<16xi32>], vector<16xf32>,
        tpu.vector_store_idx %arg9[%add3A_153, %broadcast_in_dim3A_179], %gather3A_180 : memref<128x16xf32, #tpu.memory_space<vmem>>[vector<16xi32>, vector<16xi32>], vector<16xf32>,
        %broadcast_in_dim3A_181 = arith.constant 9 : i32
        %broadcast_in_dim3A_182 = vector.broadcast %broadcast_in_dim3A_181 : i32 to vector<16xi32>
        %gather3A_183 = tpu.vector_load_idx %arg8[%broadcast_in_dim3A_182, %add3A_153] : memref<16x128xf32, #tpu.memory_space<vmem>>[vector<16xi32>, vector<16xi32>], vector<16xf32>,
        tpu.vector_store_idx %arg9[%add3A_153, %broadcast_in_dim3A_182], %gather3A_183 : memref<128x16xf32, #tpu.memory_space<vmem>>[vector<16xi32>, vector<16xi32>], vector<16xf32>,
        %broadcast_in_dim3A_184 = arith.constant 10 : i32
        %broadcast_in_dim3A_185 = vector.broadcast %broadcast_in_dim3A_184 : i32 to vector<16xi32>
        %gather3A_186 = tpu.vector_load_idx %arg8[%broadcast_in_dim3A_185, %add3A_153] : memref<16x128xf32, #tpu.memory_space<vmem>>[vector<16xi32>, vector<16xi32>], vector<16xf32>,
        tpu.vector_store_idx %arg9[%add3A_153, %broadcast_in_dim3A_185], %gather3A_186 : memref<128x16xf32, #tpu.memory_space<vmem>>[vector<16xi32>, vector<16xi32>], vector<16xf32>,
        %broadcast_in_dim3A_187 = arith.constant 11 : i32
        %broadcast_in_dim3A_188 = vector.broadcast %broadcast_in_dim3A_187 : i32 to vector<16xi32>
        %gather3A_189 = tpu.vector_load_idx %arg8[%broadcast_in_dim3A_188, %add3A_153] : memref<16x128xf32, #tpu.memory_space<vmem>>[vector<16xi32>, vector<16xi32>], vector<16xf32>,
        tpu.vector_store_idx %arg9[%add3A_153, %broadcast_in_dim3A_188], %gather3A_189 : memref<128x16xf32, #tpu.memory_space<vmem>>[vector<16xi32>, vector<16xi32>], vector<16xf32>,
        %broadcast_in_dim3A_190 = arith.constant 12 : i32
        %broadcast_in_dim3A_191 = vector.broadcast %broadcast_in_dim3A_190 : i32 to vector<16xi32>
        %gather3A_192 = tpu.vector_load_idx %arg8[%broadcast_in_dim3A_191, %add3A_153] : memref<16x128xf32, #tpu.memory_space<vmem>>[vector<16xi32>, vector<16xi32>], vector<16xf32>,
        tpu.vector_store_idx %arg9[%add3A_153, %broadcast_in_dim3A_191], %gather3A_192 : memref<128x16xf32, #tpu.memory_space<vmem>>[vector<16xi32>, vector<16xi32>], vector<16xf32>,
        %broadcast_in_dim3A_193 = arith.constant 13 : i32
        %broadcast_in_dim3A_194 = vector.broadcast %broadcast_in_dim3A_193 : i32 to vector<16xi32>
        %gather3A_195 = tpu.vector_load_idx %arg8[%broadcast_in_dim3A_194, %add3A_153] : memref<16x128xf32, #tpu.memory_space<vmem>>[vector<16xi32>, vector<16xi32>], vector<16xf32>,
        tpu.vector_store_idx %arg9[%add3A_153, %broadcast_in_dim3A_194], %gather3A_195 : memref<128x16xf32, #tpu.memory_space<vmem>>[vector<16xi32>, vector<16xi32>], vector<16xf32>,
        %broadcast_in_dim3A_196 = arith.constant 14 : i32
        %broadcast_in_dim3A_197 = vector.broadcast %broadcast_in_dim3A_196 : i32 to vector<16xi32>
        %gather3A_198 = tpu.vector_load_idx %arg8[%broadcast_in_dim3A_197, %add3A_153] : memref<16x128xf32, #tpu.memory_space<vmem>>[vector<16xi32>, vector<16xi32>], vector<16xf32>,
        tpu.vector_store_idx %arg9[%add3A_153, %broadcast_in_dim3A_197], %gather3A_198 : memref<128x16xf32, #tpu.memory_space<vmem>>[vector<16xi32>, vector<16xi32>], vector<16xf32>,
        %broadcast_in_dim3A_199 = arith.constant 15 : i32
        %broadcast_in_dim3A_200 = vector.broadcast %broadcast_in_dim3A_199 : i32 to vector<16xi32>
        %gather3A_201 = tpu.vector_load_idx %arg8[%broadcast_in_dim3A_200, %add3A_153] : memref<16x128xf32, #tpu.memory_space<vmem>>[vector<16xi32>, vector<16xi32>], vector<16xf32>,
        tpu.vector_store_idx %arg9[%add3A_153, %broadcast_in_dim3A_200], %gather3A_201 : memref<128x16xf32, #tpu.memory_space<vmem>>[vector<16xi32>, vector<16xi32>], vector<16xf32>,
      }
      %scan3A_117 = arith.constant 8 : i32
      %dma_start3A_118 = arith.constant 0 : i32
      %dma_start3A_119 = arith.constant 0 : i32
      %dma_start3A_120 = arith.constant 0 : i32
      %dma_start3A_121 = tpu.memref_slice %arg5[%dma_start3A_119, %dma_start3A_120] : memref<10240x16xf32, #tpu.memory_space<vmem_shared>> -> memref<10240x16xf32, #tpu.memory_space<vmem_shared>>
      %dma_start3A_122 = tpu.memref_slice %arg16[%dma_start3A_118] : memref<2x!tpu.dma_semaphore, #tpu.memory_space<semaphore_mem>> -> memref<1x!tpu.dma_semaphore, #tpu.memory_space<semaphore_mem>>
      %dma_start3A_123 = tpu.memref_squeeze %dma_start3A_122 : memref<1x!tpu.dma_semaphore, #tpu.memory_space<semaphore_mem>> -> memref<!tpu.dma_semaphore, #tpu.memory_space<semaphore_mem>>
      tpu.enqueue_indirect_dma source(%arg9 : memref<128x16xf32, #tpu.memory_space<vmem>>) target(%dma_start3A_121 : memref<10240x16xf32, #tpu.memory_space<vmem_shared>>) offsets(%arg7 : memref<128xi32, #tpu.memory_space<vmem>>) semaphore(%dma_start3A_123 : memref<!tpu.dma_semaphore, #tpu.memory_space<semaphore_mem>>) {add = true}
      %mul3A_124 = arith.constant 2 : i32
      %mul3A_125 = arith.muli %mul3A_124, %scan3A_104 : i32
      %add3A_126 = arith.constant 1 : i32
      %add3A_127 = arith.addi %mul3A_125, %add3A_126 : i32
      %ge3A_128 = arith.constant 2 : i32
      %ge3A_129 = arith.cmpi sge, %add3A_127, %ge3A_128 : i32
      %convert_element_type3A_130 = arith.extui %ge3A_129 : i1 to i32
      %cond3A_131 = arith.constant 0 : i32
      %cond3A_132 = arith.cmpi ne, %convert_element_type3A_130, %cond3A_131 : i32
      scf.if %cond3A_132 {
        %dma_wait3A_148 = arith.constant 1 : i32
        %dma_wait3A_149 = arith.constant 0 : i32
        %dma_wait3A_150 = arith.constant 0 : i32
        %dma_wait3A_151 = tpu.memref_slice %arg5[%dma_wait3A_149, %dma_wait3A_150] : memref<10240x16xf32, #tpu.memory_space<vmem_shared>> -> memref<10240x16xf32, #tpu.memory_space<vmem_shared>>
        %dma_wait3A_152 = tpu.memref_slice %arg16[%dma_wait3A_148] : memref<2x!tpu.dma_semaphore, #tpu.memory_space<semaphore_mem>> -> memref<1x!tpu.dma_semaphore, #tpu.memory_space<semaphore_mem>>
        %dma_wait3A_153 = tpu.memref_squeeze %dma_wait3A_152 : memref<1x!tpu.dma_semaphore, #tpu.memory_space<semaphore_mem>> -> memref<!tpu.dma_semaphore, #tpu.memory_space<semaphore_mem>>
        tpu.wait_indirect_dma semaphore(%dma_wait3A_153 : memref<!tpu.dma_semaphore, #tpu.memory_space<semaphore_mem>>) src(%arg12 : memref<128x16xf32, #tpu.memory_space<vmem>>) dst(%dma_wait3A_151 : memref<10240x16xf32, #tpu.memory_space<vmem_shared>>)
      } else {
      }
      %mul3A_133 = arith.constant 128 : i32
      %mul3A_134 = arith.muli %add3A_127, %mul3A_133 : i32
      %add3A_135 = arith.addi %mul3A_9, %mul3A_134 : i32
      "tpu.region"() ({
        %run_scoped3A = tpu.sem_alloc : memref<!tpu.dma_semaphore, #tpu.memory_space<semaphore_mem>>
        %dma_start3A_148 = tpu.memref_slice %arg3[%add3A_135] : memref<160000xi32, #tpu.memory_space<hbm>> -> memref<128xi32, #tpu.memory_space<hbm>>
        %dma_start3A_149 = tpu.memref_slice %arg3[%add3A_135] : memref<160000xi32, #tpu.memory_space<hbm>> -> memref<128xi32, #tpu.memory_space<hbm>>
        tpu.enqueue_dma source(%dma_start3A_149 : memref<128xi32, #tpu.memory_space<hbm>>) target(%arg10 : memref<128xi32, #tpu.memory_space<vmem>>) target_semaphore(%run_scoped3A : memref<!tpu.dma_semaphore, #tpu.memory_space<semaphore_mem>>)
        %dma_wait3A_150 = tpu.memref_slice %arg3[%add3A_135] : memref<160000xi32, #tpu.memory_space<hbm>> -> memref<128xi32, #tpu.memory_space<hbm>>
        %dma_wait3A_151 = tpu.memref_slice %arg3[%add3A_135] : memref<160000xi32, #tpu.memory_space<hbm>> -> memref<128xi32, #tpu.memory_space<hbm>>
        tpu.wait_dma2 semaphore(%run_scoped3A : memref<!tpu.dma_semaphore, #tpu.memory_space<semaphore_mem>>) src(%dma_wait3A_151 : memref<128xi32, #tpu.memory_space<hbm>>) dst(%arg10 : memref<128xi32, #tpu.memory_space<vmem>>)
        tpu.yield
      }) : () -> ()
      "tpu.region"() ({
        %run_scoped3A = tpu.sem_alloc : memref<!tpu.dma_semaphore, #tpu.memory_space<semaphore_mem>>
        %dma_start3A_148 = arith.constant 0 : i32
        %dma_start3A_149 = tpu.memref_slice %arg2[%dma_start3A_148, %add3A_135] : memref<16x160000xf32, #tpu.memory_space<hbm>> -> memref<16x128xf32, #tpu.memory_space<hbm>>
        %dma_start3A_150 = arith.constant 0 : i32
        %dma_start3A_151 = tpu.memref_slice %arg2[%dma_start3A_150, %add3A_135] : memref<16x160000xf32, #tpu.memory_space<hbm>> -> memref<16x128xf32, #tpu.memory_space<hbm>>
        tpu.enqueue_dma source(%dma_start3A_151 : memref<16x128xf32, #tpu.memory_space<hbm>>) target(%arg11 : memref<16x128xf32, #tpu.memory_space<vmem>>) target_semaphore(%run_scoped3A : memref<!tpu.dma_semaphore, #tpu.memory_space<semaphore_mem>>)
        %dma_wait3A_152 = arith.constant 0 : i32
        %dma_wait3A_153 = tpu.memref_slice %arg2[%dma_wait3A_152, %add3A_135] : memref<16x160000xf32, #tpu.memory_space<hbm>> -> memref<16x128xf32, #tpu.memory_space<hbm>>
        %dma_wait3A_154 = arith.constant 0 : i32
        %dma_wait3A_155 = tpu.memref_slice %arg2[%dma_wait3A_154, %add3A_135] : memref<16x160000xf32, #tpu.memory_space<hbm>> -> memref<16x128xf32, #tpu.memory_space<hbm>>
        tpu.wait_dma2 semaphore(%run_scoped3A : memref<!tpu.dma_semaphore, #tpu.memory_space<semaphore_mem>>) src(%dma_wait3A_155 : memref<16x128xf32, #tpu.memory_space<hbm>>) dst(%arg11 : memref<16x128xf32, #tpu.memory_space<vmem>>)
        tpu.yield
      }) : () -> ()
      %scan3A_136 = arith.constant 0 : i32
      %scan3A_137 = arith.constant 0 : i32
      %scan3A_138 = arith.constant 8 : i32
      %scan3A_139 = arith.addi %scan3A_137, %scan3A_138 : i32
      %scan3A_140 = arith.constant 1 : i32
      scf.for %scan3A_148 = %scan3A_137 to %scan3A_139 step %scan3A_140  : i32 {
        %mul3A_149 = arith.constant 16 : i32
        %mul3A_150 = arith.muli %scan3A_148, %mul3A_149 : i32
        %iota3A_151 = tpu.iota {dimensions = array<i32: 0>} : vector<16xi32>
        %add3A_152 = vector.broadcast %mul3A_150 : i32 to vector<16xi32>
        %add3A_153 = arith.addi %add3A_152, %iota3A_151 : vector<16xi32>
        %broadcast_in_dim3A_154 = arith.constant 0 : i32
        %broadcast_in_dim3A_155 = vector.broadcast %broadcast_in_dim3A_154 : i32 to vector<16xi32>
        %gather3A_156 = tpu.vector_load_idx %arg11[%broadcast_in_dim3A_155, %add3A_153] : memref<16x128xf32, #tpu.memory_space<vmem>>[vector<16xi32>, vector<16xi32>], vector<16xf32>,
        tpu.vector_store_idx %arg12[%add3A_153, %broadcast_in_dim3A_155], %gather3A_156 : memref<128x16xf32, #tpu.memory_space<vmem>>[vector<16xi32>, vector<16xi32>], vector<16xf32>,
        %broadcast_in_dim3A_157 = arith.constant 1 : i32
        %broadcast_in_dim3A_158 = vector.broadcast %broadcast_in_dim3A_157 : i32 to vector<16xi32>
        %gather3A_159 = tpu.vector_load_idx %arg11[%broadcast_in_dim3A_158, %add3A_153] : memref<16x128xf32, #tpu.memory_space<vmem>>[vector<16xi32>, vector<16xi32>], vector<16xf32>,
        tpu.vector_store_idx %arg12[%add3A_153, %broadcast_in_dim3A_158], %gather3A_159 : memref<128x16xf32, #tpu.memory_space<vmem>>[vector<16xi32>, vector<16xi32>], vector<16xf32>,
        %broadcast_in_dim3A_160 = arith.constant 2 : i32
        %broadcast_in_dim3A_161 = vector.broadcast %broadcast_in_dim3A_160 : i32 to vector<16xi32>
        %gather3A_162 = tpu.vector_load_idx %arg11[%broadcast_in_dim3A_161, %add3A_153] : memref<16x128xf32, #tpu.memory_space<vmem>>[vector<16xi32>, vector<16xi32>], vector<16xf32>,
        tpu.vector_store_idx %arg12[%add3A_153, %broadcast_in_dim3A_161], %gather3A_162 : memref<128x16xf32, #tpu.memory_space<vmem>>[vector<16xi32>, vector<16xi32>], vector<16xf32>,
        %broadcast_in_dim3A_163 = arith.constant 3 : i32
        %broadcast_in_dim3A_164 = vector.broadcast %broadcast_in_dim3A_163 : i32 to vector<16xi32>
        %gather3A_165 = tpu.vector_load_idx %arg11[%broadcast_in_dim3A_164, %add3A_153] : memref<16x128xf32, #tpu.memory_space<vmem>>[vector<16xi32>, vector<16xi32>], vector<16xf32>,
        tpu.vector_store_idx %arg12[%add3A_153, %broadcast_in_dim3A_164], %gather3A_165 : memref<128x16xf32, #tpu.memory_space<vmem>>[vector<16xi32>, vector<16xi32>], vector<16xf32>,
        %broadcast_in_dim3A_166 = arith.constant 4 : i32
        %broadcast_in_dim3A_167 = vector.broadcast %broadcast_in_dim3A_166 : i32 to vector<16xi32>
        %gather3A_168 = tpu.vector_load_idx %arg11[%broadcast_in_dim3A_167, %add3A_153] : memref<16x128xf32, #tpu.memory_space<vmem>>[vector<16xi32>, vector<16xi32>], vector<16xf32>,
        tpu.vector_store_idx %arg12[%add3A_153, %broadcast_in_dim3A_167], %gather3A_168 : memref<128x16xf32, #tpu.memory_space<vmem>>[vector<16xi32>, vector<16xi32>], vector<16xf32>,
        %broadcast_in_dim3A_169 = arith.constant 5 : i32
        %broadcast_in_dim3A_170 = vector.broadcast %broadcast_in_dim3A_169 : i32 to vector<16xi32>
        %gather3A_171 = tpu.vector_load_idx %arg11[%broadcast_in_dim3A_170, %add3A_153] : memref<16x128xf32, #tpu.memory_space<vmem>>[vector<16xi32>, vector<16xi32>], vector<16xf32>,
        tpu.vector_store_idx %arg12[%add3A_153, %broadcast_in_dim3A_170], %gather3A_171 : memref<128x16xf32, #tpu.memory_space<vmem>>[vector<16xi32>, vector<16xi32>], vector<16xf32>,
        %broadcast_in_dim3A_172 = arith.constant 6 : i32
        %broadcast_in_dim3A_173 = vector.broadcast %broadcast_in_dim3A_172 : i32 to vector<16xi32>
        %gather3A_174 = tpu.vector_load_idx %arg11[%broadcast_in_dim3A_173, %add3A_153] : memref<16x128xf32, #tpu.memory_space<vmem>>[vector<16xi32>, vector<16xi32>], vector<16xf32>,
        tpu.vector_store_idx %arg12[%add3A_153, %broadcast_in_dim3A_173], %gather3A_174 : memref<128x16xf32, #tpu.memory_space<vmem>>[vector<16xi32>, vector<16xi32>], vector<16xf32>,
        %broadcast_in_dim3A_175 = arith.constant 7 : i32
        %broadcast_in_dim3A_176 = vector.broadcast %broadcast_in_dim3A_175 : i32 to vector<16xi32>
        %gather3A_177 = tpu.vector_load_idx %arg11[%broadcast_in_dim3A_176, %add3A_153] : memref<16x128xf32, #tpu.memory_space<vmem>>[vector<16xi32>, vector<16xi32>], vector<16xf32>,
        tpu.vector_store_idx %arg12[%add3A_153, %broadcast_in_dim3A_176], %gather3A_177 : memref<128x16xf32, #tpu.memory_space<vmem>>[vector<16xi32>, vector<16xi32>], vector<16xf32>,
        %broadcast_in_dim3A_178 = arith.constant 8 : i32
        %broadcast_in_dim3A_179 = vector.broadcast %broadcast_in_dim3A_178 : i32 to vector<16xi32>
        %gather3A_180 = tpu.vector_load_idx %arg11[%broadcast_in_dim3A_179, %add3A_153] : memref<16x128xf32, #tpu.memory_space<vmem>>[vector<16xi32>, vector<16xi32>], vector<16xf32>,
        tpu.vector_store_idx %arg12[%add3A_153, %broadcast_in_dim3A_179], %gather3A_180 : memref<128x16xf32, #tpu.memory_space<vmem>>[vector<16xi32>, vector<16xi32>], vector<16xf32>,
        %broadcast_in_dim3A_181 = arith.constant 9 : i32
        %broadcast_in_dim3A_182 = vector.broadcast %broadcast_in_dim3A_181 : i32 to vector<16xi32>
        %gather3A_183 = tpu.vector_load_idx %arg11[%broadcast_in_dim3A_182, %add3A_153] : memref<16x128xf32, #tpu.memory_space<vmem>>[vector<16xi32>, vector<16xi32>], vector<16xf32>,
        tpu.vector_store_idx %arg12[%add3A_153, %broadcast_in_dim3A_182], %gather3A_183 : memref<128x16xf32, #tpu.memory_space<vmem>>[vector<16xi32>, vector<16xi32>], vector<16xf32>,
        %broadcast_in_dim3A_184 = arith.constant 10 : i32
        %broadcast_in_dim3A_185 = vector.broadcast %broadcast_in_dim3A_184 : i32 to vector<16xi32>
        %gather3A_186 = tpu.vector_load_idx %arg11[%broadcast_in_dim3A_185, %add3A_153] : memref<16x128xf32, #tpu.memory_space<vmem>>[vector<16xi32>, vector<16xi32>], vector<16xf32>,
        tpu.vector_store_idx %arg12[%add3A_153, %broadcast_in_dim3A_185], %gather3A_186 : memref<128x16xf32, #tpu.memory_space<vmem>>[vector<16xi32>, vector<16xi32>], vector<16xf32>,
        %broadcast_in_dim3A_187 = arith.constant 11 : i32
        %broadcast_in_dim3A_188 = vector.broadcast %broadcast_in_dim3A_187 : i32 to vector<16xi32>
        %gather3A_189 = tpu.vector_load_idx %arg11[%broadcast_in_dim3A_188, %add3A_153] : memref<16x128xf32, #tpu.memory_space<vmem>>[vector<16xi32>, vector<16xi32>], vector<16xf32>,
        tpu.vector_store_idx %arg12[%add3A_153, %broadcast_in_dim3A_188], %gather3A_189 : memref<128x16xf32, #tpu.memory_space<vmem>>[vector<16xi32>, vector<16xi32>], vector<16xf32>,
        %broadcast_in_dim3A_190 = arith.constant 12 : i32
        %broadcast_in_dim3A_191 = vector.broadcast %broadcast_in_dim3A_190 : i32 to vector<16xi32>
        %gather3A_192 = tpu.vector_load_idx %arg11[%broadcast_in_dim3A_191, %add3A_153] : memref<16x128xf32, #tpu.memory_space<vmem>>[vector<16xi32>, vector<16xi32>], vector<16xf32>,
        tpu.vector_store_idx %arg12[%add3A_153, %broadcast_in_dim3A_191], %gather3A_192 : memref<128x16xf32, #tpu.memory_space<vmem>>[vector<16xi32>, vector<16xi32>], vector<16xf32>,
        %broadcast_in_dim3A_193 = arith.constant 13 : i32
        %broadcast_in_dim3A_194 = vector.broadcast %broadcast_in_dim3A_193 : i32 to vector<16xi32>
        %gather3A_195 = tpu.vector_load_idx %arg11[%broadcast_in_dim3A_194, %add3A_153] : memref<16x128xf32, #tpu.memory_space<vmem>>[vector<16xi32>, vector<16xi32>], vector<16xf32>,
        tpu.vector_store_idx %arg12[%add3A_153, %broadcast_in_dim3A_194], %gather3A_195 : memref<128x16xf32, #tpu.memory_space<vmem>>[vector<16xi32>, vector<16xi32>], vector<16xf32>,
        %broadcast_in_dim3A_196 = arith.constant 14 : i32
        %broadcast_in_dim3A_197 = vector.broadcast %broadcast_in_dim3A_196 : i32 to vector<16xi32>
        %gather3A_198 = tpu.vector_load_idx %arg11[%broadcast_in_dim3A_197, %add3A_153] : memref<16x128xf32, #tpu.memory_space<vmem>>[vector<16xi32>, vector<16xi32>], vector<16xf32>,
        tpu.vector_store_idx %arg12[%add3A_153, %broadcast_in_dim3A_197], %gather3A_198 : memref<128x16xf32, #tpu.memory_space<vmem>>[vector<16xi32>, vector<16xi32>], vector<16xf32>,
        %broadcast_in_dim3A_199 = arith.constant 15 : i32
        %broadcast_in_dim3A_200 = vector.broadcast %broadcast_in_dim3A_199 : i32 to vector<16xi32>
        %gather3A_201 = tpu.vector_load_idx %arg11[%broadcast_in_dim3A_200, %add3A_153] : memref<16x128xf32, #tpu.memory_space<vmem>>[vector<16xi32>, vector<16xi32>], vector<16xf32>,
        tpu.vector_store_idx %arg12[%add3A_153, %broadcast_in_dim3A_200], %gather3A_201 : memref<128x16xf32, #tpu.memory_space<vmem>>[vector<16xi32>, vector<16xi32>], vector<16xf32>,
      }
      %scan3A_141 = arith.constant 8 : i32
      %dma_start3A_142 = arith.constant 1 : i32
      %dma_start3A_143 = arith.constant 0 : i32
      %dma_start3A_144 = arith.constant 0 : i32
      %dma_start3A_145 = tpu.memref_slice %arg5[%dma_start3A_143, %dma_start3A_144] : memref<10240x16xf32, #tpu.memory_space<vmem_shared>> -> memref<10240x16xf32, #tpu.memory_space<vmem_shared>>
      %dma_start3A_146 = tpu.memref_slice %arg16[%dma_start3A_142] : memref<2x!tpu.dma_semaphore, #tpu.memory_space<semaphore_mem>> -> memref<1x!tpu.dma_semaphore, #tpu.memory_space<semaphore_mem>>
      %dma_start3A_147 = tpu.memref_squeeze %dma_start3A_146 : memref<1x!tpu.dma_semaphore, #tpu.memory_space<semaphore_mem>> -> memref<!tpu.dma_semaphore, #tpu.memory_space<semaphore_mem>>
      tpu.enqueue_indirect_dma source(%arg12 : memref<128x16xf32, #tpu.memory_space<vmem>>) target(%dma_start3A_145 : memref<10240x16xf32, #tpu.memory_space<vmem_shared>>) offsets(%arg10 : memref<128xi32, #tpu.memory_space<vmem>>) semaphore(%dma_start3A_147 : memref<!tpu.dma_semaphore, #tpu.memory_space<semaphore_mem>>) {add = true}
    }
    %scan3A_15 = arith.constant 19 : i32
    %dma_wait3A = arith.constant 0 : i32
    %dma_wait3A_16 = arith.constant 0 : i32
    %dma_wait3A_17 = arith.constant 0 : i32
    %dma_wait3A_18 = tpu.memref_slice %arg5[%dma_wait3A_16, %dma_wait3A_17] : memref<10240x16xf32, #tpu.memory_space<vmem_shared>> -> memref<10240x16xf32, #tpu.memory_space<vmem_shared>>
    %dma_wait3A_19 = tpu.memref_slice %arg16[%dma_wait3A] : memref<2x!tpu.dma_semaphore, #tpu.memory_space<semaphore_mem>> -> memref<1x!tpu.dma_semaphore, #tpu.memory_space<semaphore_mem>>
    %dma_wait3A_20 = tpu.memref_squeeze %dma_wait3A_19 : memref<1x!tpu.dma_semaphore, #tpu.memory_space<semaphore_mem>> -> memref<!tpu.dma_semaphore, #tpu.memory_space<semaphore_mem>>
    tpu.wait_indirect_dma semaphore(%dma_wait3A_20 : memref<!tpu.dma_semaphore, #tpu.memory_space<semaphore_mem>>) src(%arg9 : memref<128x16xf32, #tpu.memory_space<vmem>>) dst(%dma_wait3A_18 : memref<10240x16xf32, #tpu.memory_space<vmem_shared>>)
    %add3A_21 = arith.constant 4864 : i32
    %add3A_22 = arith.addi %mul3A_9, %add3A_21 : i32
    "tpu.region"() ({
      %run_scoped3A = tpu.sem_alloc : memref<!tpu.dma_semaphore, #tpu.memory_space<semaphore_mem>>
      %dma_start3A_104 = tpu.memref_slice %arg3[%add3A_22] : memref<160000xi32, #tpu.memory_space<hbm>> -> memref<128xi32, #tpu.memory_space<hbm>>
      %dma_start3A_105 = tpu.memref_slice %arg3[%add3A_22] : memref<160000xi32, #tpu.memory_space<hbm>> -> memref<128xi32, #tpu.memory_space<hbm>>
      tpu.enqueue_dma source(%dma_start3A_105 : memref<128xi32, #tpu.memory_space<hbm>>) target(%arg7 : memref<128xi32, #tpu.memory_space<vmem>>) target_semaphore(%run_scoped3A : memref<!tpu.dma_semaphore, #tpu.memory_space<semaphore_mem>>)
      %dma_wait3A_106 = tpu.memref_slice %arg3[%add3A_22] : memref<160000xi32, #tpu.memory_space<hbm>> -> memref<128xi32, #tpu.memory_space<hbm>>
      %dma_wait3A_107 = tpu.memref_slice %arg3[%add3A_22] : memref<160000xi32, #tpu.memory_space<hbm>> -> memref<128xi32, #tpu.memory_space<hbm>>
      tpu.wait_dma2 semaphore(%run_scoped3A : memref<!tpu.dma_semaphore, #tpu.memory_space<semaphore_mem>>) src(%dma_wait3A_107 : memref<128xi32, #tpu.memory_space<hbm>>) dst(%arg7 : memref<128xi32, #tpu.memory_space<vmem>>)
      tpu.yield
    }) : () -> ()
    "tpu.region"() ({
      %run_scoped3A = tpu.sem_alloc : memref<!tpu.dma_semaphore, #tpu.memory_space<semaphore_mem>>
      %dma_start3A_104 = arith.constant 0 : i32
      %dma_start3A_105 = tpu.memref_slice %arg2[%dma_start3A_104, %add3A_22] : memref<16x160000xf32, #tpu.memory_space<hbm>> -> memref<16x128xf32, #tpu.memory_space<hbm>>
      %dma_start3A_106 = arith.constant 0 : i32
      %dma_start3A_107 = tpu.memref_slice %arg2[%dma_start3A_106, %add3A_22] : memref<16x160000xf32, #tpu.memory_space<hbm>> -> memref<16x128xf32, #tpu.memory_space<hbm>>
      tpu.enqueue_dma source(%dma_start3A_107 : memref<16x128xf32, #tpu.memory_space<hbm>>) target(%arg8 : memref<16x128xf32, #tpu.memory_space<vmem>>) target_semaphore(%run_scoped3A : memref<!tpu.dma_semaphore, #tpu.memory_space<semaphore_mem>>)
      %dma_wait3A_108 = arith.constant 0 : i32
      %dma_wait3A_109 = tpu.memref_slice %arg2[%dma_wait3A_108, %add3A_22] : memref<16x160000xf32, #tpu.memory_space<hbm>> -> memref<16x128xf32, #tpu.memory_space<hbm>>
      %dma_wait3A_110 = arith.constant 0 : i32
      %dma_wait3A_111 = tpu.memref_slice %arg2[%dma_wait3A_110, %add3A_22] : memref<16x160000xf32, #tpu.memory_space<hbm>> -> memref<16x128xf32, #tpu.memory_space<hbm>>
      tpu.wait_dma2 semaphore(%run_scoped3A : memref<!tpu.dma_semaphore, #tpu.memory_space<semaphore_mem>>) src(%dma_wait3A_111 : memref<16x128xf32, #tpu.memory_space<hbm>>) dst(%arg8 : memref<16x128xf32, #tpu.memory_space<vmem>>)
      tpu.yield
    }) : () -> ()
    %scan3A_23 = arith.constant 0 : i32
    %scan3A_24 = arith.constant 0 : i32
    %scan3A_25 = arith.constant 8 : i32
    %scan3A_26 = arith.addi %scan3A_24, %scan3A_25 : i32
    %scan3A_27 = arith.constant 1 : i32
    scf.for %scan3A_104 = %scan3A_24 to %scan3A_26 step %scan3A_27  : i32 {
      %mul3A_105 = arith.constant 16 : i32
      %mul3A_106 = arith.muli %scan3A_104, %mul3A_105 : i32
      %iota3A_107 = tpu.iota {dimensions = array<i32: 0>} : vector<16xi32>
      %add3A_108 = vector.broadcast %mul3A_106 : i32 to vector<16xi32>
      %add3A_109 = arith.addi %add3A_108, %iota3A_107 : vector<16xi32>
      %broadcast_in_dim3A_110 = arith.constant 0 : i32
      %broadcast_in_dim3A_111 = vector.broadcast %broadcast_in_dim3A_110 : i32 to vector<16xi32>
      %gather3A_112 = tpu.vector_load_idx %arg8[%broadcast_in_dim3A_111, %add3A_109] : memref<16x128xf32, #tpu.memory_space<vmem>>[vector<16xi32>, vector<16xi32>], vector<16xf32>,
      tpu.vector_store_idx %arg9[%add3A_109, %broadcast_in_dim3A_111], %gather3A_112 : memref<128x16xf32, #tpu.memory_space<vmem>>[vector<16xi32>, vector<16xi32>], vector<16xf32>,
      %broadcast_in_dim3A_113 = arith.constant 1 : i32
      %broadcast_in_dim3A_114 = vector.broadcast %broadcast_in_dim3A_113 : i32 to vector<16xi32>
      %gather3A_115 = tpu.vector_load_idx %arg8[%broadcast_in_dim3A_114, %add3A_109] : memref<16x128xf32, #tpu.memory_space<vmem>>[vector<16xi32>, vector<16xi32>], vector<16xf32>,
      tpu.vector_store_idx %arg9[%add3A_109, %broadcast_in_dim3A_114], %gather3A_115 : memref<128x16xf32, #tpu.memory_space<vmem>>[vector<16xi32>, vector<16xi32>], vector<16xf32>,
      %broadcast_in_dim3A_116 = arith.constant 2 : i32
      %broadcast_in_dim3A_117 = vector.broadcast %broadcast_in_dim3A_116 : i32 to vector<16xi32>
      %gather3A_118 = tpu.vector_load_idx %arg8[%broadcast_in_dim3A_117, %add3A_109] : memref<16x128xf32, #tpu.memory_space<vmem>>[vector<16xi32>, vector<16xi32>], vector<16xf32>,
      tpu.vector_store_idx %arg9[%add3A_109, %broadcast_in_dim3A_117], %gather3A_118 : memref<128x16xf32, #tpu.memory_space<vmem>>[vector<16xi32>, vector<16xi32>], vector<16xf32>,
      %broadcast_in_dim3A_119 = arith.constant 3 : i32
      %broadcast_in_dim3A_120 = vector.broadcast %broadcast_in_dim3A_119 : i32 to vector<16xi32>
      %gather3A_121 = tpu.vector_load_idx %arg8[%broadcast_in_dim3A_120, %add3A_109] : memref<16x128xf32, #tpu.memory_space<vmem>>[vector<16xi32>, vector<16xi32>], vector<16xf32>,
      tpu.vector_store_idx %arg9[%add3A_109, %broadcast_in_dim3A_120], %gather3A_121 : memref<128x16xf32, #tpu.memory_space<vmem>>[vector<16xi32>, vector<16xi32>], vector<16xf32>,
      %broadcast_in_dim3A_122 = arith.constant 4 : i32
      %broadcast_in_dim3A_123 = vector.broadcast %broadcast_in_dim3A_122 : i32 to vector<16xi32>
      %gather3A_124 = tpu.vector_load_idx %arg8[%broadcast_in_dim3A_123, %add3A_109] : memref<16x128xf32, #tpu.memory_space<vmem>>[vector<16xi32>, vector<16xi32>], vector<16xf32>,
      tpu.vector_store_idx %arg9[%add3A_109, %broadcast_in_dim3A_123], %gather3A_124 : memref<128x16xf32, #tpu.memory_space<vmem>>[vector<16xi32>, vector<16xi32>], vector<16xf32>,
      %broadcast_in_dim3A_125 = arith.constant 5 : i32
      %broadcast_in_dim3A_126 = vector.broadcast %broadcast_in_dim3A_125 : i32 to vector<16xi32>
      %gather3A_127 = tpu.vector_load_idx %arg8[%broadcast_in_dim3A_126, %add3A_109] : memref<16x128xf32, #tpu.memory_space<vmem>>[vector<16xi32>, vector<16xi32>], vector<16xf32>,
      tpu.vector_store_idx %arg9[%add3A_109, %broadcast_in_dim3A_126], %gather3A_127 : memref<128x16xf32, #tpu.memory_space<vmem>>[vector<16xi32>, vector<16xi32>], vector<16xf32>,
      %broadcast_in_dim3A_128 = arith.constant 6 : i32
      %broadcast_in_dim3A_129 = vector.broadcast %broadcast_in_dim3A_128 : i32 to vector<16xi32>
      %gather3A_130 = tpu.vector_load_idx %arg8[%broadcast_in_dim3A_129, %add3A_109] : memref<16x128xf32, #tpu.memory_space<vmem>>[vector<16xi32>, vector<16xi32>], vector<16xf32>,
      tpu.vector_store_idx %arg9[%add3A_109, %broadcast_in_dim3A_129], %gather3A_130 : memref<128x16xf32, #tpu.memory_space<vmem>>[vector<16xi32>, vector<16xi32>], vector<16xf32>,
      %broadcast_in_dim3A_131 = arith.constant 7 : i32
      %broadcast_in_dim3A_132 = vector.broadcast %broadcast_in_dim3A_131 : i32 to vector<16xi32>
      %gather3A_133 = tpu.vector_load_idx %arg8[%broadcast_in_dim3A_132, %add3A_109] : memref<16x128xf32, #tpu.memory_space<vmem>>[vector<16xi32>, vector<16xi32>], vector<16xf32>,
      tpu.vector_store_idx %arg9[%add3A_109, %broadcast_in_dim3A_132], %gather3A_133 : memref<128x16xf32, #tpu.memory_space<vmem>>[vector<16xi32>, vector<16xi32>], vector<16xf32>,
      %broadcast_in_dim3A_134 = arith.constant 8 : i32
      %broadcast_in_dim3A_135 = vector.broadcast %broadcast_in_dim3A_134 : i32 to vector<16xi32>
      %gather3A_136 = tpu.vector_load_idx %arg8[%broadcast_in_dim3A_135, %add3A_109] : memref<16x128xf32, #tpu.memory_space<vmem>>[vector<16xi32>, vector<16xi32>], vector<16xf32>,
      tpu.vector_store_idx %arg9[%add3A_109, %broadcast_in_dim3A_135], %gather3A_136 : memref<128x16xf32, #tpu.memory_space<vmem>>[vector<16xi32>, vector<16xi32>], vector<16xf32>,
      %broadcast_in_dim3A_137 = arith.constant 9 : i32
      %broadcast_in_dim3A_138 = vector.broadcast %broadcast_in_dim3A_137 : i32 to vector<16xi32>
      %gather3A_139 = tpu.vector_load_idx %arg8[%broadcast_in_dim3A_138, %add3A_109] : memref<16x128xf32, #tpu.memory_space<vmem>>[vector<16xi32>, vector<16xi32>], vector<16xf32>,
      tpu.vector_store_idx %arg9[%add3A_109, %broadcast_in_dim3A_138], %gather3A_139 : memref<128x16xf32, #tpu.memory_space<vmem>>[vector<16xi32>, vector<16xi32>], vector<16xf32>,
      %broadcast_in_dim3A_140 = arith.constant 10 : i32
      %broadcast_in_dim3A_141 = vector.broadcast %broadcast_in_dim3A_140 : i32 to vector<16xi32>
      %gather3A_142 = tpu.vector_load_idx %arg8[%broadcast_in_dim3A_141, %add3A_109] : memref<16x128xf32, #tpu.memory_space<vmem>>[vector<16xi32>, vector<16xi32>], vector<16xf32>,
      tpu.vector_store_idx %arg9[%add3A_109, %broadcast_in_dim3A_141], %gather3A_142 : memref<128x16xf32, #tpu.memory_space<vmem>>[vector<16xi32>, vector<16xi32>], vector<16xf32>,
      %broadcast_in_dim3A_143 = arith.constant 11 : i32
      %broadcast_in_dim3A_144 = vector.broadcast %broadcast_in_dim3A_143 : i32 to vector<16xi32>
      %gather3A_145 = tpu.vector_load_idx %arg8[%broadcast_in_dim3A_144, %add3A_109] : memref<16x128xf32, #tpu.memory_space<vmem>>[vector<16xi32>, vector<16xi32>], vector<16xf32>,
      tpu.vector_store_idx %arg9[%add3A_109, %broadcast_in_dim3A_144], %gather3A_145 : memref<128x16xf32, #tpu.memory_space<vmem>>[vector<16xi32>, vector<16xi32>], vector<16xf32>,
      %broadcast_in_dim3A_146 = arith.constant 12 : i32
      %broadcast_in_dim3A_147 = vector.broadcast %broadcast_in_dim3A_146 : i32 to vector<16xi32>
      %gather3A_148 = tpu.vector_load_idx %arg8[%broadcast_in_dim3A_147, %add3A_109] : memref<16x128xf32, #tpu.memory_space<vmem>>[vector<16xi32>, vector<16xi32>], vector<16xf32>,
      tpu.vector_store_idx %arg9[%add3A_109, %broadcast_in_dim3A_147], %gather3A_148 : memref<128x16xf32, #tpu.memory_space<vmem>>[vector<16xi32>, vector<16xi32>], vector<16xf32>,
      %broadcast_in_dim3A_149 = arith.constant 13 : i32
      %broadcast_in_dim3A_150 = vector.broadcast %broadcast_in_dim3A_149 : i32 to vector<16xi32>
      %gather3A_151 = tpu.vector_load_idx %arg8[%broadcast_in_dim3A_150, %add3A_109] : memref<16x128xf32, #tpu.memory_space<vmem>>[vector<16xi32>, vector<16xi32>], vector<16xf32>,
      tpu.vector_store_idx %arg9[%add3A_109, %broadcast_in_dim3A_150], %gather3A_151 : memref<128x16xf32, #tpu.memory_space<vmem>>[vector<16xi32>, vector<16xi32>], vector<16xf32>,
      %broadcast_in_dim3A_152 = arith.constant 14 : i32
      %broadcast_in_dim3A_153 = vector.broadcast %broadcast_in_dim3A_152 : i32 to vector<16xi32>
      %gather3A_154 = tpu.vector_load_idx %arg8[%broadcast_in_dim3A_153, %add3A_109] : memref<16x128xf32, #tpu.memory_space<vmem>>[vector<16xi32>, vector<16xi32>], vector<16xf32>,
      tpu.vector_store_idx %arg9[%add3A_109, %broadcast_in_dim3A_153], %gather3A_154 : memref<128x16xf32, #tpu.memory_space<vmem>>[vector<16xi32>, vector<16xi32>], vector<16xf32>,
      %broadcast_in_dim3A_155 = arith.constant 15 : i32
      %broadcast_in_dim3A_156 = vector.broadcast %broadcast_in_dim3A_155 : i32 to vector<16xi32>
      %gather3A_157 = tpu.vector_load_idx %arg8[%broadcast_in_dim3A_156, %add3A_109] : memref<16x128xf32, #tpu.memory_space<vmem>>[vector<16xi32>, vector<16xi32>], vector<16xf32>,
      tpu.vector_store_idx %arg9[%add3A_109, %broadcast_in_dim3A_156], %gather3A_157 : memref<128x16xf32, #tpu.memory_space<vmem>>[vector<16xi32>, vector<16xi32>], vector<16xf32>,
    }
    %scan3A_28 = arith.constant 8 : i32
    %dma_start3A = arith.constant 0 : i32
    %dma_start3A_29 = arith.constant 0 : i32
    %dma_start3A_30 = arith.constant 0 : i32
    %dma_start3A_31 = tpu.memref_slice %arg5[%dma_start3A_29, %dma_start3A_30] : memref<10240x16xf32, #tpu.memory_space<vmem_shared>> -> memref<10240x16xf32, #tpu.memory_space<vmem_shared>>
    %dma_start3A_32 = tpu.memref_slice %arg16[%dma_start3A] : memref<2x!tpu.dma_semaphore, #tpu.memory_space<semaphore_mem>> -> memref<1x!tpu.dma_semaphore, #tpu.memory_space<semaphore_mem>>
    %dma_start3A_33 = tpu.memref_squeeze %dma_start3A_32 : memref<1x!tpu.dma_semaphore, #tpu.memory_space<semaphore_mem>> -> memref<!tpu.dma_semaphore, #tpu.memory_space<semaphore_mem>>
    tpu.enqueue_indirect_dma source(%arg9 : memref<128x16xf32, #tpu.memory_space<vmem>>) target(%dma_start3A_31 : memref<10240x16xf32, #tpu.memory_space<vmem_shared>>) offsets(%arg7 : memref<128xi32, #tpu.memory_space<vmem>>) semaphore(%dma_start3A_33 : memref<!tpu.dma_semaphore, #tpu.memory_space<semaphore_mem>>) {add = true}
    %dma_wait3A_34 = arith.constant 1 : i32
    %dma_wait3A_35 = arith.constant 0 : i32
    %dma_wait3A_36 = arith.constant 0 : i32
    %dma_wait3A_37 = tpu.memref_slice %arg5[%dma_wait3A_35, %dma_wait3A_36] : memref<10240x16xf32, #tpu.memory_space<vmem_shared>> -> memref<10240x16xf32, #tpu.memory_space<vmem_shared>>
    %dma_wait3A_38 = tpu.memref_slice %arg16[%dma_wait3A_34] : memref<2x!tpu.dma_semaphore, #tpu.memory_space<semaphore_mem>> -> memref<1x!tpu.dma_semaphore, #tpu.memory_space<semaphore_mem>>
    %dma_wait3A_39 = tpu.memref_squeeze %dma_wait3A_38 : memref<1x!tpu.dma_semaphore, #tpu.memory_space<semaphore_mem>> -> memref<!tpu.dma_semaphore, #tpu.memory_space<semaphore_mem>>
    tpu.wait_indirect_dma semaphore(%dma_wait3A_39 : memref<!tpu.dma_semaphore, #tpu.memory_space<semaphore_mem>>) src(%arg12 : memref<128x16xf32, #tpu.memory_space<vmem>>) dst(%dma_wait3A_37 : memref<10240x16xf32, #tpu.memory_space<vmem_shared>>)
    %dma_wait3A_40 = arith.constant 0 : i32
    %dma_wait3A_41 = arith.constant 0 : i32
    %dma_wait3A_42 = arith.constant 0 : i32
    %dma_wait3A_43 = tpu.memref_slice %arg5[%dma_wait3A_41, %dma_wait3A_42] : memref<10240x16xf32, #tpu.memory_space<vmem_shared>> -> memref<10240x16xf32, #tpu.memory_space<vmem_shared>>
    %dma_wait3A_44 = tpu.memref_slice %arg16[%dma_wait3A_40] : memref<2x!tpu.dma_semaphore, #tpu.memory_space<semaphore_mem>> -> memref<1x!tpu.dma_semaphore, #tpu.memory_space<semaphore_mem>>
    %dma_wait3A_45 = tpu.memref_squeeze %dma_wait3A_44 : memref<1x!tpu.dma_semaphore, #tpu.memory_space<semaphore_mem>> -> memref<!tpu.dma_semaphore, #tpu.memory_space<semaphore_mem>>
    tpu.wait_indirect_dma semaphore(%dma_wait3A_45 : memref<!tpu.dma_semaphore, #tpu.memory_space<semaphore_mem>>) src(%arg9 : memref<128x16xf32, #tpu.memory_space<vmem>>) dst(%dma_wait3A_43 : memref<10240x16xf32, #tpu.memory_space<vmem_shared>>)
    %add3A_46 = arith.constant 4992 : i32
    %add3A_47 = arith.addi %mul3A_9, %add3A_46 : i32
    "tpu.region"() ({
      %run_scoped3A = tpu.sem_alloc : memref<!tpu.dma_semaphore, #tpu.memory_space<semaphore_mem>>
      %dma_start3A_104 = tpu.memref_slice %arg3[%add3A_47] : memref<160000xi32, #tpu.memory_space<hbm>> -> memref<8xi32, #tpu.memory_space<hbm>>
      %dma_start3A_105 = tpu.memref_slice %arg3[%add3A_47] : memref<160000xi32, #tpu.memory_space<hbm>> -> memref<8xi32, #tpu.memory_space<hbm>>
      tpu.enqueue_dma source(%dma_start3A_105 : memref<8xi32, #tpu.memory_space<hbm>>) target(%arg13 : memref<8xi32, #tpu.memory_space<vmem>>) target_semaphore(%run_scoped3A : memref<!tpu.dma_semaphore, #tpu.memory_space<semaphore_mem>>)
      %dma_wait3A_106 = tpu.memref_slice %arg3[%add3A_47] : memref<160000xi32, #tpu.memory_space<hbm>> -> memref<8xi32, #tpu.memory_space<hbm>>
      %dma_wait3A_107 = tpu.memref_slice %arg3[%add3A_47] : memref<160000xi32, #tpu.memory_space<hbm>> -> memref<8xi32, #tpu.memory_space<hbm>>
      tpu.wait_dma2 semaphore(%run_scoped3A : memref<!tpu.dma_semaphore, #tpu.memory_space<semaphore_mem>>) src(%dma_wait3A_107 : memref<8xi32, #tpu.memory_space<hbm>>) dst(%arg13 : memref<8xi32, #tpu.memory_space<vmem>>)
      tpu.yield
    }) : () -> ()
    "tpu.region"() ({
      %run_scoped3A = tpu.sem_alloc : memref<!tpu.dma_semaphore, #tpu.memory_space<semaphore_mem>>
      %dma_start3A_104 = arith.constant 0 : i32
      %dma_start3A_105 = tpu.memref_slice %arg2[%dma_start3A_104, %add3A_47] : memref<16x160000xf32, #tpu.memory_space<hbm>> -> memref<16x8xf32, #tpu.memory_space<hbm>>
      %dma_start3A_106 = arith.constant 0 : i32
      %dma_start3A_107 = tpu.memref_slice %arg2[%dma_start3A_106, %add3A_47] : memref<16x160000xf32, #tpu.memory_space<hbm>> -> memref<16x8xf32, #tpu.memory_space<hbm>>
      tpu.enqueue_dma source(%dma_start3A_107 : memref<16x8xf32, #tpu.memory_space<hbm>>) target(%arg14 : memref<16x8xf32, #tpu.memory_space<vmem>>) target_semaphore(%run_scoped3A : memref<!tpu.dma_semaphore, #tpu.memory_space<semaphore_mem>>)
      %dma_wait3A_108 = arith.constant 0 : i32
      %dma_wait3A_109 = tpu.memref_slice %arg2[%dma_wait3A_108, %add3A_47] : memref<16x160000xf32, #tpu.memory_space<hbm>> -> memref<16x8xf32, #tpu.memory_space<hbm>>
      %dma_wait3A_110 = arith.constant 0 : i32
      %dma_wait3A_111 = tpu.memref_slice %arg2[%dma_wait3A_110, %add3A_47] : memref<16x160000xf32, #tpu.memory_space<hbm>> -> memref<16x8xf32, #tpu.memory_space<hbm>>
      tpu.wait_dma2 semaphore(%run_scoped3A : memref<!tpu.dma_semaphore, #tpu.memory_space<semaphore_mem>>) src(%dma_wait3A_111 : memref<16x8xf32, #tpu.memory_space<hbm>>) dst(%arg14 : memref<16x8xf32, #tpu.memory_space<vmem>>)
      tpu.yield
    }) : () -> ()
    %iota3A = tpu.iota {dimensions = array<i32: 0>} : vector<16xi32>
    %lt3A = arith.constant 8 : i32
    %lt3A_48 = vector.broadcast %lt3A : i32 to vector<16xi32>
    %lt3A_49 = arith.cmpi slt, %iota3A, %lt3A_48 : vector<16xi32>
    %broadcast_in_dim3A = arith.constant 0 : i32
    %broadcast_in_dim3A_50 = vector.broadcast %broadcast_in_dim3A : i32 to vector<16xi32>
    %gather3A = tpu.vector_load_idx %arg14[%broadcast_in_dim3A_50, %iota3A] masked %lt3A_49 : memref<16x8xf32, #tpu.memory_space<vmem>>[vector<16xi32>, vector<16xi32>], vector<16xf32>, vector<16xi1>
    tpu.vector_store_idx %arg15[%iota3A, %broadcast_in_dim3A_50], %gather3A masked %lt3A_49 : memref<16x16xf32, #tpu.memory_space<vmem>>[vector<16xi32>, vector<16xi32>], vector<16xf32>, vector<16xi1>
    %broadcast_in_dim3A_51 = arith.constant 1 : i32
    %broadcast_in_dim3A_52 = vector.broadcast %broadcast_in_dim3A_51 : i32 to vector<16xi32>
    %gather3A_53 = tpu.vector_load_idx %arg14[%broadcast_in_dim3A_52, %iota3A] masked %lt3A_49 : memref<16x8xf32, #tpu.memory_space<vmem>>[vector<16xi32>, vector<16xi32>], vector<16xf32>, vector<16xi1>
    tpu.vector_store_idx %arg15[%iota3A, %broadcast_in_dim3A_52], %gather3A_53 masked %lt3A_49 : memref<16x16xf32, #tpu.memory_space<vmem>>[vector<16xi32>, vector<16xi32>], vector<16xf32>, vector<16xi1>
    %broadcast_in_dim3A_54 = arith.constant 2 : i32
    %broadcast_in_dim3A_55 = vector.broadcast %broadcast_in_dim3A_54 : i32 to vector<16xi32>
    %gather3A_56 = tpu.vector_load_idx %arg14[%broadcast_in_dim3A_55, %iota3A] masked %lt3A_49 : memref<16x8xf32, #tpu.memory_space<vmem>>[vector<16xi32>, vector<16xi32>], vector<16xf32>, vector<16xi1>
    tpu.vector_store_idx %arg15[%iota3A, %broadcast_in_dim3A_55], %gather3A_56 masked %lt3A_49 : memref<16x16xf32, #tpu.memory_space<vmem>>[vector<16xi32>, vector<16xi32>], vector<16xf32>, vector<16xi1>
    %broadcast_in_dim3A_57 = arith.constant 3 : i32
    %broadcast_in_dim3A_58 = vector.broadcast %broadcast_in_dim3A_57 : i32 to vector<16xi32>
    %gather3A_59 = tpu.vector_load_idx %arg14[%broadcast_in_dim3A_58, %iota3A] masked %lt3A_49 : memref<16x8xf32, #tpu.memory_space<vmem>>[vector<16xi32>, vector<16xi32>], vector<16xf32>, vector<16xi1>
    tpu.vector_store_idx %arg15[%iota3A, %broadcast_in_dim3A_58], %gather3A_59 masked %lt3A_49 : memref<16x16xf32, #tpu.memory_space<vmem>>[vector<16xi32>, vector<16xi32>], vector<16xf32>, vector<16xi1>
    %broadcast_in_dim3A_60 = arith.constant 4 : i32
    %broadcast_in_dim3A_61 = vector.broadcast %broadcast_in_dim3A_60 : i32 to vector<16xi32>
    %gather3A_62 = tpu.vector_load_idx %arg14[%broadcast_in_dim3A_61, %iota3A] masked %lt3A_49 : memref<16x8xf32, #tpu.memory_space<vmem>>[vector<16xi32>, vector<16xi32>], vector<16xf32>, vector<16xi1>
    tpu.vector_store_idx %arg15[%iota3A, %broadcast_in_dim3A_61], %gather3A_62 masked %lt3A_49 : memref<16x16xf32, #tpu.memory_space<vmem>>[vector<16xi32>, vector<16xi32>], vector<16xf32>, vector<16xi1>
    %broadcast_in_dim3A_63 = arith.constant 5 : i32
    %broadcast_in_dim3A_64 = vector.broadcast %broadcast_in_dim3A_63 : i32 to vector<16xi32>
    %gather3A_65 = tpu.vector_load_idx %arg14[%broadcast_in_dim3A_64, %iota3A] masked %lt3A_49 : memref<16x8xf32, #tpu.memory_space<vmem>>[vector<16xi32>, vector<16xi32>], vector<16xf32>, vector<16xi1>
    tpu.vector_store_idx %arg15[%iota3A, %broadcast_in_dim3A_64], %gather3A_65 masked %lt3A_49 : memref<16x16xf32, #tpu.memory_space<vmem>>[vector<16xi32>, vector<16xi32>], vector<16xf32>, vector<16xi1>
    %broadcast_in_dim3A_66 = arith.constant 6 : i32
    %broadcast_in_dim3A_67 = vector.broadcast %broadcast_in_dim3A_66 : i32 to vector<16xi32>
    %gather3A_68 = tpu.vector_load_idx %arg14[%broadcast_in_dim3A_67, %iota3A] masked %lt3A_49 : memref<16x8xf32, #tpu.memory_space<vmem>>[vector<16xi32>, vector<16xi32>], vector<16xf32>, vector<16xi1>
    tpu.vector_store_idx %arg15[%iota3A, %broadcast_in_dim3A_67], %gather3A_68 masked %lt3A_49 : memref<16x16xf32, #tpu.memory_space<vmem>>[vector<16xi32>, vector<16xi32>], vector<16xf32>, vector<16xi1>
    %broadcast_in_dim3A_69 = arith.constant 7 : i32
    %broadcast_in_dim3A_70 = vector.broadcast %broadcast_in_dim3A_69 : i32 to vector<16xi32>
    %gather3A_71 = tpu.vector_load_idx %arg14[%broadcast_in_dim3A_70, %iota3A] masked %lt3A_49 : memref<16x8xf32, #tpu.memory_space<vmem>>[vector<16xi32>, vector<16xi32>], vector<16xf32>, vector<16xi1>
    tpu.vector_store_idx %arg15[%iota3A, %broadcast_in_dim3A_70], %gather3A_71 masked %lt3A_49 : memref<16x16xf32, #tpu.memory_space<vmem>>[vector<16xi32>, vector<16xi32>], vector<16xf32>, vector<16xi1>
    %broadcast_in_dim3A_72 = arith.constant 8 : i32
    %broadcast_in_dim3A_73 = vector.broadcast %broadcast_in_dim3A_72 : i32 to vector<16xi32>
    %gather3A_74 = tpu.vector_load_idx %arg14[%broadcast_in_dim3A_73, %iota3A] masked %lt3A_49 : memref<16x8xf32, #tpu.memory_space<vmem>>[vector<16xi32>, vector<16xi32>], vector<16xf32>, vector<16xi1>
    tpu.vector_store_idx %arg15[%iota3A, %broadcast_in_dim3A_73], %gather3A_74 masked %lt3A_49 : memref<16x16xf32, #tpu.memory_space<vmem>>[vector<16xi32>, vector<16xi32>], vector<16xf32>, vector<16xi1>
    %broadcast_in_dim3A_75 = arith.constant 9 : i32
    %broadcast_in_dim3A_76 = vector.broadcast %broadcast_in_dim3A_75 : i32 to vector<16xi32>
    %gather3A_77 = tpu.vector_load_idx %arg14[%broadcast_in_dim3A_76, %iota3A] masked %lt3A_49 : memref<16x8xf32, #tpu.memory_space<vmem>>[vector<16xi32>, vector<16xi32>], vector<16xf32>, vector<16xi1>
    tpu.vector_store_idx %arg15[%iota3A, %broadcast_in_dim3A_76], %gather3A_77 masked %lt3A_49 : memref<16x16xf32, #tpu.memory_space<vmem>>[vector<16xi32>, vector<16xi32>], vector<16xf32>, vector<16xi1>
    %broadcast_in_dim3A_78 = arith.constant 10 : i32
    %broadcast_in_dim3A_79 = vector.broadcast %broadcast_in_dim3A_78 : i32 to vector<16xi32>
    %gather3A_80 = tpu.vector_load_idx %arg14[%broadcast_in_dim3A_79, %iota3A] masked %lt3A_49 : memref<16x8xf32, #tpu.memory_space<vmem>>[vector<16xi32>, vector<16xi32>], vector<16xf32>, vector<16xi1>
    tpu.vector_store_idx %arg15[%iota3A, %broadcast_in_dim3A_79], %gather3A_80 masked %lt3A_49 : memref<16x16xf32, #tpu.memory_space<vmem>>[vector<16xi32>, vector<16xi32>], vector<16xf32>, vector<16xi1>
    %broadcast_in_dim3A_81 = arith.constant 11 : i32
    %broadcast_in_dim3A_82 = vector.broadcast %broadcast_in_dim3A_81 : i32 to vector<16xi32>
    %gather3A_83 = tpu.vector_load_idx %arg14[%broadcast_in_dim3A_82, %iota3A] masked %lt3A_49 : memref<16x8xf32, #tpu.memory_space<vmem>>[vector<16xi32>, vector<16xi32>], vector<16xf32>, vector<16xi1>
    tpu.vector_store_idx %arg15[%iota3A, %broadcast_in_dim3A_82], %gather3A_83 masked %lt3A_49 : memref<16x16xf32, #tpu.memory_space<vmem>>[vector<16xi32>, vector<16xi32>], vector<16xf32>, vector<16xi1>
    %broadcast_in_dim3A_84 = arith.constant 12 : i32
    %broadcast_in_dim3A_85 = vector.broadcast %broadcast_in_dim3A_84 : i32 to vector<16xi32>
    %gather3A_86 = tpu.vector_load_idx %arg14[%broadcast_in_dim3A_85, %iota3A] masked %lt3A_49 : memref<16x8xf32, #tpu.memory_space<vmem>>[vector<16xi32>, vector<16xi32>], vector<16xf32>, vector<16xi1>
    tpu.vector_store_idx %arg15[%iota3A, %broadcast_in_dim3A_85], %gather3A_86 masked %lt3A_49 : memref<16x16xf32, #tpu.memory_space<vmem>>[vector<16xi32>, vector<16xi32>], vector<16xf32>, vector<16xi1>
    %broadcast_in_dim3A_87 = arith.constant 13 : i32
    %broadcast_in_dim3A_88 = vector.broadcast %broadcast_in_dim3A_87 : i32 to vector<16xi32>
    %gather3A_89 = tpu.vector_load_idx %arg14[%broadcast_in_dim3A_88, %iota3A] masked %lt3A_49 : memref<16x8xf32, #tpu.memory_space<vmem>>[vector<16xi32>, vector<16xi32>], vector<16xf32>, vector<16xi1>
    tpu.vector_store_idx %arg15[%iota3A, %broadcast_in_dim3A_88], %gather3A_89 masked %lt3A_49 : memref<16x16xf32, #tpu.memory_space<vmem>>[vector<16xi32>, vector<16xi32>], vector<16xf32>, vector<16xi1>
    %broadcast_in_dim3A_90 = arith.constant 14 : i32
    %broadcast_in_dim3A_91 = vector.broadcast %broadcast_in_dim3A_90 : i32 to vector<16xi32>
    %gather3A_92 = tpu.vector_load_idx %arg14[%broadcast_in_dim3A_91, %iota3A] masked %lt3A_49 : memref<16x8xf32, #tpu.memory_space<vmem>>[vector<16xi32>, vector<16xi32>], vector<16xf32>, vector<16xi1>
    tpu.vector_store_idx %arg15[%iota3A, %broadcast_in_dim3A_91], %gather3A_92 masked %lt3A_49 : memref<16x16xf32, #tpu.memory_space<vmem>>[vector<16xi32>, vector<16xi32>], vector<16xf32>, vector<16xi1>
    %broadcast_in_dim3A_93 = arith.constant 15 : i32
    %broadcast_in_dim3A_94 = vector.broadcast %broadcast_in_dim3A_93 : i32 to vector<16xi32>
    %gather3A_95 = tpu.vector_load_idx %arg14[%broadcast_in_dim3A_94, %iota3A] masked %lt3A_49 : memref<16x8xf32, #tpu.memory_space<vmem>>[vector<16xi32>, vector<16xi32>], vector<16xf32>, vector<16xi1>
    tpu.vector_store_idx %arg15[%iota3A, %broadcast_in_dim3A_94], %gather3A_95 masked %lt3A_49 : memref<16x16xf32, #tpu.memory_space<vmem>>[vector<16xi32>, vector<16xi32>], vector<16xf32>, vector<16xi1>
    "tpu.region"() ({
      %run_scoped3A = tpu.sem_alloc : memref<!tpu.dma_semaphore, #tpu.memory_space<semaphore_mem>>
      %dma_start3A_104 = arith.constant 0 : i32
      %dma_start3A_105 = arith.constant 0 : i32
      %dma_start3A_106 = tpu.memref_slice %arg15[%dma_start3A_104, %dma_start3A_105] : memref<16x16xf32, #tpu.memory_space<vmem>> -> memref<8x16xf32, #tpu.memory_space<vmem>>
      %dma_start3A_107 = arith.constant 0 : i32
      %dma_start3A_108 = arith.constant 0 : i32
      %dma_start3A_109 = tpu.memref_slice %arg5[%dma_start3A_107, %dma_start3A_108] : memref<10240x16xf32, #tpu.memory_space<vmem_shared>> -> memref<10240x16xf32, #tpu.memory_space<vmem_shared>>
      tpu.enqueue_indirect_dma source(%dma_start3A_106 : memref<8x16xf32, #tpu.memory_space<vmem>>) target(%dma_start3A_109 : memref<10240x16xf32, #tpu.memory_space<vmem_shared>>) offsets(%arg13 : memref<8xi32, #tpu.memory_space<vmem>>) semaphore(%run_scoped3A : memref<!tpu.dma_semaphore, #tpu.memory_space<semaphore_mem>>) {add = true}
      %dma_wait3A_110 = arith.constant 0 : i32
      %dma_wait3A_111 = arith.constant 0 : i32
      %dma_wait3A_112 = tpu.memref_slice %arg15[%dma_wait3A_110, %dma_wait3A_111] : memref<16x16xf32, #tpu.memory_space<vmem>> -> memref<8x16xf32, #tpu.memory_space<vmem>>
      %dma_wait3A_113 = arith.constant 0 : i32
      %dma_wait3A_114 = arith.constant 0 : i32
      %dma_wait3A_115 = tpu.memref_slice %arg5[%dma_wait3A_113, %dma_wait3A_114] : memref<10240x16xf32, #tpu.memory_space<vmem_shared>> -> memref<10240x16xf32, #tpu.memory_space<vmem_shared>>
      tpu.wait_indirect_dma semaphore(%run_scoped3A : memref<!tpu.dma_semaphore, #tpu.memory_space<semaphore_mem>>) src(%dma_wait3A_112 : memref<8x16xf32, #tpu.memory_space<vmem>>) dst(%dma_wait3A_115 : memref<10240x16xf32, #tpu.memory_space<vmem_shared>>)
      tpu.yield
    }) : () -> ()
    %barrier3A_96 = arith.constant 0 : index
    tpu.barrier barrier_id(%barrier3A_96)
    %mul3A_97 = arith.constant 640 : i32
    %mul3A_98 = arith.muli %arg1, %mul3A_97 : i32
    %mul3A_99 = arith.constant 10240 : i32
    %mul3A_100 = arith.muli %arg0, %mul3A_99 : i32
    %mul3A_101 = arith.constant 640 : i32
    %mul3A_102 = arith.muli %arg1, %mul3A_101 : i32
    %add3A_103 = arith.addi %mul3A_100, %mul3A_102 : i32
    "tpu.region"() ({
      %run_scoped3A = tpu.sem_alloc : memref<!tpu.dma_semaphore, #tpu.memory_space<semaphore_mem>>
      %dma_start3A_104 = arith.constant 0 : i32
      %dma_start3A_105 = tpu.memref_slice %arg4[%add3A_103, %dma_start3A_104] : memref<20480x16xf32, #tpu.memory_space<hbm>> -> memref<640x16xf32, #tpu.memory_space<hbm>>
      %dma_start3A_106 = arith.constant 0 : i32
      %dma_start3A_107 = tpu.memref_slice %arg5[%mul3A_98, %dma_start3A_106] : memref<10240x16xf32, #tpu.memory_space<vmem_shared>> -> memref<640x16xf32, #tpu.memory_space<vmem_shared>>
      tpu.enqueue_dma source(%dma_start3A_107 : memref<640x16xf32, #tpu.memory_space<vmem_shared>>) target(%dma_start3A_105 : memref<640x16xf32, #tpu.memory_space<hbm>>) target_semaphore(%run_scoped3A : memref<!tpu.dma_semaphore, #tpu.memory_space<semaphore_mem>>)
      %dma_wait3A_108 = arith.constant 0 : i32
      %dma_wait3A_109 = tpu.memref_slice %arg4[%add3A_103, %dma_wait3A_108] : memref<20480x16xf32, #tpu.memory_space<hbm>> -> memref<640x16xf32, #tpu.memory_space<hbm>>
      %dma_wait3A_110 = arith.constant 0 : i32
      %dma_wait3A_111 = tpu.memref_slice %arg5[%mul3A_98, %dma_wait3A_110] : memref<10240x16xf32, #tpu.memory_space<vmem_shared>> -> memref<640x16xf32, #tpu.memory_space<vmem_shared>>
      tpu.wait_dma2 semaphore(%run_scoped3A : memref<!tpu.dma_semaphore, #tpu.memory_space<semaphore_mem>>) src(%dma_wait3A_111 : memref<640x16xf32, #tpu.memory_space<vmem_shared>>) dst(%dma_wait3A_109 : memref<640x16xf32, #tpu.memory_space<hbm>>)
      tpu.yield
    }) : () -> ()
    return
  }
}

module attributes {stable_mosaic.version = 14 : i64} {
  func.func @tc_edge_mlp(%arg0: i32, %arg1: memref<16x3200xf32, #tpu.memory_space<vmem>>, %arg2: memref<16x3200xf32, #tpu.memory_space<vmem>>, %arg3: memref<16x3200xf32, #tpu.memory_space<vmem>>, %arg4: memref<10x3200xf32, #tpu.memory_space<vmem>>, %arg5: memref<1x3200xf32, #tpu.memory_space<vmem>>, %arg6: memref<32x10xbf16, #tpu.memory_space<vmem>>, %arg7: memref<256x48xbf16, #tpu.memory_space<vmem>>, %arg8: memref<256x16xbf16, #tpu.memory_space<vmem>>, %arg9: memref<16x3200xf32, #tpu.memory_space<vmem>>, %arg10: memref<16x3200xf32, #tpu.memory_space<vmem>>) attributes {dimension_semantics = [#tpu.dimension_semantics<arbitrary>], iteration_bounds = array<i64: 50>, scalar_prefetch = 0 : i64, scratch_operands = 0 : i64, tpu.core_type = #tpu.core_type<tc>, window_params = [{transform_indices = @transform_0, window_bounds = array<i64: 16, 3200>}, {transform_indices = @transform_1, window_bounds = array<i64: 16, 3200>}, {transform_indices = @transform_2, window_bounds = array<i64: 16, 3200>}, {transform_indices = @transform_3, window_bounds = array<i64: 10, 3200>}, {transform_indices = @transform_4, window_bounds = array<i64: 1, 3200>}, {pipeline_mode = #tpu.pipeline_mode<synchronous>, transform_indices = @transform_5, window_bounds = array<i64: 32, 10>}, {pipeline_mode = #tpu.pipeline_mode<synchronous>, transform_indices = @transform_6, window_bounds = array<i64: 256, 48>}, {pipeline_mode = #tpu.pipeline_mode<synchronous>, transform_indices = @transform_7, window_bounds = array<i64: 256, 16>}, {transform_indices = @transform_8, window_bounds = array<i64: 16, 3200>}, {transform_indices = @transform_9, window_bounds = array<i64: 16, 3200>}]} {
    %get3A = arith.constant 0 : index
    %get3A_0 = arith.constant 0 : index
    %get3A_1 = vector.load %arg1[%get3A, %get3A_0] : memref<16x3200xf32, #tpu.memory_space<vmem>>, vector<16x3200xf32>
    %get3A_2 = arith.constant 0 : index
    %get3A_3 = arith.constant 0 : index
    %get3A_4 = vector.load %arg4[%get3A_2, %get3A_3] : memref<10x3200xf32, #tpu.memory_space<vmem>>, vector<10x3200xf32>
    %convert_element_type3A = arith.truncf %get3A_4 : vector<10x3200xf32> to vector<10x3200xbf16>
    %get3A_5 = arith.constant 0 : index
    %get3A_6 = arith.constant 0 : index
    %get3A_7 = vector.load %arg5[%get3A_5, %get3A_6] : memref<1x3200xf32, #tpu.memory_space<vmem>>, vector<1x3200xf32>
    %get3A_8 = arith.constant 0 : index
    %get3A_9 = arith.constant 0 : index
    %get3A_10 = vector.load %arg6[%get3A_8, %get3A_9] : memref<32x10xbf16, #tpu.memory_space<vmem>>, vector<32x10xbf16>
    %dot_general3A = arith.constant dense<0.000000e+00> : vector<32x3200xf32>
    %dot_general3A_11 = tpu.matmul %get3A_10, %convert_element_type3A, %dot_general3A {dimension_numbers = #tpu.dot_dimension_numbers<[1], [0], [0], [1], [0, 0, 1, 1], [], []>, transpose_lhs_hint = false} : vector<32x10xbf16>, vector<10x3200xbf16>, vector<32x3200xf32> -> vector<32x3200xf32>
    %max3A = arith.constant 0.000000e+00 : f32
    %max3A_12 = vector.broadcast %max3A : f32 to vector<32x3200xf32>
    %max3A_13 = arith.maximumf %dot_general3A_11, %max3A_12 : vector<32x3200xf32>
    %mul3A = arith.constant 1.41421354 : f32
    %mul3A_14 = vector.broadcast %mul3A : f32 to vector<32x3200xf32>
    %mul3A_15 = arith.mulf %max3A_13, %mul3A_14 : vector<32x3200xf32>
    %slice3A = vector.extract_strided_slice %mul3A_15 {offsets = [0, 0], sizes = [16, 3200], strides = [1, 1]} : vector<32x3200xf32> to vector<16x3200xf32>
    %slice3A_16 = vector.extract_strided_slice %mul3A_15 {offsets = [16, 0], sizes = [16, 3200], strides = [1, 1]} : vector<32x3200xf32> to vector<16x3200xf32>
    %get3A_17 = arith.constant 0 : index
    %get3A_18 = arith.constant 0 : index
    %get3A_19 = vector.load %arg2[%get3A_17, %get3A_18] : memref<16x3200xf32, #tpu.memory_space<vmem>>, vector<16x3200xf32>
    %get3A_20 = arith.constant 0 : index
    %get3A_21 = arith.constant 0 : index
    %get3A_22 = vector.load %arg3[%get3A_20, %get3A_21] : memref<16x3200xf32, #tpu.memory_space<vmem>>, vector<16x3200xf32>
    %concatenate3A = tpu.concatenate %get3A_1, %get3A_19, %get3A_22 in 0 : vector<16x3200xf32>, vector<16x3200xf32>, vector<16x3200xf32> -> vector<48x3200xf32>
    %convert_element_type3A_23 = arith.truncf %concatenate3A : vector<48x3200xf32> to vector<48x3200xbf16>
    %get3A_24 = arith.constant 0 : index
    %get3A_25 = arith.constant 0 : index
    %get3A_26 = vector.load %arg7[%get3A_24, %get3A_25] : memref<256x48xbf16, #tpu.memory_space<vmem>>, vector<256x48xbf16>
    %dot_general3A_27 = arith.constant dense<0.000000e+00> : vector<256x3200xf32>
    %dot_general3A_28 = tpu.matmul %get3A_26, %convert_element_type3A_23, %dot_general3A_27 {dimension_numbers = #tpu.dot_dimension_numbers<[1], [0], [0], [1], [0, 0, 1, 1], [], []>, transpose_lhs_hint = false} : vector<256x48xbf16>, vector<48x3200xbf16>, vector<256x3200xf32> -> vector<256x3200xf32>
    %broadcast_in_dim3A = vector.shape_cast %slice3A : vector<16x3200xf32> to vector<16x1x3200xf32>
    %broadcast_in_dim3A_29 = vector.shape_cast %broadcast_in_dim3A : vector<16x1x3200xf32> to vector<16x1x3200xf32>
    %broadcast_in_dim3A_30 = vector.broadcast %broadcast_in_dim3A_29 : vector<16x1x3200xf32> to vector<16x16x3200xf32>
    %reshape3A = vector.shape_cast %broadcast_in_dim3A_30 : vector<16x16x3200xf32> to vector<256x3200xf32>
    %mul3A_31 = arith.mulf %reshape3A, %dot_general3A_28 : vector<256x3200xf32>
    %reshape3A_32 = vector.shape_cast %mul3A_31 : vector<256x3200xf32> to vector<16x16x3200xf32>
    %reduce_sum3A = arith.constant dense<0.000000e+00> : vector<16x3200xf32>
    %reduce_sum3A_33 = vector.multi_reduction <add>, %reshape3A_32, %reduce_sum3A [0] : vector<16x16x3200xf32> to vector<16x3200xf32>
    %mul3A_34 = arith.constant 0.144337565 : f32
    %mul3A_35 = vector.broadcast %mul3A_34 : f32 to vector<16x3200xf32>
    %mul3A_36 = arith.mulf %reduce_sum3A_33, %mul3A_35 : vector<16x3200xf32>
    %max3A_37 = arith.constant 0.000000e+00 : f32
    %max3A_38 = vector.broadcast %max3A_37 : f32 to vector<16x3200xf32>
    %max3A_39 = arith.maximumf %mul3A_36, %max3A_38 : vector<16x3200xf32>
    %get3A_40 = arith.constant 0 : index
    %get3A_41 = arith.constant 0 : index
    %get3A_42 = vector.load %arg8[%get3A_40, %get3A_41] : memref<256x16xbf16, #tpu.memory_space<vmem>>, vector<256x16xbf16>
    %convert_element_type3A_43 = arith.truncf %max3A_39 : vector<16x3200xf32> to vector<16x3200xbf16>
    %dot_general3A_44 = arith.constant dense<0.000000e+00> : vector<256x3200xf32>
    %dot_general3A_45 = tpu.matmul %get3A_42, %convert_element_type3A_43, %dot_general3A_44 {dimension_numbers = #tpu.dot_dimension_numbers<[1], [0], [0], [1], [0, 0, 1, 1], [], []>, transpose_lhs_hint = false} : vector<256x16xbf16>, vector<16x3200xbf16>, vector<256x3200xf32> -> vector<256x3200xf32>
    %broadcast_in_dim3A_46 = vector.shape_cast %slice3A_16 : vector<16x3200xf32> to vector<16x1x3200xf32>
    %broadcast_in_dim3A_47 = vector.shape_cast %broadcast_in_dim3A_46 : vector<16x1x3200xf32> to vector<16x1x3200xf32>
    %broadcast_in_dim3A_48 = vector.broadcast %broadcast_in_dim3A_47 : vector<16x1x3200xf32> to vector<16x16x3200xf32>
    %reshape3A_49 = vector.shape_cast %broadcast_in_dim3A_48 : vector<16x16x3200xf32> to vector<256x3200xf32>
    %mul3A_50 = arith.mulf %reshape3A_49, %dot_general3A_45 : vector<256x3200xf32>
    %reshape3A_51 = vector.shape_cast %mul3A_50 : vector<256x3200xf32> to vector<16x16x3200xf32>
    %reduce_sum3A_52 = arith.constant dense<0.000000e+00> : vector<16x3200xf32>
    %reduce_sum3A_53 = vector.multi_reduction <add>, %reshape3A_51, %reduce_sum3A_52 [0] : vector<16x16x3200xf32> to vector<16x3200xf32>
    %mul3A_54 = arith.constant 2.500000e-01 : f32
    %mul3A_55 = vector.broadcast %mul3A_54 : f32 to vector<16x3200xf32>
    %mul3A_56 = arith.mulf %reduce_sum3A_53, %mul3A_55 : vector<16x3200xf32>
    %add3A = arith.addf %get3A_1, %mul3A_56 : vector<16x3200xf32>
    %swap3A = arith.constant 0 : index
    %swap3A_57 = arith.constant 0 : index
    %swap3A_58 = vector.load %arg9[%swap3A, %swap3A_57] : memref<16x3200xf32, #tpu.memory_space<vmem>>, vector<16x3200xf32>
    tpu.vector_store %arg9[%swap3A, %swap3A_57], %add3A {strides = array<i32>} : memref<16x3200xf32, #tpu.memory_space<vmem>>, vector<16x3200xf32>,
    %mul3A_59 = vector.broadcast %get3A_7 : vector<1x3200xf32> to vector<16x3200xf32>
    %mul3A_60 = arith.mulf %add3A, %mul3A_59 : vector<16x3200xf32>
    %swap3A_61 = arith.constant 0 : index
    %swap3A_62 = arith.constant 0 : index
    %swap3A_63 = vector.load %arg10[%swap3A_61, %swap3A_62] : memref<16x3200xf32, #tpu.memory_space<vmem>>, vector<16x3200xf32>
    tpu.vector_store %arg10[%swap3A_61, %swap3A_62], %mul3A_60 {strides = array<i32>} : memref<16x3200xf32, #tpu.memory_space<vmem>>, vector<16x3200xf32>,
    return
  }
  func.func @transform_0(%arg0: i32) -> (i32, i32) {
    %c0_i32 = arith.constant 0 : i32
    %c0_i32_0 = arith.constant 0 : i32
    return %c0_i32, %arg0 : i32, i32
  }
  func.func @transform_1(%arg0: i32) -> (i32, i32) {
    %c0_i32 = arith.constant 0 : i32
    %c0_i32_0 = arith.constant 0 : i32
    return %c0_i32, %arg0 : i32, i32
  }
  func.func @transform_2(%arg0: i32) -> (i32, i32) {
    %c0_i32 = arith.constant 0 : i32
    %c0_i32_0 = arith.constant 0 : i32
    return %c0_i32, %arg0 : i32, i32
  }
  func.func @transform_3(%arg0: i32) -> (i32, i32) {
    %c0_i32 = arith.constant 0 : i32
    %c0_i32_0 = arith.constant 0 : i32
    return %c0_i32, %arg0 : i32, i32
  }
  func.func @transform_4(%arg0: i32) -> (i32, i32) {
    %c0_i32 = arith.constant 0 : i32
    %c0_i32_0 = arith.constant 0 : i32
    return %c0_i32, %arg0 : i32, i32
  }
  func.func @transform_5(%arg0: i32) -> (i32, i32) {
    %c0_i32 = arith.constant 0 : i32
    %c0_i32_0 = arith.constant 0 : i32
    %c0_i32_1 = arith.constant 0 : i32
    return %c0_i32, %c0_i32_0 : i32, i32
  }
  func.func @transform_6(%arg0: i32) -> (i32, i32) {
    %c0_i32 = arith.constant 0 : i32
    %c0_i32_0 = arith.constant 0 : i32
    %c0_i32_1 = arith.constant 0 : i32
    return %c0_i32, %c0_i32_0 : i32, i32
  }
  func.func @transform_7(%arg0: i32) -> (i32, i32) {
    %c0_i32 = arith.constant 0 : i32
    %c0_i32_0 = arith.constant 0 : i32
    %c0_i32_1 = arith.constant 0 : i32
    return %c0_i32, %c0_i32_0 : i32, i32
  }
  func.func @transform_8(%arg0: i32) -> (i32, i32) {
    %c0_i32 = arith.constant 0 : i32
    %c0_i32_0 = arith.constant 0 : i32
    return %c0_i32, %arg0 : i32, i32
  }
  func.func @transform_9(%arg0: i32) -> (i32, i32) {
    %c0_i32 = arith.constant 0 : i32
    %c0_i32_0 = arith.constant 0 : i32
    return %c0_i32, %arg0 : i32, i32
  }
}

module attributes {stable_mosaic.version = 14 : i64} {
  func.func @tc_node_update(%arg0: memref<16x10000xf32, #tpu.memory_space<vmem>>, %arg1: memref<16x10000xf32, #tpu.memory_space<vmem>>, %arg2: memref<16x10000xf32, #tpu.memory_space<vmem>>, %arg3: memref<16x32xf32, #tpu.memory_space<vmem>>, %arg4: memref<16x16xf32, #tpu.memory_space<vmem>>, %arg5: memref<16x10000xf32, #tpu.memory_space<vmem>>) attributes {dimension_semantics = [], scalar_prefetch = 0 : i64, scratch_operands = 0 : i64, tpu.core_type = #tpu.core_type<tc>} {
    %get3A = arith.constant 0 : index
    %get3A_0 = arith.constant 0 : index
    %get3A_1 = vector.load %arg0[%get3A, %get3A_0] : memref<16x10000xf32, #tpu.memory_space<vmem>>, vector<16x10000xf32>
    %get3A_2 = arith.constant 0 : index
    %get3A_3 = arith.constant 0 : index
    %get3A_4 = vector.load %arg1[%get3A_2, %get3A_3] : memref<16x10000xf32, #tpu.memory_space<vmem>>, vector<16x10000xf32>
    %get3A_5 = arith.constant 0 : index
    %get3A_6 = arith.constant 0 : index
    %get3A_7 = vector.load %arg2[%get3A_5, %get3A_6] : memref<16x10000xf32, #tpu.memory_space<vmem>>, vector<16x10000xf32>
    %add3A = arith.addf %get3A_4, %get3A_7 : vector<16x10000xf32>
    %concatenate3A = tpu.concatenate %get3A_1, %add3A in 0 : vector<16x10000xf32>, vector<16x10000xf32> -> vector<32x10000xf32>
    %get3A_8 = arith.constant 0 : index
    %get3A_9 = arith.constant 0 : index
    %get3A_10 = vector.load %arg3[%get3A_8, %get3A_9] : memref<16x32xf32, #tpu.memory_space<vmem>>, vector<16x32xf32>
    %dot_general3A = arith.constant dense<0.000000e+00> : vector<16x10000xf32>
    %dot_general3A_11 = tpu.matmul %get3A_10, %concatenate3A, %dot_general3A {dimension_numbers = #tpu.dot_dimension_numbers<[1], [0], [0], [1], [0, 0, 1, 1], [], []>, transpose_lhs_hint = false} : vector<16x32xf32>, vector<32x10000xf32>, vector<16x10000xf32> -> vector<16x10000xf32>
    %max3A = arith.constant 0.000000e+00 : f32
    %max3A_12 = vector.broadcast %max3A : f32 to vector<16x10000xf32>
    %max3A_13 = arith.maximumf %dot_general3A_11, %max3A_12 : vector<16x10000xf32>
    %mul3A = arith.constant 1.41421354 : f32
    %mul3A_14 = vector.broadcast %mul3A : f32 to vector<16x10000xf32>
    %mul3A_15 = arith.mulf %max3A_13, %mul3A_14 : vector<16x10000xf32>
    %get3A_16 = arith.constant 0 : index
    %get3A_17 = arith.constant 0 : index
    %get3A_18 = vector.load %arg4[%get3A_16, %get3A_17] : memref<16x16xf32, #tpu.memory_space<vmem>>, vector<16x16xf32>
    %dot_general3A_19 = arith.constant dense<0.000000e+00> : vector<16x10000xf32>
    %dot_general3A_20 = tpu.matmul %get3A_18, %mul3A_15, %dot_general3A_19 {dimension_numbers = #tpu.dot_dimension_numbers<[1], [0], [0], [1], [0, 0, 1, 1], [], []>, transpose_lhs_hint = false} : vector<16x16xf32>, vector<16x10000xf32>, vector<16x10000xf32> -> vector<16x10000xf32>
    %add3A_21 = arith.addf %get3A_1, %dot_general3A_20 : vector<16x10000xf32>
    %swap3A = arith.constant 0 : index
    %swap3A_22 = arith.constant 0 : index
    %swap3A_23 = vector.load %arg5[%swap3A, %swap3A_22] : memref<16x10000xf32, #tpu.memory_space<vmem>>, vector<16x10000xf32>
    tpu.vector_store %arg5[%swap3A, %swap3A_22], %add3A_21 {strides = array<i32>} : memref<16x10000xf32, #tpu.memory_space<vmem>>, vector<16x10000xf32>,
    return
  }
}

</mosaic_0001>

<sc_bundles>
// kernel: sc_gather_hn.3.cloned.1.call-start
scs
__scs_entry_jumppad:
0x0: {  	(pc) =	sbr.rel $0x88, $3  }
0x1: {  	(tag) =	ssettag $0x0;
	lr =	simm.s32 $0x1  }
0x2: {  	[smem:$0x3F96] =	sst lr;
	_ =	strace $0xD0000000  }
0x3: {  	_ = 	snop  }
0x4: {  	_ = 	snop  }
0x5: {  	_ = 	snop  }
0x6: {  	_ = 	snop  }
0x7: {  	_ = 	snop  }
__scs_overlays_trampoline_lowered:
0x8: {  	[smem:$0x3FA5] =	sst s0  }
0x9: {  	[smem:$0x3FA6] =	sst s1  }
0xa: {  	[smem:$0x3FA7] =	sst s2  }
0xb: {  	[smem:$0x3FA8] =	sst s3  }
0xc: {  	[smem:$0x3FA9] =	sst s4  }
0xd: {  	[smem:$0x3FAA] =	sst s5  }
0xe: {  	[smem:$0x3FAB] =	sst s6  }
0xf: {  	[smem:$0x3FAC] =	sst s7  }
0x10: {  	[smem:$0x3FAD] =	sst s8  }
0x11: {  	[smem:$0x3FAE] =	sst s9;
	s0 =	simm.s32 @!p0 $0x0  }
0x12: {  	s1 =	sld [smem:$0x3F94];
	s0 =	simm.s32 @p0 $0x1  }
0x13: {  	[smem:$0x3FAF] =	sst s0;
	s0 =	simm.s32 @!p1 $0x0  }
0x14: {  	s2 =	sld [smem:$0x3F93];
	s0 =	simm.s32 @p1 $0x1  }
0x15: {  	[smem:$0x3FB0] =	sst s0;
	s0 =	simm.s32 @!p2 $0x0  }
0x16: {  	s3 =	sld [smem:$0x3FDB];
	s0 =	simm.s32 @p2 $0x1  }
0x17: {  	s4 =	simm.s32 $0x1BF5;
	[smem:$0x3FB2] =	sst s0  }
0x18: {  	s0 =	sld [smem:$0x3F95];
	_ =	swait.ge [sflag:s4], $0x0  }
0x19: {  	s7 =	sld [smem:$0x3F96]  }
0x1a: {  	s8 =	sadd.s32 $0xFFFFE003, lr  }
0x1b: {  	s9 =	sadd.s32 $0xFFFFFEF7, lr;
	s5 =	simm.s32 $0xFFFFFFFF;
	p2 =	slt.u32 s8, $0xFFFFF086  }
0x1c: {  	p1 =	slt.u32 s9, $0xF7A;
	s5 =	simm.s32 @!p2 $0x0  }
0x1d: {  	s5 =	simm.s32 @p1 $0x1;
	p0 =	seq.s32 s7, s2  }
0x1e: {  	s7 =	smul.u32 @!p0 $0xF7A, s2;
	p2 =	seq.s32 @!p0 s5, $0x0  }
0x1f: {  	s9 =	smul.u32 $0xF7A, s1;
	s8 =	simm.s32 @!p0 $0x1BF5;
	p2 =	por !p2, p0  }
0x20: {  	[sflag:s8] =	ssyncset.s32 @!p0 $0xFFFFF086;
	s6 =	sadd.s32 @!p0 s3, s7;
	s7 =	simm.s32 @!p0 $0x108  }
0x21: {  	s3 =	sadd.s32 s3, s9;
	s6 =	sadd.s32 @!p0 $0x88, s6;
	s7 =	simm.s32 @p2 $0x1082  }
0x22: {  	[simem:s7], [sflag:s8] =	dma.local @!p0 [hbm:s6], $0xF7A  }
0x23: {  	s9 =	sor.u32 $0xD0000000, s2;
	s6 =	simm.s32 $0x108;
	_ =	swait.ge @!p0 [sflag:s8], $0x0  }
0x24: {  	s3 =	sadd.s32 $0x88, s3;
	s6 =	simm.s32 @!p1 $0x1082;
	[sflag:s4] =	ssyncset.s32 $0xFFFFF086  }
0x25: {  	[simem:s6], [sflag:s4] =	dma.local [hbm:s3], $0xF7A  }
0x26: {  	[smem:$0x3F96] =	sst s1;
	(tag) =	ssettag s2;
	_ =	strace s9  }
0x27: {  	s1 =	sld [smem:$0x3FA6]  }
0x28: {  	s2 =	sld [smem:$0x3FA7]  }
0x29: {  	s4 =	sld [smem:$0x3FA9]  }
0x2a: {  	p0 =	seq.s32 s5, $0x0;
	s5 =	sld [smem:$0x3FAA]  }
0x2b: {  	s6 =	sld [smem:$0x3FAB]  }
0x2c: {  	s7 =	sld [smem:$0x3FAC]  }
0x2d: {  	s3 =	simm.s32 $0x108;
	s8 =	sld [smem:$0x3FAD]  }
0x2e: {  	s3 =	simm.s32 @!p0 $0x1082;
	s9 =	sld [smem:$0x3FAE]  }
0x2f: {  	lr =	sadd.s32 s0, s3;
	s0 =	sld [smem:$0x3FA5]  }
0x30: {  	s3 =	sld [smem:$0x3FA8]  }
0x31: {  	[smem:$0x3FB1] =	sst s10  }
0x32: {  	s10 =	sld [smem:$0x3FAF];
	_ =	sdelay $0x3  }
0x33: {  	p0 =	seq.s32 s10, $0x1;
	s10 =	sld [smem:$0x3FB1];
	_ =	sdelay $0x3  }
0x34: {  	[smem:$0x3FB1] =	sst s10  }
0x35: {  	s10 =	sld [smem:$0x3FB0];
	_ =	sdelay $0x3  }
0x36: {  	p1 =	seq.s32 s10, $0x1;
	s10 =	sld [smem:$0x3FB1];
	_ =	sdelay $0x3  }
0x37: {  	[smem:$0x3FB1] =	sst s10  }
0x38: {  	s10 =	sld [smem:$0x3FB2]  }
0x39: {  	_ = 	snop;
	(pc) =	sbr.ind lr, $3  }
0x3a: {  	_ = 	snop  }
0x3b: {  	_ = 	snop  }
0x3c: {  	p2 =	seq.s32 s10, $0x1;
	s10 =	sld [smem:$0x3FB1]  }
0x3d: {  	_ =	shalt  }
0x3e: {  	_ =	shalt  }
0x3f: {  	_ =	shalt  }
0x40: {  	_ =	shalt  }
0x41: {  	_ =	shalt  }
0x42: {  	_ =	shalt  }
0x43: {  	_ =	shalt  }
0x44: {  	_ =	shalt  }
0x45: {  	_ =	shalt  }
0x46: {  	_ =	shalt  }
0x47: {  	_ =	shalt  }
0x48: {  	_ =	shalt  }
0x49: {  	_ =	shalt  }
0x4a: {  	_ =	shalt  }
0x4b: {  	_ =	shalt  }
0x4c: {  	_ =	shalt  }
0x4d: {  	_ =	shalt  }
0x4e: {  	_ =	shalt  }
0x4f: {  	_ =	shalt  }
0x50: {  	_ =	shalt  }
0x51: {  	_ =	shalt  }
0x52: {  	_ =	shalt  }
0x53: {  	_ =	shalt  }
0x54: {  	_ =	shalt  }
0x55: {  	_ =	shalt  }
0x56: {  	_ =	shalt  }
0x57: {  	_ =	shalt  }
0x58: {  	_ =	shalt  }
0x59: {  	_ =	shalt  }
0x5a: {  	_ =	shalt  }
0x5b: {  	_ =	shalt  }
0x5c: {  	_ =	shalt  }
0x5d: {  	_ =	shalt  }
0x5e: {  	_ =	shalt  }
0x5f: {  	_ =	shalt  }
0x60: {  	_ =	shalt  }
0x61: {  	_ =	shalt  }
0x62: {  	_ =	shalt  }
0x63: {  	_ =	shalt  }
0x64: {  	_ =	shalt  }
0x65: {  	_ =	shalt  }
0x66: {  	_ =	shalt  }
0x67: {  	_ =	shalt  }
0x68: {  	_ =	shalt  }
0x69: {  	_ =	shalt  }
0x6a: {  	_ =	shalt  }
0x6b: {  	_ =	shalt  }
0x6c: {  	_ =	shalt  }
0x6d: {  	_ =	shalt  }
0x6e: {  	_ =	shalt  }
0x6f: {  	_ =	shalt  }
0x70: {  	_ =	shalt  }
0x71: {  	_ =	shalt  }
0x72: {  	_ =	shalt  }
0x73: {  	_ =	shalt  }
0x74: {  	_ =	shalt  }
0x75: {  	_ =	shalt  }
0x76: {  	_ =	shalt  }
0x77: {  	_ =	shalt  }
0x78: {  	_ =	shalt  }
0x79: {  	_ =	shalt  }
0x7a: {  	_ =	shalt  }
0x7b: {  	_ =	shalt  }
0x7c: {  	_ =	shalt  }
0x7d: {  	_ =	shalt  }
0x7e: {  	_ =	shalt  }
0x7f: {  	_ =	shalt  }
0x80: {  	_ =	shalt  }
0x81: {  	_ =	shalt  }
0x82: {  	_ =	shalt  }
0x83: {  	_ =	shalt  }
0x84: {  	_ =	shalt  }
0x85: {  	_ =	shalt  }
0x86: {  	_ =	shalt  }
0x87: {  	_ =	shalt  }
.Lfunc_end0:
.L_simem_size_0:
called_computation_lowered:
.L_overlay_start_0:
0x88: {  	s2 =	sld [smem:$0x3FD9]  }
0x89: {  	s3 =	sld [smem:$0x3FFE];
	_ =	sdelay $0x1  }
0x8a: {  	s1 =	srdreg.scid  }
0x8b: {  	s0 =	sand.u32 $0x1, s1  }
0x8c: {  	s14 =	sshll.u32 s0, $0xA;
	s2 =	sadd.s32 s3, s2  }
0x8d: {  	s2 =	sadd.s32 s2, s14  }
0x8e: {  	[smem:$0x3FBD] =	sst s2  }
0x8f: {  	_ = 	snop  }
0x90: {  	s2 =	sld [smem:$0x3FD0];
	_ =	sdelay $0x2  }
0x91: {  	s15 =	simm.s32 $0xA;
	s4 =	simm.s32 $0x10  }
0x92: {  	[smem:s4], [sflag:s15] =	dma.local [hbm:s2], $0x1  }
0x93: {  	_ =	swait.eq [sflag:s15], $0x1  }
0x94: {  	[sflag:s15] =	ssyncset.done $0x0  }
0x95: {  	s16 =	sld [smem:$0x10];
	[sflag:s15] =	ssyncadd.s32 $0xFFFFFFFF  }
0x96: {  	s17 =	sld [smem:$0x11];
	(tm) =	ssettm $0x1  }
0x97: {  	s18 =	sld [smem:$0x3FFB];
	_ =	sdelay $0x3  }
0x98: {  	_ =	strace s18  }
0x99: {  	s4 =	sld [smem:$0x3FFC];
	_ =	sdelay $0x3  }
0x9a: {  	_ =	strace s4  }
0x9b: {  	s4 =	sld [smem:$0x3FFD];
	_ =	sdelay $0x3  }
0x9c: {  	_ =	strace s4  }
0x9d: {  	_ =	strace $0x8FFFFFFF  }
0x9e: {  	s19 =	sld [smem:$0x3FDB];
	_ =	sdelay $0x1  }
0x9f: {  	s5 =	simm.s32 $_scs_section_size  }
0xa0: {  	s6 =	simm.s32 $_size__tile_overlayer_lowered;
	s7 =	simm.s32 $_tile_overlayer_lowered  }
0xa1: {  	s22 =	simm.s32 $0x1BFF;
	s21 =	sshll.u32 s7, $0x1;
	s4 =	sadd.s32 s5, s19  }
0xa2: {  	s8 =	simm.s32 $0x0;
	s20 =	sshll.u32 s6, $0x1;
	s6 =	sadd.s32 s21, s4  }
0xa3: {  	[timem:s8], [sflag:s22] =	dma.local [hbm:s6], s20  }
0xa4: {  	_ =	swait.ge [sflag:s22], s20  }
0xa5: {  	s5 =	ssub.s32 $0x0, s20;
	[sflag:s22] =	ssyncset.done $0x0  }
0xa6: {  	[sflag:s22] =	ssyncadd.s32 s5;
	_ =	sdelay $0x1  }
0xa7: {  	s23 =	simm.s32 $0x1B8B  }
0xa8: {  	_ =	swait.ge [sflag:s23], $0x1  }
0xa9: {  	[sflag:s23] =	ssyncset.done $0x0  }
0xaa: {  	s25 =	simm.s32 $0x1B8E;
	s24 =	sld [smem:$0x3FFE];
	[sflag:s23] =	ssyncadd.s32 $0xFFFFFFFF  }
0xab: {  	s26 =	simm.s32 $execute0_lowered;
	[smem:$0x3FD2] =	sst s25  }
0xac: {  	s6 =	sshll.u32 s26, $0x1;
	_ =	strace $0x80000046;
	[dreg:$0x1] =	wrdreg $0xFFFFFFFF  }
0xad: {  	s28 =	simm.s32 $_size_execute0_lowered;
	s4 =	sadd.s32 s4, s6;
	[dreg:$0x0] =	wrdreg $0x0  }
0xae: {  	s6 =	sshll.u32 s28, $0x1;
	[dreg:$0x2] =	wrdreg s4  }
0xaf: {  	[dreg:$0x3] =	wrdreg s6  }
0xb0: {  	[dreg:$0x4] =	wrdreg $0xC0  }
0xb1: {  	_ =	task [dreg:s8], $0x5FFFF  }
0xb2: {  	[dreg:$0x1] =	wrdreg $0xFFFFFFFF  }
0xb3: {  	[dreg:$0x0] =	wrdreg $0x60  }
0xb4: {  	[dreg:$0x2] =	wrdreg s16  }
0xb5: {  	[dreg:$0x3] =	wrdreg s24  }
0xb6: {  	[dreg:$0x4] =	wrdreg s17  }
0xb7: {  	[dreg:$0x5] =	wrdreg $0x9  }
0xb8: {  	_ =	task.clear_ibuf [dreg:s8], $0x6FFFF;
	_ =	strace $0x90000046  }
0xb9: {  	s29 =	simm.s32 $0x9;
	_ =	strace $0x80000048  }
0xba: {  	_ =	swait.ge [sflag:s29], $0x1  }
0xbb: {  	[sflag:s29] =	ssyncadd.s32 $0xFFFFFFFF  }
0xbc: {  	_ =	strace $0x90000048  }
0xbd: {  	_ =	sfence  }
0xbe: {  	s30 =	sld [smem:$0x0];
	_ =	sdelay $0x2  }
0xbf: {  	s31 =	sshll.u32 s1, $0xD;
	s1 =	sshrl.u32 s1, $0x2  }
0xc0: {  	s3 =	sand.u32 $0x4000, s31;
	s1 =	sadd.s32 s1, s30  }
0xc1: {  	s0 =	sor.u32 s3, s0;
	s1 =	sshll.u32 s1, $0x11  }
0xc2: {  	s0 =	sor.u32 s1, s0  }
0xc3: {  	s0 =	sadd.s32 $0x8F2B, s0  }
0xc4: {  	[sflag:s0] =	ssyncadd.remote.s32 $0x1  }
0xc5: {  	_ =	sfence.sel $0xFFFF  }
0xc6: {  	[dreg:$0x0] =	wrdreg $0xFFFFFFFF;
	(pc) =	sbr.abs _section_cstart, $3  }
0xc7: {  	[dreg:$0x1] =	wrdreg $0xFFFFFFFF  }
0xc8: {  	_ =	task.clear_ibuf [dreg:s8], $0x2FFFF;
	_ =	strace $0x9FFFFFFF  }
0xc9: {  	(tm) =	ssettm $0x7FFFFFFF  }
tec
execute0_lowered:
.L_overlay_start_1:
0x0: {  	(tag) =	ssettag $0x1  }
0x1: {  	s1 =	rddreg [dreg:$0x0]  }
0x2: {  	s0 =	rddreg [dreg:$0x1]  }
0x3: {  	s3 =	rddreg [dreg:$0x2];
	s2 =	srdreg.scid  }
0x4: {  	s20 =	stileid.u32;
	s4 =	simm.s32 $0x0;
	s14 =	simm.s32 $0x1  }
0x5: {  	s15 =	simm.s32 $0x4;
	s16 =	simm.s32 $0x4E0;
	s17 =	simm.s32 $0x9C0  }
0x6: {  	s18 =	simm.s32 $0x57C0;
	s19 =	simm.s32 $0x27100;
	s21 =	simm.s32 $0x3  }
0x7: {  	s23 =	simm.s32 $0x1DDD0;
	s24 =	simm.s32 $0x10;
	s25 =	simm.s32 $0x1DDE0  }
0x8: {  	s26 =	simm.s32 $0x1DEE0;
	s30 =	simm.s32 $0x0;
	s29 =	simm.s32 $0x10  }
0x9: {  	s2 =	sand.u32 $0x1, s2;
	s5 =	sshll.u32 s20, $0x1;
	[smem:$0x7FF] =	sst s4  }
0xa: {  	v0 =	vlaneseq.u32;
	s6 =	sadd.s32 $0x7600, s0;
	p0 =	slt.u32 s20, $0x8;
	s7 =	sor.u32 s2, s5  }
0xb: {  	v0 =	vmul.u32 $0x10, v0;
	_ =	strace $0x80000047;
	s2 =	ssub.s32 $0x2, s2;
	s9 =	smul.u32 $0x1390, s7  }
0xc: {  	s5 =	sadd.s32 $0x2600, s0;
	s8 =	smul.u32 $0x1380, s7;
	s28 =	sshrl.u32 s2, $0x1  }
.Ltmp0:
0xd: {  	s7 =	sadd.s32 $0xC600, s0;
	v1 =	vor.u32 $0x1, v0;
	v2 =	vor.u32 $0x2, v0;
	v3 =	vor.u32 $0x3, v0;
	s0 =	ssub.s32 s2, s28;
	(pc) =	sbr.rel .LBB2_1-.Ltmp0, $4  }
0xe: {  	v4 =	vor.u32 $0x4, v0;
	v5 =	vor.u32 $0x5, v0;
	v6 =	vor.u32 $0x6, v0;
	s10 =	sshrl.u32 s9, $0x3;
	s8 =	sadd.s32 $0x100, s8;
	s13 =	smax.u32 s0, $0x1  }
0xf: {  	v7 =	vor.u32 $0x7, v0;
	v8 =	vor.u32 $0x8, v0;
	v9 =	vor.u32 $0x9, v0;
	s12 =	sadd.s32 $0x270, s10;
	s8 =	smov.u32 @p0 s9;
	p0 =	sgt.u32 s20, $0x7  }
0x10: {  	v10 =	vor.u32 $0xA, v0;
	v11 =	vor.u32 $0xB, v0;
	v12 =	vor.u32 $0xC, v0;
	s20 =	simm.s32 $0x2;
	s31 =	sadd.s32 s5, s12;
	s10 =	sadd.s32 s6, s12  }
0x11: {  	v13 =	vor.u32 $0xD, v0;
	v14 =	vor.u32 $0xE, v0;
	v15 =	vor.u32 $0xF, v0;
	s11 =	sadd.s32 s3, s12;
	s12 =	sadd.s32 s7, s12;
	[dreg:$0x4] =	wrdreg s31  }
.LBB2_9:
0x12: {  	s30 =	sadd.s32 $0x1, s30  }
0x13: {  	p1 =	sne.s32 s30, s13  }
.Ltmp1:
0x14: {  	_ = 	snop;
	(pc) =	sbr.rel @!p1 .LBB2_10-.Ltmp1, $1  }
0x15: {  	_ =	sdelay $0x3  }
.LBB2_1:
0x16: {  	p1 =	por $0x0, $0x0;
	s31 =	simm.s32 $0x0  }
.LBB2_2:
0x17: {  	s0 =	smul.u32 $0x4E0, s31;
	_ =	sdelay $0x1  }
0x18: {  	s0 =	sadd.s32 s8, s0  }
0x19: {  	s0 =	sshrl.u32 s0, $0x3  }
0x1a: {  	s2 =	sadd.s32 s5, s0  }
0x1b: {  	[tilespmem:s4], [sflag:$0x4] =	stream.linear.gather [hbm4b:s2+s4], $0x4E0, $0x38;
	[tilespmem:$0x1E1E0] =	vst v63  }
0x1c: {  	_ =	swait.ge [sflag:s15], $0x4E0  }
0x1d: {  	[sflag:s15] =	ssyncset.done $0x0  }
0x1e: {  	s22 =	sadd.s32 s6, s0;
	[sflag:s15] =	ssyncadd.s32 $0xFFFFFB20  }
0x1f: {  	[tilespmem:s16], [sflag:$0x4] =	stream.linear.gather [hbm4b:s22+s4], $0x4E0, $0x38;
	[tilespmem:$0x1E1E0] =	vst v63  }
0x20: {  	_ =	swait.ge [sflag:s15], $0x4E0  }
0x21: {  	[sflag:s15] =	ssyncset.done $0x0  }
0x22: {  	[sflag:s15] =	ssyncadd.s32 $0xFFFFFB20  }
0x23: {  	[tilespmem:s17], [sflag:$0x1] =	stream.indirect.gather [hbm4b:s1+s16], $0x10, s4, s16, $0xb8;
	[tilespmem:$0x1E1E0] =	vst v63  }
0x24: {  	_ = 	snop  }
0x25: {  	[tilespmem:s18], [sflag:$0x1] =	stream.indirect.gather [hbm4b:s1+s16], $0x10, s16, s16, $0xb8;
	[tilespmem:$0x1E1E0] =	vst v63  }
0x26: {  	_ =	swait.ge [sflag:s14], $0x4E00  }
0x27: {  	[sflag:s14] =	ssyncset.done $0x0  }
0x28: {  	[sflag:s14] =	ssyncadd.s32 $0xFFFFB200  }
0x29: {  	p2 =	slt.u32 s31, $0x2;
	_ =	swait.ge [sflag:s14], $0x4E00  }
0x2a: {  	s9 =	simm.s32 $0x0;
	s2 =	sand.u32 $0x1, s31;
	[sflag:s14] =	ssyncset.done $0x0  }
0x2b: {  	v16 =	vmov s9;
	s22 =	sor.u32 @!p2 $0x2, s2;
	[sflag:s14] =	ssyncadd.s32 $0xFFFFB200  }
0x2c: {  	v16 =	vshll.u32 v16, $0x4;
	_ =	swait.ge @!p2 [sflag:s22], $0x4E00  }
0x2d: {  	v16 =	vor.u32 v0, v16;
	[sflag:s22] =	ssyncset.done @!p2 $0x0  }
0x2e: {  	[sflag:s22] =	ssyncadd.s32 @!p2 $0xFFFFB200  }
0x2f: {  	_ =	swait.ge @!p2 [sflag:s22], $0x4E00  }
0x30: {  	[sflag:s22] =	ssyncset.done @!p2 $0x0  }
0x31: {  	s9 =	simm.s32 $0x1;
	[sflag:s22] =	ssyncadd.s32 @!p2 $0xFFFFB200  }
0x32: {  	s9 =	simm.s32 @!p1 $0x0;
	v18 =	vld.idx.msk [tilespmem:v16+s17+$0x0], $0xffff  }
0x33: {  	s9 =	smul.u32 $0x13800, s9;
	v17 =	vor.u32 $0x1, v16;
	_ =	sdelay $0x1  }
0x34: {  	s9 =	sshrl.u32 s9, $0x2  }
0x35: {  	s22 =	sadd.s32 $0xA5C0, s9  }
0x36: {  	[tilespmem:s22+$0x0] =	vst v18  }
0x37: {  	v19 =	vld.idx.msk [tilespmem:v17+s17+$0x0], $0xffff  }
0x38: {  	v18 =	vor.u32 $0x2, v16;
	_ =	sdelay $0x3  }
0x39: {  	[tilespmem:s22+$0x4E0] =	vst v19  }
0x3a: {  	v20 =	vld.idx.msk [tilespmem:v18+s17+$0x0], $0xffff  }
0x3b: {  	v19 =	vor.u32 $0x3, v16;
	_ =	sdelay $0x3  }
0x3c: {  	[tilespmem:s22+$0x9C0] =	vst v20  }
0x3d: {  	v21 =	vld.idx.msk [tilespmem:v19+s17+$0x0], $0xffff  }
0x3e: {  	v20 =	vor.u32 $0x4, v16;
	_ =	sdelay $0x3  }
0x3f: {  	[tilespmem:s22+$0xEA0] =	vst v21  }
0x40: {  	v22 =	vld.idx.msk [tilespmem:v20+s17+$0x0], $0xffff  }
0x41: {  	v21 =	vor.u32 $0x5, v16;
	_ =	sdelay $0x3  }
0x42: {  	[tilespmem:s22+$0x1380] =	vst v22  }
0x43: {  	v23 =	vld.idx.msk [tilespmem:v21+s17+$0x0], $0xffff  }
0x44: {  	v22 =	vor.u32 $0x6, v16;
	_ =	sdelay $0x3  }
0x45: {  	[tilespmem:s22+$0x1860] =	vst v23  }
0x46: {  	v24 =	vld.idx.msk [tilespmem:v22+s17+$0x0], $0xffff  }
0x47: {  	v23 =	vor.u32 $0x7, v16;
	_ =	sdelay $0x3  }
0x48: {  	[tilespmem:s22+$0x1D40] =	vst v24  }
0x49: {  	v25 =	vld.idx.msk [tilespmem:v23+s17+$0x0], $0xffff  }
0x4a: {  	v24 =	vor.u32 $0x8, v16;
	_ =	sdelay $0x3  }
0x4b: {  	[tilespmem:s22+$0x2220] =	vst v25  }
0x4c: {  	v26 =	vld.idx.msk [tilespmem:v24+s17+$0x0], $0xffff  }
0x4d: {  	v25 =	vor.u32 $0x9, v16;
	_ =	sdelay $0x3  }
0x4e: {  	[tilespmem:s22+$0x2700] =	vst v26  }
0x4f: {  	v27 =	vld.idx.msk [tilespmem:v25+s17+$0x0], $0xffff  }
0x50: {  	v26 =	vor.u32 $0xA, v16;
	_ =	sdelay $0x3  }
0x51: {  	[tilespmem:s22+$0x2BE0] =	vst v27  }
0x52: {  	v28 =	vld.idx.msk [tilespmem:v26+s17+$0x0], $0xffff  }
0x53: {  	v27 =	vor.u32 $0xB, v16;
	_ =	sdelay $0x3  }
0x54: {  	[tilespmem:s22+$0x30C0] =	vst v28  }
0x55: {  	v29 =	vld.idx.msk [tilespmem:v27+s17+$0x0], $0xffff  }
0x56: {  	v28 =	vor.u32 $0xC, v16;
	_ =	sdelay $0x3  }
0x57: {  	[tilespmem:s22+$0x35A0] =	vst v29  }
0x58: {  	v30 =	vld.idx.msk [tilespmem:v28+s17+$0x0], $0xffff  }
0x59: {  	v29 =	vor.u32 $0xD, v16;
	_ =	sdelay $0x3  }
0x5a: {  	[tilespmem:s22+$0x3A80] =	vst v30  }
0x5b: {  	v30 =	vld.idx.msk [tilespmem:v29+s17+$0x0], $0xffff  }
0x5c: {  	v31 =	vor.u32 $0xE, v16;
	_ =	sdelay $0x3  }
0x5d: {  	[tilespmem:s22+$0x3F60] =	vst v30  }
0x5e: {  	v32 =	vld.idx.msk [tilespmem:v31+s17+$0x0], $0xffff  }
0x5f: {  	v30 =	vor.u32 $0xF, v16;
	_ =	sdelay $0x3  }
0x60: {  	[tilespmem:s22+$0x4440] =	vst v32  }
0x61: {  	s28 =	sadd.s32 $0x141C0, s9;
	s9 =	simm.s32 $0x20;
	v32 =	vmov s29;
	v33 =	vld.idx.msk [tilespmem:v30+s17+$0x0], $0xffff  }
.LBB2_3:
0x62: {  	p2 =	sne.s32 s9, $0x4D0;
	v32 =	vshll.u32 v32, $0x4  }
0x63: {  	v32 =	vor.u32 v0, v32;
	_ =	sdelay $0x3  }
0x64: {  	[tilespmem:s22+$0x4920] =	vst v33  }
0x65: {  	v33 =	vld.idx.msk [tilespmem:v32+s17+$0x0], $0xffff;
	_ =	sdelay $0x1  }
0x66: {  	v34 =	vor.u32 $0x1, v32;
	_ =	sdelay $0x2  }
0x67: {  	s22 =	sadd.s32 $0x10, s22  }
0x68: {  	[tilespmem:s22+$0x0] =	vst v33  }
0x69: {  	v33 =	vld.idx.msk [tilespmem:v34+s17+$0x0], $0xffff;
	_ =	sdelay $0x1  }
0x6a: {  	v34 =	vor.u32 $0x2, v32;
	_ =	sdelay $0x3  }
0x6b: {  	[tilespmem:s22+$0x4E0] =	vst v33  }
0x6c: {  	v33 =	vld.idx.msk [tilespmem:v34+s17+$0x0], $0xffff;
	_ =	sdelay $0x1  }
0x6d: {  	v34 =	vor.u32 $0x3, v32;
	_ =	sdelay $0x3  }
0x6e: {  	[tilespmem:s22+$0x9C0] =	vst v33  }
0x6f: {  	v33 =	vld.idx.msk [tilespmem:v34+s17+$0x0], $0xffff;
	_ =	sdelay $0x1  }
0x70: {  	v34 =	vor.u32 $0x4, v32;
	_ =	sdelay $0x3  }
0x71: {  	[tilespmem:s22+$0xEA0] =	vst v33  }
0x72: {  	v33 =	vld.idx.msk [tilespmem:v34+s17+$0x0], $0xffff;
	_ =	sdelay $0x1  }
0x73: {  	v34 =	vor.u32 $0x5, v32;
	_ =	sdelay $0x3  }
0x74: {  	[tilespmem:s22+$0x1380] =	vst v33  }
0x75: {  	v33 =	vld.idx.msk [tilespmem:v34+s17+$0x0], $0xffff;
	_ =	sdelay $0x1  }
0x76: {  	v34 =	vor.u32 $0x6, v32;
	_ =	sdelay $0x3  }
0x77: {  	[tilespmem:s22+$0x1860] =	vst v33  }
0x78: {  	v33 =	vld.idx.msk [tilespmem:v34+s17+$0x0], $0xffff;
	_ =	sdelay $0x1  }
0x79: {  	v34 =	vor.u32 $0x7, v32;
	_ =	sdelay $0x3  }
0x7a: {  	[tilespmem:s22+$0x1D40] =	vst v33  }
0x7b: {  	v33 =	vld.idx.msk [tilespmem:v34+s17+$0x0], $0xffff;
	_ =	sdelay $0x1  }
0x7c: {  	v34 =	vor.u32 $0x8, v32;
	_ =	sdelay $0x3  }
0x7d: {  	[tilespmem:s22+$0x2220] =	vst v33  }
0x7e: {  	v33 =	vld.idx.msk [tilespmem:v34+s17+$0x0], $0xffff;
	_ =	sdelay $0x1  }
0x7f: {  	v34 =	vor.u32 $0x9, v32;
	_ =	sdelay $0x3  }
0x80: {  	[tilespmem:s22+$0x2700] =	vst v33  }
0x81: {  	v33 =	vld.idx.msk [tilespmem:v34+s17+$0x0], $0xffff;
	_ =	sdelay $0x1  }
0x82: {  	v34 =	vor.u32 $0xA, v32;
	_ =	sdelay $0x3  }
0x83: {  	[tilespmem:s22+$0x2BE0] =	vst v33  }
0x84: {  	v33 =	vld.idx.msk [tilespmem:v34+s17+$0x0], $0xffff;
	_ =	sdelay $0x1  }
0x85: {  	v34 =	vor.u32 $0xB, v32;
	_ =	sdelay $0x3  }
0x86: {  	[tilespmem:s22+$0x30C0] =	vst v33  }
0x87: {  	v33 =	vld.idx.msk [tilespmem:v34+s17+$0x0], $0xffff;
	_ =	sdelay $0x1  }
0x88: {  	v34 =	vor.u32 $0xC, v32;
	_ =	sdelay $0x3  }
0x89: {  	[tilespmem:s22+$0x35A0] =	vst v33  }
0x8a: {  	v33 =	vld.idx.msk [tilespmem:v34+s17+$0x0], $0xffff;
	_ =	sdelay $0x1  }
0x8b: {  	v34 =	vor.u32 $0xD, v32;
	_ =	sdelay $0x3  }
0x8c: {  	[tilespmem:s22+$0x3A80] =	vst v33  }
0x8d: {  	v33 =	vld.idx.msk [tilespmem:v34+s17+$0x0], $0xffff;
	_ =	sdelay $0x1  }
0x8e: {  	v34 =	vor.u32 $0xE, v32;
	_ =	sdelay $0x3  }
0x8f: {  	[tilespmem:s22+$0x3F60] =	vst v33  }
0x90: {  	v33 =	vld.idx.msk [tilespmem:v34+s17+$0x0], $0xffff;
	_ =	sdelay $0x1  }
0x91: {  	v34 =	vor.u32 $0xF, v32  }
.Ltmp2:
0x92: {  	(pc) =	sbr.rel @p2 .LBB2_3-.Ltmp2, $3  }
0x93: {  	_ =	sdelay $0x1  }
0x94: {  	[tilespmem:s22+$0x4440] =	vst v33  }
0x95: {  	v32 =	vmov s9;
	s9 =	sadd.s32 $0x10, s9;
	v33 =	vld.idx.msk [tilespmem:v34+s17+$0x0], $0xffff  }
0x96: {  	v32 =	vshll.u32 v32, $0x4  }
0x97: {  	v32 =	vor.u32 v0, v32;
	_ =	sdelay $0x3  }
0x98: {  	[tilespmem:s22+$0x4920] =	vst v33  }
0x99: {  	v33 =	vld.idx.msk [tilespmem:v32+s17+$0x0], $0xffff  }
0x9a: {  	v34 =	vor.u32 $0x1, v32;
	_ =	sdelay $0x2  }
0x9b: {  	s9 =	sadd.s32 $0x10, s22  }
0x9c: {  	[tilespmem:s9+$0x0] =	vst v33  }
0x9d: {  	v33 =	vld.idx.msk [tilespmem:v34+s17+$0x0], $0xffff  }
0x9e: {  	v51 =	vor.u32 $0x2, v32;
	_ =	sdelay $0x3  }
0x9f: {  	[tilespmem:s9+$0x4E0] =	vst v33  }
0xa0: {  	v33 =	vld.idx.msk [tilespmem:v51+s17+$0x0], $0xffff  }
0xa1: {  	v52 =	vor.u32 $0x3, v32;
	_ =	sdelay $0x3  }
0xa2: {  	[tilespmem:s9+$0x9C0] =	vst v33  }
0xa3: {  	v33 =	vld.idx.msk [tilespmem:v52+s17+$0x0], $0xffff  }
0xa4: {  	v53 =	vor.u32 $0x4, v32;
	_ =	sdelay $0x3  }
0xa5: {  	[tilespmem:s9+$0xEA0] =	vst v33  }
0xa6: {  	v33 =	vld.idx.msk [tilespmem:v53+s17+$0x0], $0xffff  }
0xa7: {  	v54 =	vor.u32 $0x5, v32;
	_ =	sdelay $0x3  }
0xa8: {  	[tilespmem:s9+$0x1380] =	vst v33  }
0xa9: {  	v33 =	vld.idx.msk [tilespmem:v54+s17+$0x0], $0xffff  }
0xaa: {  	v55 =	vor.u32 $0x6, v32;
	_ =	sdelay $0x3  }
0xab: {  	[tilespmem:s9+$0x1860] =	vst v33  }
0xac: {  	v33 =	vld.idx.msk [tilespmem:v55+s17+$0x0], $0xffff  }
0xad: {  	v56 =	vor.u32 $0x7, v32;
	_ =	sdelay $0x3  }
0xae: {  	[tilespmem:s9+$0x1D40] =	vst v33  }
0xaf: {  	v33 =	vld.idx.msk [tilespmem:v56+s17+$0x0], $0xffff  }
0xb0: {  	v57 =	vor.u32 $0x8, v32;
	_ =	sdelay $0x3  }
0xb1: {  	[tilespmem:s9+$0x2220] =	vst v33  }
0xb2: {  	v33 =	vld.idx.msk [tilespmem:v57+s17+$0x0], $0xffff  }
0xb3: {  	v58 =	vor.u32 $0x9, v32;
	_ =	sdelay $0x3  }
0xb4: {  	[tilespmem:s9+$0x2700] =	vst v33  }
0xb5: {  	v33 =	vld.idx.msk [tilespmem:v58+s17+$0x0], $0xffff  }
0xb6: {  	v59 =	vor.u32 $0xA, v32;
	_ =	sdelay $0x3  }
0xb7: {  	[tilespmem:s9+$0x2BE0] =	vst v33  }
0xb8: {  	v33 =	vld.idx.msk [tilespmem:v59+s17+$0x0], $0xffff  }
0xb9: {  	v60 =	vor.u32 $0xB, v32;
	_ =	sdelay $0x3  }
0xba: {  	[tilespmem:s9+$0x30C0] =	vst v33  }
0xbb: {  	v33 =	vld.idx.msk [tilespmem:v60+s17+$0x0], $0xffff  }
0xbc: {  	v61 =	vor.u32 $0xC, v32;
	_ =	sdelay $0x3  }
0xbd: {  	[tilespmem:s9+$0x35A0] =	vst v33  }
0xbe: {  	v33 =	vld.idx.msk [tilespmem:v61+s17+$0x0], $0xffff  }
0xbf: {  	v62 =	vor.u32 $0xD, v32;
	_ =	sdelay $0x3  }
0xc0: {  	[tilespmem:s9+$0x3A80] =	vst v33  }
0xc1: {  	v33 =	vld.idx.msk [tilespmem:v62+s17+$0x0], $0xffff  }
0xc2: {  	v63 =	vor.u32 $0xE, v32;
	_ =	sdelay $0x3  }
0xc3: {  	[tilespmem:s9+$0x3F60] =	vst v33  }
0xc4: {  	v33 =	vld.idx.msk [tilespmem:v63+s17+$0x0], $0xffff  }
0xc5: {  	v32 =	vor.u32 $0xF, v32;
	_ =	sdelay $0x3  }
0xc6: {  	[tilespmem:s9+$0x4440] =	vst v33  }
0xc7: {  	v32 =	vld.idx.msk [tilespmem:v32+s17+$0x0], $0xffff;
	_ =	sdelay $0x4  }
0xc8: {  	[tilespmem:s9+$0x4920] =	vst v32  }
0xc9: {  	v16 =	vld.idx.msk [tilespmem:v16+s18+$0x0], $0xffff;
	_ =	sdelay $0x4  }
0xca: {  	[tilespmem:s28+$0x0] =	vst v16  }
0xcb: {  	v16 =	vld.idx.msk [tilespmem:v17+s18+$0x0], $0xffff;
	_ =	sdelay $0x4  }
0xcc: {  	[tilespmem:s28+$0x4E0] =	vst v16  }
0xcd: {  	v16 =	vld.idx.msk [tilespmem:v18+s18+$0x0], $0xffff;
	_ =	sdelay $0x4  }
0xce: {  	[tilespmem:s28+$0x9C0] =	vst v16  }
0xcf: {  	v16 =	vld.idx.msk [tilespmem:v19+s18+$0x0], $0xffff;
	_ =	sdelay $0x4  }
0xd0: {  	[tilespmem:s28+$0xEA0] =	vst v16  }
0xd1: {  	v16 =	vld.idx.msk [tilespmem:v20+s18+$0x0], $0xffff;
	_ =	sdelay $0x4  }
0xd2: {  	[tilespmem:s28+$0x1380] =	vst v16  }
0xd3: {  	v16 =	vld.idx.msk [tilespmem:v21+s18+$0x0], $0xffff;
	_ =	sdelay $0x4  }
0xd4: {  	[tilespmem:s28+$0x1860] =	vst v16  }
0xd5: {  	v16 =	vld.idx.msk [tilespmem:v22+s18+$0x0], $0xffff;
	_ =	sdelay $0x4  }
0xd6: {  	[tilespmem:s28+$0x1D40] =	vst v16  }
0xd7: {  	v16 =	vld.idx.msk [tilespmem:v23+s18+$0x0], $0xffff;
	_ =	sdelay $0x4  }
0xd8: {  	[tilespmem:s28+$0x2220] =	vst v16  }
0xd9: {  	v16 =	vld.idx.msk [tilespmem:v24+s18+$0x0], $0xffff;
	_ =	sdelay $0x4  }
0xda: {  	[tilespmem:s28+$0x2700] =	vst v16  }
0xdb: {  	v16 =	vld.idx.msk [tilespmem:v25+s18+$0x0], $0xffff;
	_ =	sdelay $0x4  }
0xdc: {  	[tilespmem:s28+$0x2BE0] =	vst v16  }
0xdd: {  	v16 =	vld.idx.msk [tilespmem:v26+s18+$0x0], $0xffff;
	_ =	sdelay $0x4  }
0xde: {  	[tilespmem:s28+$0x30C0] =	vst v16  }
0xdf: {  	v16 =	vld.idx.msk [tilespmem:v27+s18+$0x0], $0xffff;
	_ =	sdelay $0x4  }
0xe0: {  	[tilespmem:s28+$0x35A0] =	vst v16  }
0xe1: {  	v16 =	vld.idx.msk [tilespmem:v28+s18+$0x0], $0xffff;
	_ =	sdelay $0x4  }
0xe2: {  	[tilespmem:s28+$0x3A80] =	vst v16  }
0xe3: {  	v16 =	vld.idx.msk [tilespmem:v29+s18+$0x0], $0xffff;
	_ =	sdelay $0x4  }
0xe4: {  	[tilespmem:s28+$0x3F60] =	vst v16  }
0xe5: {  	v16 =	vld.idx.msk [tilespmem:v31+s18+$0x0], $0xffff;
	_ =	sdelay $0x4  }
0xe6: {  	[tilespmem:s28+$0x4440] =	vst v16  }
0xe7: {  	s9 =	simm.s32 $0x20;
	v16 =	vmov s29;
	v17 =	vld.idx.msk [tilespmem:v30+s18+$0x0], $0xffff  }
.LBB2_5:
0xe8: {  	p2 =	sne.s32 s9, $0x4D0;
	v16 =	vshll.u32 v16, $0x4  }
0xe9: {  	v16 =	vor.u32 v0, v16;
	_ =	sdelay $0x3  }
0xea: {  	[tilespmem:s28+$0x4920] =	vst v17  }
0xeb: {  	v17 =	vld.idx.msk [tilespmem:v16+s18+$0x0], $0xffff;
	_ =	sdelay $0x1  }
0xec: {  	v18 =	vor.u32 $0x1, v16;
	_ =	sdelay $0x2  }
0xed: {  	s28 =	sadd.s32 $0x10, s28  }
0xee: {  	[tilespmem:s28+$0x0] =	vst v17  }
0xef: {  	v17 =	vld.idx.msk [tilespmem:v18+s18+$0x0], $0xffff;
	_ =	sdelay $0x1  }
0xf0: {  	v18 =	vor.u32 $0x2, v16;
	_ =	sdelay $0x3  }
0xf1: {  	[tilespmem:s28+$0x4E0] =	vst v17  }
0xf2: {  	v17 =	vld.idx.msk [tilespmem:v18+s18+$0x0], $0xffff;
	_ =	sdelay $0x1  }
0xf3: {  	v18 =	vor.u32 $0x3, v16;
	_ =	sdelay $0x3  }
0xf4: {  	[tilespmem:s28+$0x9C0] =	vst v17  }
0xf5: {  	v17 =	vld.idx.msk [tilespmem:v18+s18+$0x0], $0xffff;
	_ =	sdelay $0x1  }
0xf6: {  	v18 =	vor.u32 $0x4, v16;
	_ =	sdelay $0x3  }
0xf7: {  	[tilespmem:s28+$0xEA0] =	vst v17  }
0xf8: {  	v17 =	vld.idx.msk [tilespmem:v18+s18+$0x0], $0xffff;
	_ =	sdelay $0x1  }
0xf9: {  	v18 =	vor.u32 $0x5, v16;
	_ =	sdelay $0x3  }
0xfa: {  	[tilespmem:s28+$0x1380] =	vst v17  }
0xfb: {  	v17 =	vld.idx.msk [tilespmem:v18+s18+$0x0], $0xffff;
	_ =	sdelay $0x1  }
0xfc: {  	v18 =	vor.u32 $0x6, v16;
	_ =	sdelay $0x3  }
0xfd: {  	[tilespmem:s28+$0x1860] =	vst v17  }
0xfe: {  	v17 =	vld.idx.msk [tilespmem:v18+s18+$0x0], $0xffff;
	_ =	sdelay $0x1  }
0xff: {  	v18 =	vor.u32 $0x7, v16;
	_ =	sdelay $0x3  }
0x100: {  	[tilespmem:s28+$0x1D40] =	vst v17  }
0x101: {  	v17 =	vld.idx.msk [tilespmem:v18+s18+$0x0], $0xffff;
	_ =	sdelay $0x1  }
0x102: {  	v18 =	vor.u32 $0x8, v16;
	_ =	sdelay $0x3  }
0x103: {  	[tilespmem:s28+$0x2220] =	vst v17  }
0x104: {  	v17 =	vld.idx.msk [tilespmem:v18+s18+$0x0], $0xffff;
	_ =	sdelay $0x1  }
0x105: {  	v18 =	vor.u32 $0x9, v16;
	_ =	sdelay $0x3  }
0x106: {  	[tilespmem:s28+$0x2700] =	vst v17  }
0x107: {  	v17 =	vld.idx.msk [tilespmem:v18+s18+$0x0], $0xffff;
	_ =	sdelay $0x1  }
0x108: {  	v18 =	vor.u32 $0xA, v16;
	_ =	sdelay $0x3  }
0x109: {  	[tilespmem:s28+$0x2BE0] =	vst v17  }
0x10a: {  	v17 =	vld.idx.msk [tilespmem:v18+s18+$0x0], $0xffff;
	_ =	sdelay $0x1  }
0x10b: {  	v18 =	vor.u32 $0xB, v16;
	_ =	sdelay $0x3  }
0x10c: {  	[tilespmem:s28+$0x30C0] =	vst v17  }
0x10d: {  	v17 =	vld.idx.msk [tilespmem:v18+s18+$0x0], $0xffff;
	_ =	sdelay $0x1  }
0x10e: {  	v18 =	vor.u32 $0xC, v16;
	_ =	sdelay $0x3  }
0x10f: {  	[tilespmem:s28+$0x35A0] =	vst v17  }
0x110: {  	v17 =	vld.idx.msk [tilespmem:v18+s18+$0x0], $0xffff;
	_ =	sdelay $0x1  }
0x111: {  	v18 =	vor.u32 $0xD, v16;
	_ =	sdelay $0x3  }
0x112: {  	[tilespmem:s28+$0x3A80] =	vst v17  }
0x113: {  	v17 =	vld.idx.msk [tilespmem:v18+s18+$0x0], $0xffff;
	_ =	sdelay $0x1  }
0x114: {  	v18 =	vor.u32 $0xE, v16;
	_ =	sdelay $0x3  }
0x115: {  	[tilespmem:s28+$0x3F60] =	vst v17  }
0x116: {  	v17 =	vld.idx.msk [tilespmem:v18+s18+$0x0], $0xffff;
	_ =	sdelay $0x1  }
0x117: {  	v18 =	vor.u32 $0xF, v16  }
.Ltmp3:
0x118: {  	(pc) =	sbr.rel @p2 .LBB2_5-.Ltmp3, $3  }
0x119: {  	_ =	sdelay $0x1  }
0x11a: {  	[tilespmem:s28+$0x4440] =	vst v17  }
0x11b: {  	v16 =	vmov s9;
	s9 =	sadd.s32 $0x10, s9;
	v17 =	vld.idx.msk [tilespmem:v18+s18+$0x0], $0xffff  }
0x11c: {  	v16 =	vshll.u32 v16, $0x4  }
0x11d: {  	v16 =	vor.u32 v0, v16;
	_ =	sdelay $0x3  }
0x11e: {  	[tilespmem:s28+$0x4920] =	vst v17  }
0x11f: {  	v17 =	vld.idx.msk [tilespmem:v16+s18+$0x0], $0xffff  }
0x120: {  	v18 =	vor.u32 $0x1, v16;
	_ =	sdelay $0x2  }
0x121: {  	s9 =	sadd.s32 $0x10, s28  }
0x122: {  	[tilespmem:s9+$0x0] =	vst v17  }
0x123: {  	v17 =	vld.idx.msk [tilespmem:v18+s18+$0x0], $0xffff  }
0x124: {  	v51 =	vor.u32 $0x2, v16;
	_ =	sdelay $0x3  }
0x125: {  	[tilespmem:s9+$0x4E0] =	vst v17  }
0x126: {  	v17 =	vld.idx.msk [tilespmem:v51+s18+$0x0], $0xffff  }
0x127: {  	v52 =	vor.u32 $0x3, v16;
	_ =	sdelay $0x3  }
0x128: {  	[tilespmem:s9+$0x9C0] =	vst v17  }
0x129: {  	v17 =	vld.idx.msk [tilespmem:v52+s18+$0x0], $0xffff  }
0x12a: {  	v53 =	vor.u32 $0x4, v16;
	_ =	sdelay $0x3  }
0x12b: {  	[tilespmem:s9+$0xEA0] =	vst v17  }
0x12c: {  	v17 =	vld.idx.msk [tilespmem:v53+s18+$0x0], $0xffff  }
0x12d: {  	v54 =	vor.u32 $0x5, v16;
	_ =	sdelay $0x3  }
0x12e: {  	[tilespmem:s9+$0x1380] =	vst v17  }
0x12f: {  	v17 =	vld.idx.msk [tilespmem:v54+s18+$0x0], $0xffff  }
0x130: {  	v55 =	vor.u32 $0x6, v16;
	_ =	sdelay $0x3  }
0x131: {  	[tilespmem:s9+$0x1860] =	vst v17  }
0x132: {  	v17 =	vld.idx.msk [tilespmem:v55+s18+$0x0], $0xffff  }
0x133: {  	v56 =	vor.u32 $0x7, v16;
	_ =	sdelay $0x3  }
0x134: {  	[tilespmem:s9+$0x1D40] =	vst v17  }
0x135: {  	v17 =	vld.idx.msk [tilespmem:v56+s18+$0x0], $0xffff  }
0x136: {  	v57 =	vor.u32 $0x8, v16;
	_ =	sdelay $0x3  }
0x137: {  	[tilespmem:s9+$0x2220] =	vst v17  }
0x138: {  	v17 =	vld.idx.msk [tilespmem:v57+s18+$0x0], $0xffff  }
0x139: {  	v58 =	vor.u32 $0x9, v16;
	_ =	sdelay $0x3  }
0x13a: {  	[tilespmem:s9+$0x2700] =	vst v17  }
0x13b: {  	v17 =	vld.idx.msk [tilespmem:v58+s18+$0x0], $0xffff  }
0x13c: {  	v59 =	vor.u32 $0xA, v16;
	_ =	sdelay $0x3  }
0x13d: {  	[tilespmem:s9+$0x2BE0] =	vst v17  }
0x13e: {  	v17 =	vld.idx.msk [tilespmem:v59+s18+$0x0], $0xffff  }
0x13f: {  	v60 =	vor.u32 $0xB, v16;
	_ =	sdelay $0x3  }
0x140: {  	[tilespmem:s9+$0x30C0] =	vst v17  }
0x141: {  	v17 =	vld.idx.msk [tilespmem:v60+s18+$0x0], $0xffff  }
0x142: {  	v61 =	vor.u32 $0xC, v16;
	_ =	sdelay $0x3  }
0x143: {  	[tilespmem:s9+$0x35A0] =	vst v17  }
0x144: {  	v17 =	vld.idx.msk [tilespmem:v61+s18+$0x0], $0xffff  }
0x145: {  	v62 =	vor.u32 $0xD, v16;
	_ =	sdelay $0x3  }
0x146: {  	[tilespmem:s9+$0x3A80] =	vst v17  }
0x147: {  	v17 =	vld.idx.msk [tilespmem:v62+s18+$0x0], $0xffff  }
0x148: {  	v63 =	vor.u32 $0xE, v16;
	_ =	sdelay $0x3  }
0x149: {  	[tilespmem:s9+$0x3F60] =	vst v17  }
0x14a: {  	v17 =	vld.idx.msk [tilespmem:v63+s18+$0x0], $0xffff  }
0x14b: {  	v16 =	vor.u32 $0xF, v16;
	_ =	sdelay $0x3  }
0x14c: {  	[tilespmem:s9+$0x4440] =	vst v17  }
0x14d: {  	v16 =	vld.idx.msk [tilespmem:v16+s18+$0x0], $0xffff;
	_ =	sdelay $0x1  }
0x14e: {  	s31 =	sadd.s32 $0x1, s31  }
0x14f: {  	s22 =	smul.u32 $0x4E00, s2;
	p2 =	sne.s32 s31, $0x4  }
.Ltmp4:
0x150: {  	_ = 	snop;
	(pc) =	sbr.rel @p2 .LBB2_2-.Ltmp4, $4  }
0x151: {  	s2 =	sor.u32 $0x2, s2;
	s28 =	sadd.s32 $0xA5C0, s22;
	[tilespmem:s9+$0x4920] =	vst v16;
	s9 =	sadd.s32 s3, s0  }
0x152: {  	[hbm4b:s9+s16] =	stream.strided.scatter [tilespmem:s28], [sflag:s2], $0x4E00, s19, s16, $0x38;
	[tilespmem:$0x1E1E0] =	vst v63  }
0x153: {  	p1 =	por !p1, !p1;
	s9 =	sadd.s32 s7, s0;
	s28 =	sadd.s32 $0x141C0, s22  }
0x154: {  	[hbm4b:s9+s16] =	stream.strided.scatter [tilespmem:s28], [sflag:s2], $0x4E00, s19, s16, $0x38;
	[tilespmem:$0x1E1E0] =	vst v63  }
0x155: {  	_ =	swait.ge [sflag:s20], $0x4E00  }
0x156: {  	[sflag:s20] =	ssyncset.done $0x0  }
0x157: {  	[sflag:s20] =	ssyncadd.s32 $0xFFFFB200  }
0x158: {  	_ =	swait.ge [sflag:s20], $0x4E00  }
0x159: {  	[sflag:s20] =	ssyncset.done $0x0  }
0x15a: {  	[sflag:s20] =	ssyncadd.s32 $0xFFFFB200  }
0x15b: {  	_ =	swait.ge [sflag:s21], $0x4E00  }
.Ltmp5:
0x15c: {  	[sflag:s21] =	ssyncset.done $0x0;
	(pc) =	sbr.rel @p0 .LBB2_9-.Ltmp5, $4  }
0x15d: {  	[sflag:s21] =	ssyncadd.s32 $0xFFFFB200  }
0x15e: {  	_ =	swait.ge [sflag:s21], $0x4E00  }
0x15f: {  	[sflag:s21] =	ssyncset.done $0x0  }
0x160: {  	[sflag:s21] =	ssyncadd.s32 $0xFFFFB200  }
0x161: {  	s0 =	rddreg [dreg:$0x4];
	s2 =	simm.s32 $0x1DDC0  }
0x162: {  	[tilespmem:s2], [sflag:$0x4] =	stream.linear.gather [hbm4b:s0+s4], $0x10, $0x38;
	[tilespmem:$0x1E1E0] =	vst v63  }
0x163: {  	_ =	swait.ge [sflag:s15], $0x10  }
0x164: {  	[sflag:s15] =	ssyncset.done $0x0  }
0x165: {  	[sflag:s15] =	ssyncadd.s32 $0xFFFFFFF0  }
0x166: {  	[tilespmem:s23], [sflag:$0x4] =	stream.linear.gather [hbm4b:s10+s4], $0x10, $0x38;
	[tilespmem:$0x1E1E0] =	vst v63  }
0x167: {  	_ =	swait.ge [sflag:s15], $0x10  }
0x168: {  	[sflag:s15] =	ssyncset.done $0x0  }
0x169: {  	[sflag:s15] =	ssyncadd.s32 $0xFFFFFFF0  }
0x16a: {  	[tilespmem:s25], [sflag:$0x1] =	stream.indirect.gather [hbm4b:s1+s24], $0x10, s2, s24, $0xb8;
	[tilespmem:$0x1E1E0] =	vst v63  }
0x16b: {  	_ = 	snop  }
0x16c: {  	[tilespmem:s26], [sflag:$0x1] =	stream.indirect.gather [hbm4b:s1+s24], $0x10, s23, s24, $0xb8;
	[tilespmem:$0x1E1E0] =	vst v63  }
0x16d: {  	_ =	swait.ge [sflag:s14], $0x100  }
0x16e: {  	[sflag:s14] =	ssyncset.done $0x0  }
0x16f: {  	[sflag:s14] =	ssyncadd.s32 $0xFFFFFF00  }
0x170: {  	_ =	swait.ge [sflag:s14], $0x100  }
0x171: {  	[sflag:s14] =	ssyncset.done $0x0  }
0x172: {  	[sflag:s14] =	ssyncadd.s32 $0xFFFFFF00  }
0x173: {  	v16 =	vld.idx.msk [tilespmem:v0+s25+$0x0], $0xffff;
	_ =	sdelay $0x4  }
0x174: {  	[tilespmem:$0x1DFE0] =	vst v16  }
0x175: {  	v16 =	vld.idx.msk [tilespmem:v1+s25+$0x0], $0xffff;
	_ =	sdelay $0x4  }
0x176: {  	[tilespmem:$0x1DFF0] =	vst v16  }
0x177: {  	v16 =	vld.idx.msk [tilespmem:v2+s25+$0x0], $0xffff;
	_ =	sdelay $0x4  }
0x178: {  	[tilespmem:$0x1E000] =	vst v16  }
0x179: {  	v16 =	vld.idx.msk [tilespmem:v3+s25+$0x0], $0xffff;
	_ =	sdelay $0x4  }
0x17a: {  	[tilespmem:$0x1E010] =	vst v16  }
0x17b: {  	v16 =	vld.idx.msk [tilespmem:v4+s25+$0x0], $0xffff;
	_ =	sdelay $0x4  }
0x17c: {  	[tilespmem:$0x1E020] =	vst v16  }
0x17d: {  	v16 =	vld.idx.msk [tilespmem:v5+s25+$0x0], $0xffff;
	_ =	sdelay $0x4  }
0x17e: {  	[tilespmem:$0x1E030] =	vst v16  }
0x17f: {  	v16 =	vld.idx.msk [tilespmem:v6+s25+$0x0], $0xffff;
	_ =	sdelay $0x4  }
0x180: {  	[tilespmem:$0x1E040] =	vst v16  }
0x181: {  	v16 =	vld.idx.msk [tilespmem:v7+s25+$0x0], $0xffff;
	_ =	sdelay $0x4  }
0x182: {  	[tilespmem:$0x1E050] =	vst v16  }
0x183: {  	v16 =	vld.idx.msk [tilespmem:v8+s25+$0x0], $0xffff;
	_ =	sdelay $0x4  }
0x184: {  	[tilespmem:$0x1E060] =	vst v16  }
0x185: {  	v16 =	vld.idx.msk [tilespmem:v9+s25+$0x0], $0xffff;
	_ =	sdelay $0x4  }
0x186: {  	[tilespmem:$0x1E070] =	vst v16  }
0x187: {  	v16 =	vld.idx.msk [tilespmem:v10+s25+$0x0], $0xffff;
	_ =	sdelay $0x4  }
0x188: {  	[tilespmem:$0x1E080] =	vst v16  }
0x189: {  	v16 =	vld.idx.msk [tilespmem:v11+s25+$0x0], $0xffff;
	_ =	sdelay $0x4  }
0x18a: {  	[tilespmem:$0x1E090] =	vst v16  }
0x18b: {  	v16 =	vld.idx.msk [tilespmem:v12+s25+$0x0], $0xffff;
	_ =	sdelay $0x4  }
0x18c: {  	[tilespmem:$0x1E0A0] =	vst v16  }
0x18d: {  	v16 =	vld.idx.msk [tilespmem:v13+s25+$0x0], $0xffff;
	_ =	sdelay $0x4  }
0x18e: {  	[tilespmem:$0x1E0B0] =	vst v16  }
0x18f: {  	v16 =	vld.idx.msk [tilespmem:v14+s25+$0x0], $0xffff;
	_ =	sdelay $0x4  }
0x190: {  	[tilespmem:$0x1E0C0] =	vst v16  }
0x191: {  	v16 =	vld.idx.msk [tilespmem:v15+s25+$0x0], $0xffff;
	_ =	sdelay $0x4  }
0x192: {  	[tilespmem:$0x1E0D0] =	vst v16  }
0x193: {  	v16 =	vld.idx.msk [tilespmem:v0+s26+$0x0], $0xffff;
	_ =	sdelay $0x4  }
0x194: {  	[tilespmem:$0x1E0E0] =	vst v16  }
0x195: {  	v16 =	vld.idx.msk [tilespmem:v1+s26+$0x0], $0xffff;
	_ =	sdelay $0x4  }
0x196: {  	[tilespmem:$0x1E0F0] =	vst v16  }
0x197: {  	v16 =	vld.idx.msk [tilespmem:v2+s26+$0x0], $0xffff;
	_ =	sdelay $0x4  }
0x198: {  	[tilespmem:$0x1E100] =	vst v16  }
0x199: {  	v16 =	vld.idx.msk [tilespmem:v3+s26+$0x0], $0xffff;
	_ =	sdelay $0x4  }
0x19a: {  	[tilespmem:$0x1E110] =	vst v16  }
0x19b: {  	v16 =	vld.idx.msk [tilespmem:v4+s26+$0x0], $0xffff;
	_ =	sdelay $0x4  }
0x19c: {  	[tilespmem:$0x1E120] =	vst v16  }
0x19d: {  	v16 =	vld.idx.msk [tilespmem:v5+s26+$0x0], $0xffff;
	_ =	sdelay $0x4  }
0x19e: {  	[tilespmem:$0x1E130] =	vst v16  }
0x19f: {  	v16 =	vld.idx.msk [tilespmem:v6+s26+$0x0], $0xffff;
	_ =	sdelay $0x4  }
0x1a0: {  	[tilespmem:$0x1E140] =	vst v16  }
0x1a1: {  	v16 =	vld.idx.msk [tilespmem:v7+s26+$0x0], $0xffff;
	_ =	sdelay $0x4  }
0x1a2: {  	[tilespmem:$0x1E150] =	vst v16  }
0x1a3: {  	v16 =	vld.idx.msk [tilespmem:v8+s26+$0x0], $0xffff;
	_ =	sdelay $0x4  }
0x1a4: {  	[tilespmem:$0x1E160] =	vst v16  }
0x1a5: {  	v16 =	vld.idx.msk [tilespmem:v9+s26+$0x0], $0xffff;
	_ =	sdelay $0x4  }
0x1a6: {  	[tilespmem:$0x1E170] =	vst v16  }
0x1a7: {  	v16 =	vld.idx.msk [tilespmem:v10+s26+$0x0], $0xffff;
	_ =	sdelay $0x4  }
0x1a8: {  	[tilespmem:$0x1E180] =	vst v16  }
0x1a9: {  	v16 =	vld.idx.msk [tilespmem:v11+s26+$0x0], $0xffff;
	_ =	sdelay $0x4  }
0x1aa: {  	[tilespmem:$0x1E190] =	vst v16  }
0x1ab: {  	v16 =	vld.idx.msk [tilespmem:v12+s26+$0x0], $0xffff;
	_ =	sdelay $0x4  }
0x1ac: {  	[tilespmem:$0x1E1A0] =	vst v16  }
0x1ad: {  	v16 =	vld.idx.msk [tilespmem:v13+s26+$0x0], $0xffff;
	_ =	sdelay $0x4  }
0x1ae: {  	[tilespmem:$0x1E1B0] =	vst v16  }
0x1af: {  	v16 =	vld.idx.msk [tilespmem:v14+s26+$0x0], $0xffff;
	_ =	sdelay $0x4  }
0x1b0: {  	[tilespmem:$0x1E1C0] =	vst v16  }
0x1b1: {  	v16 =	vld.idx.msk [tilespmem:v15+s26+$0x0], $0xffff;
	_ =	sdelay $0x4  }
0x1b2: {  	s28 =	simm.s32 $0x1DFE0;
	[tilespmem:$0x1E1D0] =	vst v16  }
0x1b3: {  	[hbm4b:s11+s24] =	stream.strided.scatter [tilespmem:s28], [sflag:$0x4], $0x100, s19, s24, $0x38;
	[tilespmem:$0x1E1E0] =	vst v63  }
0x1b4: {  	_ =	swait.ge [sflag:s15], $0x100  }
0x1b5: {  	[sflag:s15] =	ssyncset.done $0x0  }
.Ltmp6:
0x1b6: {  	s31 =	simm.s32 $0x1E0E0;
	[sflag:s15] =	ssyncadd.s32 $0xFFFFFF00;
	(pc) =	sbr.rel .LBB2_9-.Ltmp6, $4  }
0x1b7: {  	[hbm4b:s12+s24] =	stream.strided.scatter [tilespmem:s31], [sflag:$0x4], $0x100, s19, s24, $0x38;
	[tilespmem:$0x1E1E0] =	vst v63  }
0x1b8: {  	_ =	swait.ge [sflag:s15], $0x100  }
0x1b9: {  	[sflag:s15] =	ssyncset.done $0x0  }
0x1ba: {  	[sflag:s15] =	ssyncadd.s32 $0xFFFFFF00  }
.LBB2_10:
0x1bb: {  	_ =	sfence.sel $0x180000  }
0x1bc: {  	[bflag:$0x0] =	sbarrier.arrive $0xFFFF  }
0x1bd: {  	_ =	strace $0x90000047  }
0x1be: {  	s0 =	stileid.u32;
	[bflag:$0x2] =	sbarrier.arrive $0xFFFF  }
0x1bf: {  	p0 =	sne.s32 s0, $0x0;
	s0 =	rddreg [dreg:$0x3]  }
0x1c0: {  	s0 =	sadd.s32 @!p0 $0x100000, s0  }
0x1c1: {  	[sflag:s0] =	ssyncadd.tile.s32 @!p0 $0x1;
	_ =	shalt  }
.Lfunc_end2:
_tile_overlayer_lowered:
.L_overlay_start_2:
0x1c2: {  	(tag) =	ssettag $0x2  }
0x1c3: {  	s0 =	rddreg [dreg:$0x0];
	s2 =	stileid.u32  }
0x1c4: {  	s1 =	rddreg [dreg:$0x1];
	p0 =	sne.s32 s2, $0x0  }
0x1c5: {  	s3 =	rddreg [dreg:$0x2];
	[bflag:$0x3] =	sbarrier.arrive $0xFFFF;
	s2 =	simm.s32 @!p0 $0x1C04  }
0x1c6: {  	[timem:s3], [sflag:s2] =	dma.local @!p0 [hbm:s0], s1  }
0x1c7: {  	s0 =	simm.s32 @!p0 $0x4  }
0x1c8: {  	_ =	swait.ge @!p0 [sflag:s0], s1  }
0x1c9: {  	s1 =	ssub.s32 @!p0 $0x0, s1;
	[sflag:s0] =	ssyncset.done @!p0 $0x0  }
0x1ca: {  	[sflag:s0] =	ssyncadd.s32 @!p0 s1  }
0x1cb: {  	[bflag:$0x3] =	sbarrier.arrive $0xFFFF  }
0x1cc: {  	_ =	shalt  }

// kernel: sc_scatter_nodeftr.3.cloned.1.call-start
scs
__scs_entry_jumppad:
0x0: {  	(pc) =	sbr.rel $0x88, $3  }
0x1: {  	(tag) =	ssettag $0x0;
	lr =	simm.s32 $0x1  }
0x2: {  	[smem:$0x3F96] =	sst lr;
	_ =	strace $0xD0000000  }
0x3: {  	_ = 	snop  }
0x4: {  	_ = 	snop  }
0x5: {  	_ = 	snop  }
0x6: {  	_ = 	snop  }
0x7: {  	_ = 	snop  }
__scs_overlays_trampoline_lowered:
0x8: {  	[smem:$0x3FA5] =	sst s0  }
0x9: {  	[smem:$0x3FA6] =	sst s1  }
0xa: {  	[smem:$0x3FA7] =	sst s2  }
0xb: {  	[smem:$0x3FA8] =	sst s3  }
0xc: {  	[smem:$0x3FA9] =	sst s4  }
0xd: {  	[smem:$0x3FAA] =	sst s5  }
0xe: {  	[smem:$0x3FAB] =	sst s6  }
0xf: {  	[smem:$0x3FAC] =	sst s7  }
0x10: {  	[smem:$0x3FAD] =	sst s8  }
0x11: {  	[smem:$0x3FAE] =	sst s9;
	s0 =	simm.s32 @!p0 $0x0  }
0x12: {  	s1 =	sld [smem:$0x3F94];
	s0 =	simm.s32 @p0 $0x1  }
0x13: {  	[smem:$0x3FAF] =	sst s0;
	s0 =	simm.s32 @!p1 $0x0  }
0x14: {  	s2 =	sld [smem:$0x3F93];
	s0 =	simm.s32 @p1 $0x1  }
0x15: {  	[smem:$0x3FB0] =	sst s0;
	s0 =	simm.s32 @!p2 $0x0  }
0x16: {  	s3 =	sld [smem:$0x3FDB];
	s0 =	simm.s32 @p2 $0x1  }
0x17: {  	s4 =	simm.s32 $0x1BF5;
	[smem:$0x3FB2] =	sst s0  }
0x18: {  	s0 =	sld [smem:$0x3F95];
	_ =	swait.ge [sflag:s4], $0x0  }
0x19: {  	s7 =	sld [smem:$0x3F96]  }
0x1a: {  	s8 =	sadd.s32 $0xFFFFE003, lr  }
0x1b: {  	s9 =	sadd.s32 $0xFFFFFEF7, lr;
	s5 =	simm.s32 $0xFFFFFFFF;
	p2 =	slt.u32 s8, $0xFFFFF086  }
0x1c: {  	p1 =	slt.u32 s9, $0xF7A;
	s5 =	simm.s32 @!p2 $0x0  }
0x1d: {  	s5 =	simm.s32 @p1 $0x1;
	p0 =	seq.s32 s7, s2  }
0x1e: {  	s7 =	smul.u32 @!p0 $0xF7A, s2;
	p2 =	seq.s32 @!p0 s5, $0x0  }
0x1f: {  	s9 =	smul.u32 $0xF7A, s1;
	s8 =	simm.s32 @!p0 $0x1BF5;
	p2 =	por !p2, p0  }
0x20: {  	[sflag:s8] =	ssyncset.s32 @!p0 $0xFFFFF086;
	s6 =	sadd.s32 @!p0 s3, s7;
	s7 =	simm.s32 @!p0 $0x108  }
0x21: {  	s3 =	sadd.s32 s3, s9;
	s6 =	sadd.s32 @!p0 $0x88, s6;
	s7 =	simm.s32 @p2 $0x1082  }
0x22: {  	[simem:s7], [sflag:s8] =	dma.local @!p0 [hbm:s6], $0xF7A  }
0x23: {  	s9 =	sor.u32 $0xD0000000, s2;
	s6 =	simm.s32 $0x108;
	_ =	swait.ge @!p0 [sflag:s8], $0x0  }
0x24: {  	s3 =	sadd.s32 $0x88, s3;
	s6 =	simm.s32 @!p1 $0x1082;
	[sflag:s4] =	ssyncset.s32 $0xFFFFF086  }
0x25: {  	[simem:s6], [sflag:s4] =	dma.local [hbm:s3], $0xF7A  }
0x26: {  	[smem:$0x3F96] =	sst s1;
	(tag) =	ssettag s2;
	_ =	strace s9  }
0x27: {  	s1 =	sld [smem:$0x3FA6]  }
0x28: {  	s2 =	sld [smem:$0x3FA7]  }
0x29: {  	s4 =	sld [smem:$0x3FA9]  }
0x2a: {  	p0 =	seq.s32 s5, $0x0;
	s5 =	sld [smem:$0x3FAA]  }
0x2b: {  	s6 =	sld [smem:$0x3FAB]  }
0x2c: {  	s7 =	sld [smem:$0x3FAC]  }
0x2d: {  	s3 =	simm.s32 $0x108;
	s8 =	sld [smem:$0x3FAD]  }
0x2e: {  	s3 =	simm.s32 @!p0 $0x1082;
	s9 =	sld [smem:$0x3FAE]  }
0x2f: {  	lr =	sadd.s32 s0, s3;
	s0 =	sld [smem:$0x3FA5]  }
0x30: {  	s3 =	sld [smem:$0x3FA8]  }
0x31: {  	[smem:$0x3FB1] =	sst s10  }
0x32: {  	s10 =	sld [smem:$0x3FAF];
	_ =	sdelay $0x3  }
0x33: {  	p0 =	seq.s32 s10, $0x1;
	s10 =	sld [smem:$0x3FB1];
	_ =	sdelay $0x3  }
0x34: {  	[smem:$0x3FB1] =	sst s10  }
0x35: {  	s10 =	sld [smem:$0x3FB0];
	_ =	sdelay $0x3  }
0x36: {  	p1 =	seq.s32 s10, $0x1;
	s10 =	sld [smem:$0x3FB1];
	_ =	sdelay $0x3  }
0x37: {  	[smem:$0x3FB1] =	sst s10  }
0x38: {  	s10 =	sld [smem:$0x3FB2]  }
0x39: {  	_ = 	snop;
	(pc) =	sbr.ind lr, $3  }
0x3a: {  	_ = 	snop  }
0x3b: {  	_ = 	snop  }
0x3c: {  	p2 =	seq.s32 s10, $0x1;
	s10 =	sld [smem:$0x3FB1]  }
0x3d: {  	_ =	shalt  }
0x3e: {  	_ =	shalt  }
0x3f: {  	_ =	shalt  }
0x40: {  	_ =	shalt  }
0x41: {  	_ =	shalt  }
0x42: {  	_ =	shalt  }
0x43: {  	_ =	shalt  }
0x44: {  	_ =	shalt  }
0x45: {  	_ =	shalt  }
0x46: {  	_ =	shalt  }
0x47: {  	_ =	shalt  }
0x48: {  	_ =	shalt  }
0x49: {  	_ =	shalt  }
0x4a: {  	_ =	shalt  }
0x4b: {  	_ =	shalt  }
0x4c: {  	_ =	shalt  }
0x4d: {  	_ =	shalt  }
0x4e: {  	_ =	shalt  }
0x4f: {  	_ =	shalt  }
0x50: {  	_ =	shalt  }
0x51: {  	_ =	shalt  }
0x52: {  	_ =	shalt  }
0x53: {  	_ =	shalt  }
0x54: {  	_ =	shalt  }
0x55: {  	_ =	shalt  }
0x56: {  	_ =	shalt  }
0x57: {  	_ =	shalt  }
0x58: {  	_ =	shalt  }
0x59: {  	_ =	shalt  }
0x5a: {  	_ =	shalt  }
0x5b: {  	_ =	shalt  }
0x5c: {  	_ =	shalt  }
0x5d: {  	_ =	shalt  }
0x5e: {  	_ =	shalt  }
0x5f: {  	_ =	shalt  }
0x60: {  	_ =	shalt  }
0x61: {  	_ =	shalt  }
0x62: {  	_ =	shalt  }
0x63: {  	_ =	shalt  }
0x64: {  	_ =	shalt  }
0x65: {  	_ =	shalt  }
0x66: {  	_ =	shalt  }
0x67: {  	_ =	shalt  }
0x68: {  	_ =	shalt  }
0x69: {  	_ =	shalt  }
0x6a: {  	_ =	shalt  }
0x6b: {  	_ =	shalt  }
0x6c: {  	_ =	shalt  }
0x6d: {  	_ =	shalt  }
0x6e: {  	_ =	shalt  }
0x6f: {  	_ =	shalt  }
0x70: {  	_ =	shalt  }
0x71: {  	_ =	shalt  }
0x72: {  	_ =	shalt  }
0x73: {  	_ =	shalt  }
0x74: {  	_ =	shalt  }
0x75: {  	_ =	shalt  }
0x76: {  	_ =	shalt  }
0x77: {  	_ =	shalt  }
0x78: {  	_ =	shalt  }
0x79: {  	_ =	shalt  }
0x7a: {  	_ =	shalt  }
0x7b: {  	_ =	shalt  }
0x7c: {  	_ =	shalt  }
0x7d: {  	_ =	shalt  }
0x7e: {  	_ =	shalt  }
0x7f: {  	_ =	shalt  }
0x80: {  	_ =	shalt  }
0x81: {  	_ =	shalt  }
0x82: {  	_ =	shalt  }
0x83: {  	_ =	shalt  }
0x84: {  	_ =	shalt  }
0x85: {  	_ =	shalt  }
0x86: {  	_ =	shalt  }
0x87: {  	_ =	shalt  }
.Lfunc_end0:
.L_simem_size_0:
called_computation.1_lowered:
.L_overlay_start_0:
0x88: {  	s2 =	sld [smem:$0x3FD9]  }
0x89: {  	s3 =	sld [smem:$0x3FFE];
	_ =	sdelay $0x1  }
0x8a: {  	s1 =	srdreg.scid  }
0x8b: {  	s0 =	sand.u32 $0x1, s1  }
0x8c: {  	s16 =	sshll.u32 s0, $0xA;
	s2 =	sadd.s32 s3, s2  }
0x8d: {  	s2 =	sadd.s32 s2, s16  }
0x8e: {  	[smem:$0x3FBD] =	sst s2  }
0x8f: {  	_ = 	snop  }
0x90: {  	(tm) =	ssettm $0x1  }
0x91: {  	s17 =	sld [smem:$0x3FFB];
	_ =	sdelay $0x3  }
0x92: {  	_ =	strace s17  }
0x93: {  	s2 =	sld [smem:$0x3FFC];
	_ =	sdelay $0x3  }
0x94: {  	_ =	strace s2  }
0x95: {  	s2 =	sld [smem:$0x3FFD];
	_ =	sdelay $0x3  }
0x96: {  	_ =	strace s2  }
0x97: {  	_ =	strace $0x8FFFFFFF  }
0x98: {  	s18 =	sld [smem:$0x3FDB];
	_ =	sdelay $0x1  }
0x99: {  	s19 =	simm.s32 $_scs_section_size  }
0x9a: {  	s4 =	simm.s32 $_size__tile_overlayer_lowered;
	s5 =	simm.s32 $_tile_overlayer_lowered  }
0x9b: {  	s22 =	simm.s32 $0x1BFF;
	s21 =	sshll.u32 s5, $0x1;
	s2 =	sadd.s32 s19, s18  }
0x9c: {  	s6 =	simm.s32 $0x0;
	s20 =	sshll.u32 s4, $0x1;
	s4 =	sadd.s32 s21, s2  }
0x9d: {  	[timem:s6], [sflag:s22] =	dma.local [hbm:s4], s20  }
0x9e: {  	_ =	swait.ge [sflag:s22], s20  }
0x9f: {  	s3 =	ssub.s32 $0x0, s20;
	[sflag:s22] =	ssyncset.done $0x0  }
0xa0: {  	[sflag:s22] =	ssyncadd.s32 s3;
	_ =	sdelay $0x1  }
0xa1: {  	s23 =	simm.s32 $0x1B8B  }
0xa2: {  	_ =	swait.ge [sflag:s23], $0x1  }
0xa3: {  	[sflag:s23] =	ssyncset.done $0x0  }
0xa4: {  	s25 =	simm.s32 $0x1B8E;
	s24 =	sld [smem:$0x3FFE];
	[sflag:s23] =	ssyncadd.s32 $0xFFFFFFFF  }
0xa5: {  	s26 =	simm.s32 $execute0_lowered;
	[smem:$0x3FD2] =	sst s25  }
0xa6: {  	s4 =	sshll.u32 s26, $0x1;
	_ =	strace $0x80000049;
	[dreg:$0x1] =	wrdreg $0xFFFFFFFF  }
0xa7: {  	s28 =	simm.s32 $_size_execute0_lowered;
	s2 =	sadd.s32 s2, s4;
	[dreg:$0x0] =	wrdreg $0x0  }
0xa8: {  	s4 =	sshll.u32 s28, $0x1;
	[dreg:$0x2] =	wrdreg s2  }
0xa9: {  	[dreg:$0x3] =	wrdreg s4  }
0xaa: {  	[dreg:$0x4] =	wrdreg $0xC0  }
0xab: {  	_ =	task [dreg:s6], $0x5FFFF  }
0xac: {  	[dreg:$0x1] =	wrdreg $0xFFFFFFFF  }
0xad: {  	[dreg:$0x0] =	wrdreg $0x60  }
0xae: {  	[dreg:$0x2] =	wrdreg s24  }
0xaf: {  	[dreg:$0x3] =	wrdreg $0x0  }
0xb0: {  	[dreg:$0x4] =	wrdreg $0x9  }
0xb1: {  	_ =	task.clear_ibuf [dreg:s6], $0x5FFFF;
	_ =	strace $0x90000049  }
0xb2: {  	s29 =	simm.s32 $0x9;
	_ =	strace $0x8000004B  }
0xb3: {  	_ =	swait.ge [sflag:s29], $0x1  }
0xb4: {  	[sflag:s29] =	ssyncadd.s32 $0xFFFFFFFF  }
0xb5: {  	_ =	strace $0x9000004B  }
0xb6: {  	_ =	sfence  }
0xb7: {  	s30 =	sld [smem:$0x0];
	_ =	sdelay $0x2  }
0xb8: {  	s31 =	sshll.u32 s1, $0xD;
	s1 =	sshrl.u32 s1, $0x2  }
0xb9: {  	s3 =	sand.u32 $0x4000, s31;
	s1 =	sadd.s32 s1, s30  }
0xba: {  	s0 =	sor.u32 s3, s0;
	s1 =	sshll.u32 s1, $0x11  }
0xbb: {  	s0 =	sor.u32 s1, s0  }
0xbc: {  	s0 =	sadd.s32 $0x8F2B, s0  }
0xbd: {  	[sflag:s0] =	ssyncadd.remote.s32 $0x1  }
0xbe: {  	_ =	sfence.sel $0xFFFF  }
0xbf: {  	[dreg:$0x0] =	wrdreg $0xFFFFFFFF;
	(pc) =	sbr.abs _section_cstart, $3  }
0xc0: {  	[dreg:$0x1] =	wrdreg $0xFFFFFFFF  }
0xc1: {  	_ =	task.clear_ibuf [dreg:s6], $0x2FFFF;
	_ =	strace $0x9FFFFFFF  }
0xc2: {  	(tm) =	ssettm $0x7FFFFFFF  }
0xc3: {  	_ =	shalt  }
tec
execute0_lowered:
.L_overlay_start_1:
0x0: {  	(tag) =	ssettag $0x1  }
0x1: {  	s0 =	rddreg [dreg:$0x0]  }
0x2: {  	s1 =	rddreg [dreg:$0x1];
	v0 =	vlaneseq.u32;
	s3 =	simm.s32 $0x0;
	v1 =	vimm.f32 $0.0e+00  }
0x3: {  	s2 =	srdreg.scid;
	s7 =	stileid.u32;
	s16 =	simm.s32 $0x3;
	v18 =	vand.u32 $0x7, v0;
	v15 =	vmul.u32 $0x10, v0;
	v19 =	vadd.s32 $0x8, v0  }
0x4: {  	s17 =	simm.s32 $0x5000;
	s18 =	simm.s32 $0x80;
	s19 =	simm.s32 $0x27100;
	v21 =	vor.u32 $0x10, v0;
	v23 =	vadd.s32 $0x18, v0;
	v25 =	vor.u32 $0x20, v0  }
0x5: {  	s20 =	simm.s32 $0x5080;
	s21 =	simm.s32 $0x5880;
	s28 =	simm.s32 $0x7100;
	v27 =	vadd.s32 $0x28, v0;
	v29 =	vor.u32 $0x30, v0;
	v31 =	vadd.s32 $0x38, v0  }
0x6: {  	s29 =	simm.s32 $0x8;
	s30 =	simm.s32 $0x7108;
	s31 =	simm.s32 $0x7188;
	v33 =	vor.u32 $0x40, v0;
	v35 =	vadd.s32 $0x48, v0;
	v37 =	vor.u32 $0x50, v0  }
0x7: {  	[smem:$0x7FF] =	sst s3;
	s2 =	sand.u32 $0x1, s2;
	s22 =	smul.u32 $0x500, s7;
	v39 =	vadd.s32 $0x58, v0;
	v41 =	vor.u32 $0x60, v0;
	v43 =	vadd.s32 $0x68, v0  }
0x8: {  	s6 =	sshll.u32 s7, $0x1;
	s4 =	sadd.s32 $0xC600, s0;
	s7 =	smul.u32 $0xA000, s7;
	v45 =	vor.u32 $0x70, v0;
	v47 =	vadd.s32 $0x78, v0;
	v2 =	vor.u32 $0xFFFFFFF8, v18  }
0x9: {  	v3 =	vor.u32 $0x80, v18;
	v4 =	vor.u32 $0x100, v18;
	v5 =	vor.u32 $0x180, v18;
	s5 =	smul.u32 $0x5000, s2;
	s6 =	sor.u32 s2, s6;
	s2 =	ssub.s32 $0x2, s2  }
0xa: {  	v6 =	vor.u32 $0x200, v18;
	_ =	strace $0x8000004A;
	v7 =	vor.u32 $0x280, v18;
	v8 =	vor.u32 $0x300, v18;
	s23 =	sshrl.u32 s2, $0x1;
	s24 =	sshrl.u32 s7, $0x2  }
0xb: {  	v9 =	vor.u32 $0x380, v18;
	v10 =	vor.u32 $0x400, v18;
	v11 =	vor.u32 $0x480, v18;
	s3 =	sadd.s32 s22, s5;
	s5 =	smul.u32 $0x1388, s6;
	s6 =	sadd.s32 $0x7600, s0  }
0xc: {  	v12 =	vor.u32 $0x500, v18;
	v13 =	vor.u32 $0x580, v18;
	v14 =	vor.u32 $0x600, v18;
	s2 =	ssub.s32 s2, s23;
	s7 =	sadd.s32 s24, s1;
	s22 =	simm.s32 $0x6080  }
0xd: {  	v16 =	vor.u32 $0x680, v18;
	v17 =	vor.u32 $0x700, v18;
	v18 =	vor.u32 $0x780, v18;
	s23 =	simm.s32 $0x6100;
	s24 =	simm.s32 $0x6900;
	s0 =	sadd.s32 s3, s0  }
0xe: {  	v20 =	vor.u32 $0x1, v15;
	v22 =	vor.u32 $0x2, v15;
	v24 =	vor.u32 $0x3, v15;
	s14 =	smax.u32 s2, $0x1;
	s9 =	sshrl.u32 s5, $0x3;
	s8 =	sadd.s32 $0x80, s5  }
0xf: {  	v26 =	vor.u32 $0x4, v15;
	v28 =	vor.u32 $0x5, v15;
	v30 =	vor.u32 $0x6, v15;
	s13 =	sadd.s32 $0x5A800, s0;
	s0 =	simm.s32 $0x0;
	s25 =	sadd.s32 $0x260, s9  }
0x10: {  	v32 =	vor.u32 $0x7, v15;
	v34 =	vor.u32 $0x8, v15;
	v36 =	vor.u32 $0x9, v15;
	s26 =	sadd.s32 $0x270, s9;
	s10 =	sadd.s32 s6, s25;
	s3 =	sadd.s32 s4, s25  }
0x11: {  	v38 =	vor.u32 $0xA, v15;
	v40 =	vor.u32 $0xB, v15;
	v42 =	vor.u32 $0xC, v15;
	s11 =	sadd.s32 s6, s26;
	s12 =	sadd.s32 s4, s26;
	[dreg:$0x3] =	wrdreg s10  }
0x12: {  	v44 =	vor.u32 $0xD, v15;
	v46 =	vor.u32 $0xE, v15;
	v48 =	vor.u32 $0xF, v15;
	s25 =	simm.s32 $0x1;
	s26 =	simm.s32 $0x2;
	[dreg:$0x4] =	wrdreg s3  }
.LBB2_1:
0x13: {  	s2 =	simm.s32 $0x40;
	s3 =	simm.s32 $0x0  }
.LBB2_2:
0x14: {  	p0 =	sne.s32 s2, $0x9FC0;
	[tilespmem:s3+$0x2800] =	vst v1;
	s3 =	smov.u32 s2;
	s2 =	sadd.s32 $0x40, s2  }
.Ltmp0:
0x15: {  	(pc) =	sbr.rel @p0 .LBB2_2-.Ltmp0, $2  }
0x16: {  	_ =	sdelay $0x2  }
0x17: {  	s3 =	sshra.s32 s3, $0x2  }
0x18: {  	[tilespmem:s3+$0x2800] =	vst v1;
	s2 =	simm.s32 $0x2800  }
0x19: {  	[spmem:s7] =	stream.linear.scatter [tilespmem:s2], [sflag:$0x3], $0x2800, $0x38;
	[tilespmem:$0x7288] =	vst v63  }
0x1a: {  	_ =	swait.ge [sflag:s16], $0x2800  }
0x1b: {  	[sflag:s16] =	ssyncset.done $0x0  }
0x1c: {  	[sflag:s16] =	ssyncadd.s32 $0xFFFFD800  }
0x1d: {  	s3 =	simm.s32 $0x0;
	s15 =	simm.s32 $0x0;
	[bflag:$0x0] =	sbarrier.arrive $0xFFFF  }
.LBB2_4:
0x1e: {  	p0 =	seq.s32 s15, $0x0  }
0x1f: {  	s2 =	sshll.u32 s15, $0x8;
	s9 =	simm.s32 @!p0 $0x1  }
0x20: {  	s10 =	sadd.s32 s5, s2;
	_ =	swait.ge @!p0 [sflag:s9], $0x800  }
0x21: {  	s10 =	sshrl.u32 s10, $0x3;
	[sflag:s9] =	ssyncset.done @!p0 $0x0  }
0x22: {  	[sflag:s9] =	ssyncadd.s32 @!p0 $0xFFFFF800;
	s9 =	sadd.s32 s6, s10  }
0x23: {  	[tilespmem:s17], [sflag:$0x3] =	stream.linear.gather [hbm4b:s9+s3], $0x80, $0x38;
	[tilespmem:$0x7288] =	vst v63  }
0x24: {  	_ =	swait.ge [sflag:s16], $0x80  }
0x25: {  	v49 =	vor.u32 s3, v0;
	[sflag:s16] =	ssyncset.done $0x0  }
0x26: {  	v50 =	vand.u32 v2, v49;
	s10 =	sadd.s32 s4, s10;
	[sflag:s16] =	ssyncadd.s32 $0xFFFFFF80  }
0x27: {  	[tilespmem:s20], [sflag:$0x3] =	stream.strided.gather [hbm4b:s10+s18], $0x800, s19, s18, $0x38;
	[tilespmem:$0x7288] =	vst v63  }
0x28: {  	_ =	swait.ge [sflag:s16], $0x800  }
0x29: {  	[sflag:s16] =	ssyncset.done $0x0  }
0x2a: {  	[sflag:s16] =	ssyncadd.s32 $0xFFFFF800  }
0x2b: {  	v51 =	vand.u32 $0x78, v49;
	v49 =	vshll.u32 v49, $0x4;
	v50 =	vld.idx.msk [tilespmem:v50+s20+$0x0], $0xffff  }
0x2c: {  	v52 =	vor.u32 v3, v51;
	_ =	sdelay $0x3  }
0x2d: {  	[tilespmem:v49+s21+$0x0] =	vst.idx.msk $0xffff, v50  }
0x2e: {  	v62 =	vor.u32 $0x1, v49;
	v50 =	vld.idx.msk [tilespmem:v52+s20+$0x0], $0xffff  }
0x2f: {  	v53 =	vor.u32 v4, v51;
	_ =	sdelay $0x3  }
0x30: {  	[tilespmem:v62+s21+$0x0] =	vst.idx.msk $0xffff, v50  }
0x31: {  	v63 =	vor.u32 $0x2, v49;
	v50 =	vld.idx.msk [tilespmem:v53+s20+$0x0], $0xffff  }
0x32: {  	v56 =	vor.u32 v5, v51;
	_ =	sdelay $0x3  }
0x33: {  	[tilespmem:v63+s21+$0x0] =	vst.idx.msk $0xffff, v50  }
0x34: {  	v57 =	vor.u32 $0x3, v49;
	v50 =	vld.idx.msk [tilespmem:v56+s20+$0x0], $0xffff  }
0x35: {  	v58 =	vor.u32 v6, v51;
	_ =	sdelay $0x3  }
0x36: {  	[tilespmem:v57+s21+$0x0] =	vst.idx.msk $0xffff, v50  }
0x37: {  	v59 =	vor.u32 $0x4, v49;
	v50 =	vld.idx.msk [tilespmem:v58+s20+$0x0], $0xffff  }
0x38: {  	v60 =	vor.u32 v7, v51;
	_ =	sdelay $0x3  }
0x39: {  	[tilespmem:v59+s21+$0x0] =	vst.idx.msk $0xffff, v50  }
0x3a: {  	v61 =	vor.u32 $0x5, v49;
	v50 =	vld.idx.msk [tilespmem:v60+s20+$0x0], $0xffff  }
0x3b: {  	v62 =	vor.u32 v8, v51;
	_ =	sdelay $0x3  }
0x3c: {  	[tilespmem:v61+s21+$0x0] =	vst.idx.msk $0xffff, v50  }
0x3d: {  	v63 =	vor.u32 $0x6, v49;
	v50 =	vld.idx.msk [tilespmem:v62+s20+$0x0], $0xffff  }
0x3e: {  	v56 =	vor.u32 v9, v51;
	_ =	sdelay $0x3  }
0x3f: {  	[tilespmem:v63+s21+$0x0] =	vst.idx.msk $0xffff, v50  }
0x40: {  	v57 =	vor.u32 $0x7, v49;
	v50 =	vld.idx.msk [tilespmem:v56+s20+$0x0], $0xffff  }
0x41: {  	v58 =	vor.u32 v10, v51;
	_ =	sdelay $0x3  }
0x42: {  	[tilespmem:v57+s21+$0x0] =	vst.idx.msk $0xffff, v50  }
0x43: {  	v59 =	vor.u32 $0x8, v49;
	v50 =	vld.idx.msk [tilespmem:v58+s20+$0x0], $0xffff  }
0x44: {  	v60 =	vor.u32 v11, v51;
	_ =	sdelay $0x3  }
0x45: {  	[tilespmem:v59+s21+$0x0] =	vst.idx.msk $0xffff, v50  }
0x46: {  	v61 =	vor.u32 $0x9, v49;
	v50 =	vld.idx.msk [tilespmem:v60+s20+$0x0], $0xffff  }
0x47: {  	v62 =	vor.u32 v12, v51;
	_ =	sdelay $0x3  }
0x48: {  	[tilespmem:v61+s21+$0x0] =	vst.idx.msk $0xffff, v50  }
0x49: {  	v63 =	vor.u32 $0xA, v49;
	v50 =	vld.idx.msk [tilespmem:v62+s20+$0x0], $0xffff  }
0x4a: {  	v56 =	vor.u32 v13, v51;
	_ =	sdelay $0x3  }
0x4b: {  	[tilespmem:v63+s21+$0x0] =	vst.idx.msk $0xffff, v50  }
0x4c: {  	v57 =	vor.u32 $0xB, v49;
	v50 =	vld.idx.msk [tilespmem:v56+s20+$0x0], $0xffff  }
0x4d: {  	v58 =	vor.u32 v14, v51;
	_ =	sdelay $0x3  }
0x4e: {  	[tilespmem:v57+s21+$0x0] =	vst.idx.msk $0xffff, v50  }
0x4f: {  	v59 =	vor.u32 $0xC, v49;
	v50 =	vld.idx.msk [tilespmem:v58+s20+$0x0], $0xffff  }
0x50: {  	v60 =	vor.u32 v16, v51;
	_ =	sdelay $0x3  }
0x51: {  	[tilespmem:v59+s21+$0x0] =	vst.idx.msk $0xffff, v50  }
0x52: {  	v61 =	vor.u32 $0xD, v49;
	v50 =	vld.idx.msk [tilespmem:v60+s20+$0x0], $0xffff  }
0x53: {  	v62 =	vor.u32 v17, v51;
	_ =	sdelay $0x3  }
0x54: {  	[tilespmem:v61+s21+$0x0] =	vst.idx.msk $0xffff, v50  }
0x55: {  	v63 =	vor.u32 $0xE, v49;
	v50 =	vld.idx.msk [tilespmem:v62+s20+$0x0], $0xffff  }
0x56: {  	v51 =	vor.u32 v18, v51;
	_ =	sdelay $0x3  }
0x57: {  	s10 =	simm.s32 $0x10;
	[tilespmem:v63+s21+$0x0] =	vst.idx.msk $0xffff, v50  }
0x58: {  	s9 =	simm.s32 $0x20;
	v49 =	vor.u32 $0xF, v49;
	v50 =	vld.idx.msk [tilespmem:v51+s20+$0x0], $0xffff;
	v51 =	vor.u32 s10, v0  }
.LBB2_5:
0x59: {  	p1 =	sne.s32 s9, $0x70;
	v52 =	vand.u32 v2, v51;
	_ =	sdelay $0x3  }
0x5a: {  	[tilespmem:v49+s21+$0x0] =	vst.idx.msk $0xffff, v50  }
0x5b: {  	v52 =	vld.idx.msk [tilespmem:v52+s20+$0x0], $0xffff  }
0x5c: {  	v50 =	vand.u32 $0x78, v51;
	v49 =	vshll.u32 v51, $0x4  }
0x5d: {  	v51 =	vor.u32 v3, v50;
	_ =	sdelay $0x3  }
0x5e: {  	[tilespmem:v49+s21+$0x0] =	vst.idx.msk $0xffff, v52  }
0x5f: {  	v51 =	vld.idx.msk [tilespmem:v51+s20+$0x0], $0xffff  }
0x60: {  	v52 =	vor.u32 $0x1, v49  }
0x61: {  	v53 =	vor.u32 v4, v50;
	_ =	sdelay $0x3  }
0x62: {  	[tilespmem:v52+s21+$0x0] =	vst.idx.msk $0xffff, v51  }
0x63: {  	v51 =	vld.idx.msk [tilespmem:v53+s20+$0x0], $0xffff  }
0x64: {  	v52 =	vor.u32 $0x2, v49  }
0x65: {  	v53 =	vor.u32 v5, v50;
	_ =	sdelay $0x3  }
0x66: {  	[tilespmem:v52+s21+$0x0] =	vst.idx.msk $0xffff, v51  }
0x67: {  	v51 =	vld.idx.msk [tilespmem:v53+s20+$0x0], $0xffff  }
0x68: {  	v52 =	vor.u32 $0x3, v49  }
0x69: {  	v53 =	vor.u32 v6, v50;
	_ =	sdelay $0x3  }
0x6a: {  	[tilespmem:v52+s21+$0x0] =	vst.idx.msk $0xffff, v51  }
0x6b: {  	v51 =	vld.idx.msk [tilespmem:v53+s20+$0x0], $0xffff  }
0x6c: {  	v52 =	vor.u32 $0x4, v49  }
0x6d: {  	v53 =	vor.u32 v7, v50;
	_ =	sdelay $0x3  }
0x6e: {  	[tilespmem:v52+s21+$0x0] =	vst.idx.msk $0xffff, v51  }
0x6f: {  	v51 =	vld.idx.msk [tilespmem:v53+s20+$0x0], $0xffff  }
0x70: {  	v52 =	vor.u32 $0x5, v49  }
0x71: {  	v53 =	vor.u32 v8, v50;
	_ =	sdelay $0x3  }
0x72: {  	[tilespmem:v52+s21+$0x0] =	vst.idx.msk $0xffff, v51  }
0x73: {  	v51 =	vld.idx.msk [tilespmem:v53+s20+$0x0], $0xffff  }
0x74: {  	v52 =	vor.u32 $0x6, v49  }
0x75: {  	v53 =	vor.u32 v9, v50;
	_ =	sdelay $0x3  }
0x76: {  	[tilespmem:v52+s21+$0x0] =	vst.idx.msk $0xffff, v51  }
0x77: {  	v51 =	vld.idx.msk [tilespmem:v53+s20+$0x0], $0xffff  }
0x78: {  	v52 =	vor.u32 $0x7, v49  }
0x79: {  	v53 =	vor.u32 v10, v50;
	_ =	sdelay $0x3  }
0x7a: {  	[tilespmem:v52+s21+$0x0] =	vst.idx.msk $0xffff, v51  }
0x7b: {  	v51 =	vld.idx.msk [tilespmem:v53+s20+$0x0], $0xffff  }
0x7c: {  	v52 =	vor.u32 $0x8, v49  }
0x7d: {  	v53 =	vor.u32 v11, v50;
	_ =	sdelay $0x3  }
0x7e: {  	[tilespmem:v52+s21+$0x0] =	vst.idx.msk $0xffff, v51  }
0x7f: {  	v51 =	vld.idx.msk [tilespmem:v53+s20+$0x0], $0xffff  }
0x80: {  	v52 =	vor.u32 $0x9, v49  }
0x81: {  	v53 =	vor.u32 v12, v50;
	_ =	sdelay $0x3  }
0x82: {  	[tilespmem:v52+s21+$0x0] =	vst.idx.msk $0xffff, v51  }
0x83: {  	v51 =	vld.idx.msk [tilespmem:v53+s20+$0x0], $0xffff  }
0x84: {  	v52 =	vor.u32 $0xA, v49  }
0x85: {  	v53 =	vor.u32 v13, v50;
	_ =	sdelay $0x3  }
0x86: {  	[tilespmem:v52+s21+$0x0] =	vst.idx.msk $0xffff, v51  }
0x87: {  	v51 =	vld.idx.msk [tilespmem:v53+s20+$0x0], $0xffff  }
0x88: {  	v52 =	vor.u32 $0xB, v49  }
0x89: {  	v53 =	vor.u32 v14, v50;
	_ =	sdelay $0x3  }
0x8a: {  	[tilespmem:v52+s21+$0x0] =	vst.idx.msk $0xffff, v51  }
0x8b: {  	v51 =	vld.idx.msk [tilespmem:v53+s20+$0x0], $0xffff  }
0x8c: {  	v52 =	vor.u32 $0xC, v49  }
0x8d: {  	v53 =	vor.u32 v16, v50;
	_ =	sdelay $0x3  }
0x8e: {  	[tilespmem:v52+s21+$0x0] =	vst.idx.msk $0xffff, v51  }
0x8f: {  	v51 =	vld.idx.msk [tilespmem:v53+s20+$0x0], $0xffff  }
0x90: {  	v52 =	vor.u32 $0xD, v49  }
0x91: {  	v53 =	vor.u32 v17, v50;
	_ =	sdelay $0x3  }
0x92: {  	[tilespmem:v52+s21+$0x0] =	vst.idx.msk $0xffff, v51  }
0x93: {  	v51 =	vld.idx.msk [tilespmem:v53+s20+$0x0], $0xffff  }
0x94: {  	v52 =	vor.u32 $0xE, v49  }
0x95: {  	v50 =	vor.u32 v18, v50;
	_ =	sdelay $0x1  }
.Ltmp1:
0x96: {  	(pc) =	sbr.rel @p1 .LBB2_5-.Ltmp1, $4  }
0x97: {  	_ = 	snop  }
0x98: {  	[tilespmem:v52+s21+$0x0] =	vst.idx.msk $0xffff, v51  }
0x99: {  	v50 =	vld.idx.msk [tilespmem:v50+s20+$0x0], $0xffff  }
0x9a: {  	v49 =	vor.u32 $0xF, v49;
	v51 =	vor.u32 s9, v0;
	s9 =	sadd.s32 $0x10, s9  }
0x9b: {  	v52 =	vand.u32 v2, v51;
	_ =	sdelay $0x3  }
0x9c: {  	[tilespmem:v49+s21+$0x0] =	vst.idx.msk $0xffff, v50  }
0x9d: {  	v50 =	vand.u32 $0x78, v51;
	v51 =	vshll.u32 v51, $0x4;
	v49 =	vld.idx.msk [tilespmem:v52+s20+$0x0], $0xffff  }
0x9e: {  	v62 =	vor.u32 v3, v50;
	_ =	sdelay $0x3  }
0x9f: {  	[tilespmem:v51+s21+$0x0] =	vst.idx.msk $0xffff, v49  }
0xa0: {  	v63 =	vor.u32 $0x1, v51;
	v49 =	vld.idx.msk [tilespmem:v62+s20+$0x0], $0xffff  }
0xa1: {  	v53 =	vor.u32 v4, v50;
	_ =	sdelay $0x3  }
0xa2: {  	[tilespmem:v63+s21+$0x0] =	vst.idx.msk $0xffff, v49  }
0xa3: {  	v56 =	vor.u32 $0x2, v51;
	v49 =	vld.idx.msk [tilespmem:v53+s20+$0x0], $0xffff  }
0xa4: {  	v57 =	vor.u32 v5, v50;
	_ =	sdelay $0x3  }
0xa5: {  	[tilespmem:v56+s21+$0x0] =	vst.idx.msk $0xffff, v49  }
0xa6: {  	v58 =	vor.u32 $0x3, v51;
	v49 =	vld.idx.msk [tilespmem:v57+s20+$0x0], $0xffff  }
0xa7: {  	v59 =	vor.u32 v6, v50;
	_ =	sdelay $0x3  }
0xa8: {  	[tilespmem:v58+s21+$0x0] =	vst.idx.msk $0xffff, v49  }
0xa9: {  	v60 =	vor.u32 $0x4, v51;
	v49 =	vld.idx.msk [tilespmem:v59+s20+$0x0], $0xffff  }
0xaa: {  	v61 =	vor.u32 v7, v50;
	_ =	sdelay $0x3  }
0xab: {  	[tilespmem:v60+s21+$0x0] =	vst.idx.msk $0xffff, v49  }
0xac: {  	v62 =	vor.u32 $0x5, v51;
	v49 =	vld.idx.msk [tilespmem:v61+s20+$0x0], $0xffff  }
0xad: {  	v63 =	vor.u32 v8, v50;
	_ =	sdelay $0x3  }
0xae: {  	[tilespmem:v62+s21+$0x0] =	vst.idx.msk $0xffff, v49  }
0xaf: {  	v56 =	vor.u32 $0x6, v51;
	v49 =	vld.idx.msk [tilespmem:v63+s20+$0x0], $0xffff  }
0xb0: {  	v57 =	vor.u32 v9, v50;
	_ =	sdelay $0x3  }
0xb1: {  	[tilespmem:v56+s21+$0x0] =	vst.idx.msk $0xffff, v49  }
0xb2: {  	v58 =	vor.u32 $0x7, v51;
	v49 =	vld.idx.msk [tilespmem:v57+s20+$0x0], $0xffff  }
0xb3: {  	v59 =	vor.u32 v10, v50;
	_ =	sdelay $0x3  }
0xb4: {  	[tilespmem:v58+s21+$0x0] =	vst.idx.msk $0xffff, v49  }
0xb5: {  	v60 =	vor.u32 $0x8, v51;
	v49 =	vld.idx.msk [tilespmem:v59+s20+$0x0], $0xffff  }
0xb6: {  	v61 =	vor.u32 v11, v50;
	_ =	sdelay $0x3  }
0xb7: {  	[tilespmem:v60+s21+$0x0] =	vst.idx.msk $0xffff, v49  }
0xb8: {  	v62 =	vor.u32 $0x9, v51;
	v49 =	vld.idx.msk [tilespmem:v61+s20+$0x0], $0xffff  }
0xb9: {  	v63 =	vor.u32 v12, v50;
	_ =	sdelay $0x3  }
0xba: {  	[tilespmem:v62+s21+$0x0] =	vst.idx.msk $0xffff, v49  }
0xbb: {  	v56 =	vor.u32 $0xA, v51;
	v49 =	vld.idx.msk [tilespmem:v63+s20+$0x0], $0xffff  }
0xbc: {  	v57 =	vor.u32 v13, v50;
	_ =	sdelay $0x3  }
0xbd: {  	[tilespmem:v56+s21+$0x0] =	vst.idx.msk $0xffff, v49  }
0xbe: {  	v58 =	vor.u32 $0xB, v51;
	v49 =	vld.idx.msk [tilespmem:v57+s20+$0x0], $0xffff  }
0xbf: {  	v59 =	vor.u32 v14, v50;
	_ =	sdelay $0x3  }
0xc0: {  	[tilespmem:v58+s21+$0x0] =	vst.idx.msk $0xffff, v49  }
0xc1: {  	v60 =	vor.u32 $0xC, v51;
	v49 =	vld.idx.msk [tilespmem:v59+s20+$0x0], $0xffff  }
0xc2: {  	v61 =	vor.u32 v16, v50;
	_ =	sdelay $0x3  }
0xc3: {  	[tilespmem:v60+s21+$0x0] =	vst.idx.msk $0xffff, v49  }
0xc4: {  	v62 =	vor.u32 $0xD, v51;
	v49 =	vld.idx.msk [tilespmem:v61+s20+$0x0], $0xffff  }
0xc5: {  	v63 =	vor.u32 v17, v50;
	_ =	sdelay $0x3  }
0xc6: {  	[tilespmem:v62+s21+$0x0] =	vst.idx.msk $0xffff, v49  }
0xc7: {  	v56 =	vor.u32 $0xE, v51;
	v49 =	vld.idx.msk [tilespmem:v63+s20+$0x0], $0xffff  }
0xc8: {  	v50 =	vor.u32 v18, v50;
	_ =	sdelay $0x3  }
0xc9: {  	[tilespmem:v56+s21+$0x0] =	vst.idx.msk $0xffff, v49  }
0xca: {  	v57 =	vor.u32 $0xF, v51;
	v49 =	vld.idx.msk [tilespmem:v50+s20+$0x0], $0xffff;
	_ =	sdelay $0x4  }
0xcb: {  	s9 =	simm.s32 @!p0 $0x2;
	[tilespmem:v57+s21+$0x0] =	vst.idx.msk $0xffff, v49  }
0xcc: {  	[spmem:s1] =	stream.indirect.scatter.add.f32 [tilespmem:s21], [sflag:$0x1], $0x10, s17, s18, $0xb8;
	[tilespmem:$0x7288] =	vst v63  }
0xcd: {  	s2 =	sadd.s32 s2, s8;
	_ =	swait.ge @!p0 [sflag:s9], $0x800  }
0xce: {  	s2 =	sshrl.u32 s2, $0x3;
	[sflag:s9] =	ssyncset.done @!p0 $0x0  }
0xcf: {  	s10 =	simm.s32 $0x0;
	[sflag:s9] =	ssyncadd.s32 @!p0 $0xFFFFF800;
	s9 =	sadd.s32 s6, s2  }
0xd0: {  	[tilespmem:s22], [sflag:$0x3] =	stream.linear.gather [hbm4b:s9+s10], $0x80, $0x38;
	[tilespmem:$0x7288] =	vst v63  }
0xd1: {  	_ =	swait.ge [sflag:s16], $0x80  }
0xd2: {  	v58 =	vor.u32 s10, v0;
	[sflag:s16] =	ssyncset.done $0x0  }
0xd3: {  	v59 =	vand.u32 v2, v58;
	s2 =	sadd.s32 s4, s2;
	[sflag:s16] =	ssyncadd.s32 $0xFFFFFF80  }
0xd4: {  	[tilespmem:s23], [sflag:$0x3] =	stream.strided.gather [hbm4b:s2+s18], $0x800, s19, s18, $0x38;
	[tilespmem:$0x7288] =	vst v63  }
0xd5: {  	_ =	swait.ge [sflag:s16], $0x800  }
0xd6: {  	[sflag:s16] =	ssyncset.done $0x0  }
0xd7: {  	[sflag:s16] =	ssyncadd.s32 $0xFFFFF800  }
0xd8: {  	v51 =	vand.u32 $0x78, v58;
	v49 =	vshll.u32 v58, $0x4;
	v50 =	vld.idx.msk [tilespmem:v59+s23+$0x0], $0xffff  }
0xd9: {  	v60 =	vor.u32 v3, v51;
	_ =	sdelay $0x3  }
0xda: {  	[tilespmem:v49+s24+$0x0] =	vst.idx.msk $0xffff, v50  }
0xdb: {  	v61 =	vor.u32 $0x1, v49;
	v50 =	vld.idx.msk [tilespmem:v60+s23+$0x0], $0xffff  }
0xdc: {  	v62 =	vor.u32 v4, v51;
	_ =	sdelay $0x3  }
0xdd: {  	[tilespmem:v61+s24+$0x0] =	vst.idx.msk $0xffff, v50  }
0xde: {  	v63 =	vor.u32 $0x2, v49;
	v50 =	vld.idx.msk [tilespmem:v62+s23+$0x0], $0xffff  }
0xdf: {  	v56 =	vor.u32 v5, v51;
	_ =	sdelay $0x3  }
0xe0: {  	[tilespmem:v63+s24+$0x0] =	vst.idx.msk $0xffff, v50  }
0xe1: {  	v57 =	vor.u32 $0x3, v49;
	v50 =	vld.idx.msk [tilespmem:v56+s23+$0x0], $0xffff  }
0xe2: {  	v58 =	vor.u32 v6, v51;
	_ =	sdelay $0x3  }
0xe3: {  	[tilespmem:v57+s24+$0x0] =	vst.idx.msk $0xffff, v50  }
0xe4: {  	v59 =	vor.u32 $0x4, v49;
	v50 =	vld.idx.msk [tilespmem:v58+s23+$0x0], $0xffff  }
0xe5: {  	v60 =	vor.u32 v7, v51;
	_ =	sdelay $0x3  }
0xe6: {  	[tilespmem:v59+s24+$0x0] =	vst.idx.msk $0xffff, v50  }
0xe7: {  	v61 =	vor.u32 $0x5, v49;
	v50 =	vld.idx.msk [tilespmem:v60+s23+$0x0], $0xffff  }
0xe8: {  	v62 =	vor.u32 v8, v51;
	_ =	sdelay $0x3  }
0xe9: {  	[tilespmem:v61+s24+$0x0] =	vst.idx.msk $0xffff, v50  }
0xea: {  	v63 =	vor.u32 $0x6, v49;
	v50 =	vld.idx.msk [tilespmem:v62+s23+$0x0], $0xffff  }
0xeb: {  	v56 =	vor.u32 v9, v51;
	_ =	sdelay $0x3  }
0xec: {  	[tilespmem:v63+s24+$0x0] =	vst.idx.msk $0xffff, v50  }
0xed: {  	v57 =	vor.u32 $0x7, v49;
	v50 =	vld.idx.msk [tilespmem:v56+s23+$0x0], $0xffff  }
0xee: {  	v58 =	vor.u32 v10, v51;
	_ =	sdelay $0x3  }
0xef: {  	[tilespmem:v57+s24+$0x0] =	vst.idx.msk $0xffff, v50  }
0xf0: {  	v59 =	vor.u32 $0x8, v49;
	v50 =	vld.idx.msk [tilespmem:v58+s23+$0x0], $0xffff  }
0xf1: {  	v60 =	vor.u32 v11, v51;
	_ =	sdelay $0x3  }
0xf2: {  	[tilespmem:v59+s24+$0x0] =	vst.idx.msk $0xffff, v50  }
0xf3: {  	v61 =	vor.u32 $0x9, v49;
	v50 =	vld.idx.msk [tilespmem:v60+s23+$0x0], $0xffff  }
0xf4: {  	v62 =	vor.u32 v12, v51;
	_ =	sdelay $0x3  }
0xf5: {  	[tilespmem:v61+s24+$0x0] =	vst.idx.msk $0xffff, v50  }
0xf6: {  	v63 =	vor.u32 $0xA, v49;
	v50 =	vld.idx.msk [tilespmem:v62+s23+$0x0], $0xffff  }
0xf7: {  	v56 =	vor.u32 v13, v51;
	_ =	sdelay $0x3  }
0xf8: {  	[tilespmem:v63+s24+$0x0] =	vst.idx.msk $0xffff, v50  }
0xf9: {  	v57 =	vor.u32 $0xB, v49;
	v50 =	vld.idx.msk [tilespmem:v56+s23+$0x0], $0xffff  }
0xfa: {  	v58 =	vor.u32 v14, v51;
	_ =	sdelay $0x3  }
0xfb: {  	[tilespmem:v57+s24+$0x0] =	vst.idx.msk $0xffff, v50  }
0xfc: {  	v59 =	vor.u32 $0xC, v49;
	v50 =	vld.idx.msk [tilespmem:v58+s23+$0x0], $0xffff  }
0xfd: {  	v60 =	vor.u32 v16, v51;
	_ =	sdelay $0x3  }
0xfe: {  	[tilespmem:v59+s24+$0x0] =	vst.idx.msk $0xffff, v50  }
0xff: {  	v61 =	vor.u32 $0xD, v49;
	v50 =	vld.idx.msk [tilespmem:v60+s23+$0x0], $0xffff  }
0x100: {  	v62 =	vor.u32 v17, v51;
	_ =	sdelay $0x3  }
0x101: {  	[tilespmem:v61+s24+$0x0] =	vst.idx.msk $0xffff, v50  }
0x102: {  	v63 =	vor.u32 $0xE, v49;
	v50 =	vld.idx.msk [tilespmem:v62+s23+$0x0], $0xffff  }
0x103: {  	v51 =	vor.u32 v18, v51;
	_ =	sdelay $0x3  }
0x104: {  	s10 =	simm.s32 $0x10;
	[tilespmem:v63+s24+$0x0] =	vst.idx.msk $0xffff, v50  }
0x105: {  	s2 =	simm.s32 $0x20;
	v49 =	vor.u32 $0xF, v49;
	v50 =	vld.idx.msk [tilespmem:v51+s23+$0x0], $0xffff;
	v51 =	vor.u32 s10, v0  }
.LBB2_7:
0x106: {  	p0 =	sne.s32 s2, $0x70;
	v52 =	vand.u32 v2, v51;
	_ =	sdelay $0x3  }
0x107: {  	[tilespmem:v49+s24+$0x0] =	vst.idx.msk $0xffff, v50  }
0x108: {  	v52 =	vld.idx.msk [tilespmem:v52+s23+$0x0], $0xffff  }
0x109: {  	v50 =	vand.u32 $0x78, v51;
	v49 =	vshll.u32 v51, $0x4  }
0x10a: {  	v51 =	vor.u32 v3, v50;
	_ =	sdelay $0x3  }
0x10b: {  	[tilespmem:v49+s24+$0x0] =	vst.idx.msk $0xffff, v52  }
0x10c: {  	v51 =	vld.idx.msk [tilespmem:v51+s23+$0x0], $0xffff  }
0x10d: {  	v52 =	vor.u32 $0x1, v49  }
0x10e: {  	v53 =	vor.u32 v4, v50;
	_ =	sdelay $0x3  }
0x10f: {  	[tilespmem:v52+s24+$0x0] =	vst.idx.msk $0xffff, v51  }
0x110: {  	v51 =	vld.idx.msk [tilespmem:v53+s23+$0x0], $0xffff  }
0x111: {  	v52 =	vor.u32 $0x2, v49  }
0x112: {  	v53 =	vor.u32 v5, v50;
	_ =	sdelay $0x3  }
0x113: {  	[tilespmem:v52+s24+$0x0] =	vst.idx.msk $0xffff, v51  }
0x114: {  	v51 =	vld.idx.msk [tilespmem:v53+s23+$0x0], $0xffff  }
0x115: {  	v52 =	vor.u32 $0x3, v49  }
0x116: {  	v53 =	vor.u32 v6, v50;
	_ =	sdelay $0x3  }
0x117: {  	[tilespmem:v52+s24+$0x0] =	vst.idx.msk $0xffff, v51  }
0x118: {  	v51 =	vld.idx.msk [tilespmem:v53+s23+$0x0], $0xffff  }
0x119: {  	v52 =	vor.u32 $0x4, v49  }
0x11a: {  	v53 =	vor.u32 v7, v50;
	_ =	sdelay $0x3  }
0x11b: {  	[tilespmem:v52+s24+$0x0] =	vst.idx.msk $0xffff, v51  }
0x11c: {  	v51 =	vld.idx.msk [tilespmem:v53+s23+$0x0], $0xffff  }
0x11d: {  	v52 =	vor.u32 $0x5, v49  }
0x11e: {  	v53 =	vor.u32 v8, v50;
	_ =	sdelay $0x3  }
0x11f: {  	[tilespmem:v52+s24+$0x0] =	vst.idx.msk $0xffff, v51  }
0x120: {  	v51 =	vld.idx.msk [tilespmem:v53+s23+$0x0], $0xffff  }
0x121: {  	v52 =	vor.u32 $0x6, v49  }
0x122: {  	v53 =	vor.u32 v9, v50;
	_ =	sdelay $0x3  }
0x123: {  	[tilespmem:v52+s24+$0x0] =	vst.idx.msk $0xffff, v51  }
0x124: {  	v51 =	vld.idx.msk [tilespmem:v53+s23+$0x0], $0xffff  }
0x125: {  	v52 =	vor.u32 $0x7, v49  }
0x126: {  	v53 =	vor.u32 v10, v50;
	_ =	sdelay $0x3  }
0x127: {  	[tilespmem:v52+s24+$0x0] =	vst.idx.msk $0xffff, v51  }
0x128: {  	v51 =	vld.idx.msk [tilespmem:v53+s23+$0x0], $0xffff  }
0x129: {  	v52 =	vor.u32 $0x8, v49  }
0x12a: {  	v53 =	vor.u32 v11, v50;
	_ =	sdelay $0x3  }
0x12b: {  	[tilespmem:v52+s24+$0x0] =	vst.idx.msk $0xffff, v51  }
0x12c: {  	v51 =	vld.idx.msk [tilespmem:v53+s23+$0x0], $0xffff  }
0x12d: {  	v52 =	vor.u32 $0x9, v49  }
0x12e: {  	v53 =	vor.u32 v12, v50;
	_ =	sdelay $0x3  }
0x12f: {  	[tilespmem:v52+s24+$0x0] =	vst.idx.msk $0xffff, v51  }
0x130: {  	v51 =	vld.idx.msk [tilespmem:v53+s23+$0x0], $0xffff  }
0x131: {  	v52 =	vor.u32 $0xA, v49  }
0x132: {  	v53 =	vor.u32 v13, v50;
	_ =	sdelay $0x3  }
0x133: {  	[tilespmem:v52+s24+$0x0] =	vst.idx.msk $0xffff, v51  }
0x134: {  	v51 =	vld.idx.msk [tilespmem:v53+s23+$0x0], $0xffff  }
0x135: {  	v52 =	vor.u32 $0xB, v49  }
0x136: {  	v53 =	vor.u32 v14, v50;
	_ =	sdelay $0x3  }
0x137: {  	[tilespmem:v52+s24+$0x0] =	vst.idx.msk $0xffff, v51  }
0x138: {  	v51 =	vld.idx.msk [tilespmem:v53+s23+$0x0], $0xffff  }
0x139: {  	v52 =	vor.u32 $0xC, v49  }
0x13a: {  	v53 =	vor.u32 v16, v50;
	_ =	sdelay $0x3  }
0x13b: {  	[tilespmem:v52+s24+$0x0] =	vst.idx.msk $0xffff, v51  }
0x13c: {  	v51 =	vld.idx.msk [tilespmem:v53+s23+$0x0], $0xffff  }
0x13d: {  	v52 =	vor.u32 $0xD, v49  }
0x13e: {  	v53 =	vor.u32 v17, v50;
	_ =	sdelay $0x3  }
0x13f: {  	[tilespmem:v52+s24+$0x0] =	vst.idx.msk $0xffff, v51  }
0x140: {  	v51 =	vld.idx.msk [tilespmem:v53+s23+$0x0], $0xffff  }
0x141: {  	v52 =	vor.u32 $0xE, v49  }
0x142: {  	v50 =	vor.u32 v18, v50;
	_ =	sdelay $0x1  }
.Ltmp2:
0x143: {  	(pc) =	sbr.rel @p0 .LBB2_7-.Ltmp2, $4  }
0x144: {  	_ = 	snop  }
0x145: {  	[tilespmem:v52+s24+$0x0] =	vst.idx.msk $0xffff, v51  }
0x146: {  	v50 =	vld.idx.msk [tilespmem:v50+s23+$0x0], $0xffff  }
0x147: {  	v49 =	vor.u32 $0xF, v49;
	v51 =	vor.u32 s2, v0;
	s2 =	sadd.s32 $0x10, s2  }
0x148: {  	v52 =	vand.u32 v2, v51;
	_ =	sdelay $0x3  }
0x149: {  	[tilespmem:v49+s24+$0x0] =	vst.idx.msk $0xffff, v50  }
0x14a: {  	v50 =	vand.u32 $0x78, v51;
	v51 =	vshll.u32 v51, $0x4;
	v49 =	vld.idx.msk [tilespmem:v52+s23+$0x0], $0xffff  }
0x14b: {  	v60 =	vor.u32 v3, v50;
	_ =	sdelay $0x3  }
0x14c: {  	[tilespmem:v51+s24+$0x0] =	vst.idx.msk $0xffff, v49  }
0x14d: {  	v61 =	vor.u32 $0x1, v51;
	v49 =	vld.idx.msk [tilespmem:v60+s23+$0x0], $0xffff  }
0x14e: {  	v53 =	vor.u32 v4, v50;
	_ =	sdelay $0x3  }
0x14f: {  	[tilespmem:v61+s24+$0x0] =	vst.idx.msk $0xffff, v49  }
0x150: {  	v62 =	vor.u32 $0x2, v51;
	v49 =	vld.idx.msk [tilespmem:v53+s23+$0x0], $0xffff  }
0x151: {  	v63 =	vor.u32 v5, v50;
	_ =	sdelay $0x3  }
0x152: {  	[tilespmem:v62+s24+$0x0] =	vst.idx.msk $0xffff, v49  }
0x153: {  	v56 =	vor.u32 $0x3, v51;
	v49 =	vld.idx.msk [tilespmem:v63+s23+$0x0], $0xffff  }
0x154: {  	v57 =	vor.u32 v6, v50;
	_ =	sdelay $0x3  }
0x155: {  	[tilespmem:v56+s24+$0x0] =	vst.idx.msk $0xffff, v49  }
0x156: {  	v58 =	vor.u32 $0x4, v51;
	v49 =	vld.idx.msk [tilespmem:v57+s23+$0x0], $0xffff  }
0x157: {  	v59 =	vor.u32 v7, v50;
	_ =	sdelay $0x3  }
0x158: {  	[tilespmem:v58+s24+$0x0] =	vst.idx.msk $0xffff, v49  }
0x159: {  	v60 =	vor.u32 $0x5, v51;
	v49 =	vld.idx.msk [tilespmem:v59+s23+$0x0], $0xffff  }
0x15a: {  	v61 =	vor.u32 v8, v50;
	_ =	sdelay $0x3  }
0x15b: {  	[tilespmem:v60+s24+$0x0] =	vst.idx.msk $0xffff, v49  }
0x15c: {  	v62 =	vor.u32 $0x6, v51;
	v49 =	vld.idx.msk [tilespmem:v61+s23+$0x0], $0xffff  }
0x15d: {  	v63 =	vor.u32 v9, v50;
	_ =	sdelay $0x3  }
0x15e: {  	[tilespmem:v62+s24+$0x0] =	vst.idx.msk $0xffff, v49  }
0x15f: {  	v56 =	vor.u32 $0x7, v51;
	v49 =	vld.idx.msk [tilespmem:v63+s23+$0x0], $0xffff  }
0x160: {  	v57 =	vor.u32 v10, v50;
	_ =	sdelay $0x3  }
0x161: {  	[tilespmem:v56+s24+$0x0] =	vst.idx.msk $0xffff, v49  }
0x162: {  	v58 =	vor.u32 $0x8, v51;
	v49 =	vld.idx.msk [tilespmem:v57+s23+$0x0], $0xffff  }
0x163: {  	v59 =	vor.u32 v11, v50;
	_ =	sdelay $0x3  }
0x164: {  	[tilespmem:v58+s24+$0x0] =	vst.idx.msk $0xffff, v49  }
0x165: {  	v60 =	vor.u32 $0x9, v51;
	v49 =	vld.idx.msk [tilespmem:v59+s23+$0x0], $0xffff  }
0x166: {  	v61 =	vor.u32 v12, v50;
	_ =	sdelay $0x3  }
0x167: {  	[tilespmem:v60+s24+$0x0] =	vst.idx.msk $0xffff, v49  }
0x168: {  	v62 =	vor.u32 $0xA, v51;
	v49 =	vld.idx.msk [tilespmem:v61+s23+$0x0], $0xffff  }
0x169: {  	v63 =	vor.u32 v13, v50;
	_ =	sdelay $0x3  }
0x16a: {  	[tilespmem:v62+s24+$0x0] =	vst.idx.msk $0xffff, v49  }
0x16b: {  	v56 =	vor.u32 $0xB, v51;
	v49 =	vld.idx.msk [tilespmem:v63+s23+$0x0], $0xffff  }
0x16c: {  	v57 =	vor.u32 v14, v50;
	_ =	sdelay $0x3  }
0x16d: {  	[tilespmem:v56+s24+$0x0] =	vst.idx.msk $0xffff, v49  }
0x16e: {  	v58 =	vor.u32 $0xC, v51;
	v49 =	vld.idx.msk [tilespmem:v57+s23+$0x0], $0xffff  }
0x16f: {  	v59 =	vor.u32 v16, v50;
	_ =	sdelay $0x3  }
0x170: {  	[tilespmem:v58+s24+$0x0] =	vst.idx.msk $0xffff, v49  }
0x171: {  	v60 =	vor.u32 $0xD, v51;
	v49 =	vld.idx.msk [tilespmem:v59+s23+$0x0], $0xffff  }
0x172: {  	v61 =	vor.u32 v17, v50;
	_ =	sdelay $0x3  }
0x173: {  	[tilespmem:v60+s24+$0x0] =	vst.idx.msk $0xffff, v49  }
0x174: {  	v62 =	vor.u32 $0xE, v51;
	v49 =	vld.idx.msk [tilespmem:v61+s23+$0x0], $0xffff  }
0x175: {  	v50 =	vor.u32 v18, v50;
	_ =	sdelay $0x3  }
0x176: {  	[tilespmem:v62+s24+$0x0] =	vst.idx.msk $0xffff, v49  }
0x177: {  	s15 =	sadd.s32 $0x1, s15;
	v63 =	vor.u32 $0xF, v51;
	v49 =	vld.idx.msk [tilespmem:v50+s23+$0x0], $0xffff  }
0x178: {  	p0 =	sne.s32 s15, $0x13  }
.Ltmp3:
0x179: {  	_ = 	snop;
	(pc) =	sbr.rel @p0 .LBB2_4-.Ltmp3, $3  }
0x17a: {  	_ =	sdelay $0x1  }
0x17b: {  	[tilespmem:v63+s24+$0x0] =	vst.idx.msk $0xffff, v49  }
0x17c: {  	[spmem:s1] =	stream.indirect.scatter.add.f32 [tilespmem:s24], [sflag:$0x2], $0x10, s22, s18, $0xb8;
	[tilespmem:$0x7288] =	vst v63  }
0x17d: {  	_ =	swait.ge [sflag:s25], $0x800  }
0x17e: {  	[sflag:s25] =	ssyncset.done $0x0  }
0x17f: {  	s2 =	simm.s32 $0x0;
	s3 =	rddreg [dreg:$0x3];
	[sflag:s25] =	ssyncadd.s32 $0xFFFFF800  }
0x180: {  	[tilespmem:s17], [sflag:$0x3] =	stream.linear.gather [hbm4b:s3+s2], $0x80, $0x38;
	[tilespmem:$0x7288] =	vst v63  }
0x181: {  	_ =	swait.ge [sflag:s16], $0x80  }
0x182: {  	v49 =	vor.u32 s2, v0;
	[sflag:s16] =	ssyncset.done $0x0  }
0x183: {  	v50 =	vand.u32 v2, v49;
	s10 =	rddreg [dreg:$0x4];
	[sflag:s16] =	ssyncadd.s32 $0xFFFFFF80  }
0x184: {  	[tilespmem:s20], [sflag:$0x3] =	stream.strided.gather [hbm4b:s10+s18], $0x800, s19, s18, $0x38;
	[tilespmem:$0x7288] =	vst v63  }
0x185: {  	_ =	swait.ge [sflag:s16], $0x800  }
0x186: {  	[sflag:s16] =	ssyncset.done $0x0  }
0x187: {  	[sflag:s16] =	ssyncadd.s32 $0xFFFFF800  }
0x188: {  	v51 =	vand.u32 $0x78, v49;
	v49 =	vshll.u32 v49, $0x4;
	v50 =	vld.idx.msk [tilespmem:v50+s20+$0x0], $0xffff  }
0x189: {  	v52 =	vor.u32 v3, v51;
	_ =	sdelay $0x3  }
0x18a: {  	[tilespmem:v49+s21+$0x0] =	vst.idx.msk $0xffff, v50  }
0x18b: {  	v62 =	vor.u32 $0x1, v49;
	v50 =	vld.idx.msk [tilespmem:v52+s20+$0x0], $0xffff  }
0x18c: {  	v53 =	vor.u32 v4, v51;
	_ =	sdelay $0x3  }
0x18d: {  	[tilespmem:v62+s21+$0x0] =	vst.idx.msk $0xffff, v50  }
0x18e: {  	v63 =	vor.u32 $0x2, v49;
	v50 =	vld.idx.msk [tilespmem:v53+s20+$0x0], $0xffff  }
0x18f: {  	v56 =	vor.u32 v5, v51;
	_ =	sdelay $0x3  }
0x190: {  	[tilespmem:v63+s21+$0x0] =	vst.idx.msk $0xffff, v50  }
0x191: {  	v57 =	vor.u32 $0x3, v49;
	v50 =	vld.idx.msk [tilespmem:v56+s20+$0x0], $0xffff  }
0x192: {  	v58 =	vor.u32 v6, v51;
	_ =	sdelay $0x3  }
0x193: {  	[tilespmem:v57+s21+$0x0] =	vst.idx.msk $0xffff, v50  }
0x194: {  	v59 =	vor.u32 $0x4, v49;
	v50 =	vld.idx.msk [tilespmem:v58+s20+$0x0], $0xffff  }
0x195: {  	v60 =	vor.u32 v7, v51;
	_ =	sdelay $0x3  }
0x196: {  	[tilespmem:v59+s21+$0x0] =	vst.idx.msk $0xffff, v50  }
0x197: {  	v61 =	vor.u32 $0x5, v49;
	v50 =	vld.idx.msk [tilespmem:v60+s20+$0x0], $0xffff  }
0x198: {  	v62 =	vor.u32 v8, v51;
	_ =	sdelay $0x3  }
0x199: {  	[tilespmem:v61+s21+$0x0] =	vst.idx.msk $0xffff, v50  }
0x19a: {  	v63 =	vor.u32 $0x6, v49;
	v50 =	vld.idx.msk [tilespmem:v62+s20+$0x0], $0xffff  }
0x19b: {  	v56 =	vor.u32 v9, v51;
	_ =	sdelay $0x3  }
0x19c: {  	[tilespmem:v63+s21+$0x0] =	vst.idx.msk $0xffff, v50  }
0x19d: {  	v57 =	vor.u32 $0x7, v49;
	v50 =	vld.idx.msk [tilespmem:v56+s20+$0x0], $0xffff  }
0x19e: {  	v58 =	vor.u32 v10, v51;
	_ =	sdelay $0x3  }
0x19f: {  	[tilespmem:v57+s21+$0x0] =	vst.idx.msk $0xffff, v50  }
0x1a0: {  	v59 =	vor.u32 $0x8, v49;
	v50 =	vld.idx.msk [tilespmem:v58+s20+$0x0], $0xffff  }
0x1a1: {  	v60 =	vor.u32 v11, v51;
	_ =	sdelay $0x3  }
0x1a2: {  	[tilespmem:v59+s21+$0x0] =	vst.idx.msk $0xffff, v50  }
0x1a3: {  	v61 =	vor.u32 $0x9, v49;
	v50 =	vld.idx.msk [tilespmem:v60+s20+$0x0], $0xffff  }
0x1a4: {  	v62 =	vor.u32 v12, v51;
	_ =	sdelay $0x3  }
0x1a5: {  	[tilespmem:v61+s21+$0x0] =	vst.idx.msk $0xffff, v50  }
0x1a6: {  	v63 =	vor.u32 $0xA, v49;
	v50 =	vld.idx.msk [tilespmem:v62+s20+$0x0], $0xffff  }
0x1a7: {  	v56 =	vor.u32 v13, v51;
	_ =	sdelay $0x3  }
0x1a8: {  	[tilespmem:v63+s21+$0x0] =	vst.idx.msk $0xffff, v50  }
0x1a9: {  	v57 =	vor.u32 $0xB, v49;
	v50 =	vld.idx.msk [tilespmem:v56+s20+$0x0], $0xffff  }
0x1aa: {  	v58 =	vor.u32 v14, v51;
	_ =	sdelay $0x3  }
0x1ab: {  	[tilespmem:v57+s21+$0x0] =	vst.idx.msk $0xffff, v50  }
0x1ac: {  	v59 =	vor.u32 $0xC, v49;
	v50 =	vld.idx.msk [tilespmem:v58+s20+$0x0], $0xffff  }
0x1ad: {  	v60 =	vor.u32 v16, v51;
	_ =	sdelay $0x3  }
0x1ae: {  	[tilespmem:v59+s21+$0x0] =	vst.idx.msk $0xffff, v50  }
0x1af: {  	v61 =	vor.u32 $0xD, v49;
	v50 =	vld.idx.msk [tilespmem:v60+s20+$0x0], $0xffff  }
0x1b0: {  	v62 =	vor.u32 v17, v51;
	_ =	sdelay $0x3  }
0x1b1: {  	[tilespmem:v61+s21+$0x0] =	vst.idx.msk $0xffff, v50  }
0x1b2: {  	v63 =	vor.u32 $0xE, v49;
	v50 =	vld.idx.msk [tilespmem:v62+s20+$0x0], $0xffff  }
0x1b3: {  	v51 =	vor.u32 v18, v51;
	_ =	sdelay $0x3  }
0x1b4: {  	s15 =	simm.s32 $0x10;
	[tilespmem:v63+s21+$0x0] =	vst.idx.msk $0xffff, v50  }
0x1b5: {  	s2 =	simm.s32 $0x20;
	v49 =	vor.u32 $0xF, v49;
	v50 =	vld.idx.msk [tilespmem:v51+s20+$0x0], $0xffff;
	v51 =	vor.u32 s15, v0  }
.LBB2_10:
0x1b6: {  	p0 =	sne.s32 s2, $0x70;
	v52 =	vand.u32 v2, v51;
	_ =	sdelay $0x3  }
0x1b7: {  	[tilespmem:v49+s21+$0x0] =	vst.idx.msk $0xffff, v50  }
0x1b8: {  	v52 =	vld.idx.msk [tilespmem:v52+s20+$0x0], $0xffff  }
0x1b9: {  	v50 =	vand.u32 $0x78, v51;
	v49 =	vshll.u32 v51, $0x4  }
0x1ba: {  	v51 =	vor.u32 v3, v50;
	_ =	sdelay $0x3  }
0x1bb: {  	[tilespmem:v49+s21+$0x0] =	vst.idx.msk $0xffff, v52  }
0x1bc: {  	v51 =	vld.idx.msk [tilespmem:v51+s20+$0x0], $0xffff  }
0x1bd: {  	v52 =	vor.u32 $0x1, v49  }
0x1be: {  	v53 =	vor.u32 v4, v50;
	_ =	sdelay $0x3  }
0x1bf: {  	[tilespmem:v52+s21+$0x0] =	vst.idx.msk $0xffff, v51  }
0x1c0: {  	v51 =	vld.idx.msk [tilespmem:v53+s20+$0x0], $0xffff  }
0x1c1: {  	v52 =	vor.u32 $0x2, v49  }
0x1c2: {  	v53 =	vor.u32 v5, v50;
	_ =	sdelay $0x3  }
0x1c3: {  	[tilespmem:v52+s21+$0x0] =	vst.idx.msk $0xffff, v51  }
0x1c4: {  	v51 =	vld.idx.msk [tilespmem:v53+s20+$0x0], $0xffff  }
0x1c5: {  	v52 =	vor.u32 $0x3, v49  }
0x1c6: {  	v53 =	vor.u32 v6, v50;
	_ =	sdelay $0x3  }
0x1c7: {  	[tilespmem:v52+s21+$0x0] =	vst.idx.msk $0xffff, v51  }
0x1c8: {  	v51 =	vld.idx.msk [tilespmem:v53+s20+$0x0], $0xffff  }
0x1c9: {  	v52 =	vor.u32 $0x4, v49  }
0x1ca: {  	v53 =	vor.u32 v7, v50;
	_ =	sdelay $0x3  }
0x1cb: {  	[tilespmem:v52+s21+$0x0] =	vst.idx.msk $0xffff, v51  }
0x1cc: {  	v51 =	vld.idx.msk [tilespmem:v53+s20+$0x0], $0xffff  }
0x1cd: {  	v52 =	vor.u32 $0x5, v49  }
0x1ce: {  	v53 =	vor.u32 v8, v50;
	_ =	sdelay $0x3  }
0x1cf: {  	[tilespmem:v52+s21+$0x0] =	vst.idx.msk $0xffff, v51  }
0x1d0: {  	v51 =	vld.idx.msk [tilespmem:v53+s20+$0x0], $0xffff  }
0x1d1: {  	v52 =	vor.u32 $0x6, v49  }
0x1d2: {  	v53 =	vor.u32 v9, v50;
	_ =	sdelay $0x3  }
0x1d3: {  	[tilespmem:v52+s21+$0x0] =	vst.idx.msk $0xffff, v51  }
0x1d4: {  	v51 =	vld.idx.msk [tilespmem:v53+s20+$0x0], $0xffff  }
0x1d5: {  	v52 =	vor.u32 $0x7, v49  }
0x1d6: {  	v53 =	vor.u32 v10, v50;
	_ =	sdelay $0x3  }
0x1d7: {  	[tilespmem:v52+s21+$0x0] =	vst.idx.msk $0xffff, v51  }
0x1d8: {  	v51 =	vld.idx.msk [tilespmem:v53+s20+$0x0], $0xffff  }
0x1d9: {  	v52 =	vor.u32 $0x8, v49  }
0x1da: {  	v53 =	vor.u32 v11, v50;
	_ =	sdelay $0x3  }
0x1db: {  	[tilespmem:v52+s21+$0x0] =	vst.idx.msk $0xffff, v51  }
0x1dc: {  	v51 =	vld.idx.msk [tilespmem:v53+s20+$0x0], $0xffff  }
0x1dd: {  	v52 =	vor.u32 $0x9, v49  }
0x1de: {  	v53 =	vor.u32 v12, v50;
	_ =	sdelay $0x3  }
0x1df: {  	[tilespmem:v52+s21+$0x0] =	vst.idx.msk $0xffff, v51  }
0x1e0: {  	v51 =	vld.idx.msk [tilespmem:v53+s20+$0x0], $0xffff  }
0x1e1: {  	v52 =	vor.u32 $0xA, v49  }
0x1e2: {  	v53 =	vor.u32 v13, v50;
	_ =	sdelay $0x3  }
0x1e3: {  	[tilespmem:v52+s21+$0x0] =	vst.idx.msk $0xffff, v51  }
0x1e4: {  	v51 =	vld.idx.msk [tilespmem:v53+s20+$0x0], $0xffff  }
0x1e5: {  	v52 =	vor.u32 $0xB, v49  }
0x1e6: {  	v53 =	vor.u32 v14, v50;
	_ =	sdelay $0x3  }
0x1e7: {  	[tilespmem:v52+s21+$0x0] =	vst.idx.msk $0xffff, v51  }
0x1e8: {  	v51 =	vld.idx.msk [tilespmem:v53+s20+$0x0], $0xffff  }
0x1e9: {  	v52 =	vor.u32 $0xC, v49  }
0x1ea: {  	v53 =	vor.u32 v16, v50;
	_ =	sdelay $0x3  }
0x1eb: {  	[tilespmem:v52+s21+$0x0] =	vst.idx.msk $0xffff, v51  }
0x1ec: {  	v51 =	vld.idx.msk [tilespmem:v53+s20+$0x0], $0xffff  }
0x1ed: {  	v52 =	vor.u32 $0xD, v49  }
0x1ee: {  	v53 =	vor.u32 v17, v50;
	_ =	sdelay $0x3  }
0x1ef: {  	[tilespmem:v52+s21+$0x0] =	vst.idx.msk $0xffff, v51  }
0x1f0: {  	v51 =	vld.idx.msk [tilespmem:v53+s20+$0x0], $0xffff  }
0x1f1: {  	v52 =	vor.u32 $0xE, v49  }
0x1f2: {  	v50 =	vor.u32 v18, v50;
	_ =	sdelay $0x1  }
.Ltmp4:
0x1f3: {  	(pc) =	sbr.rel @p0 .LBB2_10-.Ltmp4, $4  }
0x1f4: {  	_ = 	snop  }
0x1f5: {  	[tilespmem:v52+s21+$0x0] =	vst.idx.msk $0xffff, v51  }
0x1f6: {  	v50 =	vld.idx.msk [tilespmem:v50+s20+$0x0], $0xffff  }
0x1f7: {  	v49 =	vor.u32 $0xF, v49;
	v51 =	vor.u32 s2, v0;
	s2 =	sadd.s32 $0x10, s2  }
0x1f8: {  	v52 =	vand.u32 v2, v51;
	_ =	sdelay $0x3  }
0x1f9: {  	[tilespmem:v49+s21+$0x0] =	vst.idx.msk $0xffff, v50  }
0x1fa: {  	v50 =	vand.u32 $0x78, v51;
	v51 =	vshll.u32 v51, $0x4;
	v49 =	vld.idx.msk [tilespmem:v52+s20+$0x0], $0xffff  }
0x1fb: {  	v59 =	vor.u32 v3, v50;
	_ =	sdelay $0x3  }
0x1fc: {  	[tilespmem:v51+s21+$0x0] =	vst.idx.msk $0xffff, v49  }
0x1fd: {  	v60 =	vor.u32 $0x1, v51;
	v49 =	vld.idx.msk [tilespmem:v59+s20+$0x0], $0xffff  }
0x1fe: {  	v53 =	vor.u32 v4, v50;
	_ =	sdelay $0x3  }
0x1ff: {  	[tilespmem:v60+s21+$0x0] =	vst.idx.msk $0xffff, v49  }
0x200: {  	v61 =	vor.u32 $0x2, v51;
	v49 =	vld.idx.msk [tilespmem:v53+s20+$0x0], $0xffff  }
0x201: {  	v62 =	vor.u32 v5, v50;
	_ =	sdelay $0x3  }
0x202: {  	[tilespmem:v61+s21+$0x0] =	vst.idx.msk $0xffff, v49  }
0x203: {  	v63 =	vor.u32 $0x3, v51;
	v49 =	vld.idx.msk [tilespmem:v62+s20+$0x0], $0xffff  }
0x204: {  	v56 =	vor.u32 v6, v50;
	_ =	sdelay $0x3  }
0x205: {  	[tilespmem:v63+s21+$0x0] =	vst.idx.msk $0xffff, v49  }
0x206: {  	v57 =	vor.u32 $0x4, v51;
	v49 =	vld.idx.msk [tilespmem:v56+s20+$0x0], $0xffff  }
0x207: {  	v58 =	vor.u32 v7, v50;
	_ =	sdelay $0x3  }
0x208: {  	[tilespmem:v57+s21+$0x0] =	vst.idx.msk $0xffff, v49  }
0x209: {  	v59 =	vor.u32 $0x5, v51;
	v49 =	vld.idx.msk [tilespmem:v58+s20+$0x0], $0xffff  }
0x20a: {  	v60 =	vor.u32 v8, v50;
	_ =	sdelay $0x3  }
0x20b: {  	[tilespmem:v59+s21+$0x0] =	vst.idx.msk $0xffff, v49  }
0x20c: {  	v61 =	vor.u32 $0x6, v51;
	v49 =	vld.idx.msk [tilespmem:v60+s20+$0x0], $0xffff  }
0x20d: {  	v62 =	vor.u32 v9, v50;
	_ =	sdelay $0x3  }
0x20e: {  	[tilespmem:v61+s21+$0x0] =	vst.idx.msk $0xffff, v49  }
0x20f: {  	v63 =	vor.u32 $0x7, v51;
	v49 =	vld.idx.msk [tilespmem:v62+s20+$0x0], $0xffff  }
0x210: {  	v56 =	vor.u32 v10, v50;
	_ =	sdelay $0x3  }
0x211: {  	[tilespmem:v63+s21+$0x0] =	vst.idx.msk $0xffff, v49  }
0x212: {  	v57 =	vor.u32 $0x8, v51;
	v49 =	vld.idx.msk [tilespmem:v56+s20+$0x0], $0xffff  }
0x213: {  	v58 =	vor.u32 v11, v50;
	_ =	sdelay $0x3  }
0x214: {  	[tilespmem:v57+s21+$0x0] =	vst.idx.msk $0xffff, v49  }
0x215: {  	v59 =	vor.u32 $0x9, v51;
	v49 =	vld.idx.msk [tilespmem:v58+s20+$0x0], $0xffff  }
0x216: {  	v60 =	vor.u32 v12, v50;
	_ =	sdelay $0x3  }
0x217: {  	[tilespmem:v59+s21+$0x0] =	vst.idx.msk $0xffff, v49  }
0x218: {  	v61 =	vor.u32 $0xA, v51;
	v49 =	vld.idx.msk [tilespmem:v60+s20+$0x0], $0xffff  }
0x219: {  	v62 =	vor.u32 v13, v50;
	_ =	sdelay $0x3  }
0x21a: {  	[tilespmem:v61+s21+$0x0] =	vst.idx.msk $0xffff, v49  }
0x21b: {  	v63 =	vor.u32 $0xB, v51;
	v49 =	vld.idx.msk [tilespmem:v62+s20+$0x0], $0xffff  }
0x21c: {  	v56 =	vor.u32 v14, v50;
	_ =	sdelay $0x3  }
0x21d: {  	[tilespmem:v63+s21+$0x0] =	vst.idx.msk $0xffff, v49  }
0x21e: {  	v57 =	vor.u32 $0xC, v51;
	v49 =	vld.idx.msk [tilespmem:v56+s20+$0x0], $0xffff  }
0x21f: {  	v58 =	vor.u32 v16, v50;
	_ =	sdelay $0x3  }
0x220: {  	[tilespmem:v57+s21+$0x0] =	vst.idx.msk $0xffff, v49  }
0x221: {  	v59 =	vor.u32 $0xD, v51;
	v49 =	vld.idx.msk [tilespmem:v58+s20+$0x0], $0xffff  }
0x222: {  	v60 =	vor.u32 v17, v50;
	_ =	sdelay $0x3  }
0x223: {  	[tilespmem:v59+s21+$0x0] =	vst.idx.msk $0xffff, v49  }
0x224: {  	v61 =	vor.u32 $0xE, v51;
	v49 =	vld.idx.msk [tilespmem:v60+s20+$0x0], $0xffff  }
0x225: {  	v50 =	vor.u32 v18, v50;
	_ =	sdelay $0x3  }
0x226: {  	[tilespmem:v61+s21+$0x0] =	vst.idx.msk $0xffff, v49  }
0x227: {  	v62 =	vor.u32 $0xF, v51;
	v49 =	vld.idx.msk [tilespmem:v50+s20+$0x0], $0xffff;
	_ =	sdelay $0x4  }
0x228: {  	[tilespmem:v62+s21+$0x0] =	vst.idx.msk $0xffff, v49  }
0x229: {  	[spmem:s1] =	stream.indirect.scatter.add.f32 [tilespmem:s21], [sflag:$0x1], $0x10, s17, s18, $0xb8;
	[tilespmem:$0x7288] =	vst v63  }
0x22a: {  	_ =	swait.ge [sflag:s26], $0x800  }
0x22b: {  	[sflag:s26] =	ssyncset.done $0x0  }
0x22c: {  	[sflag:s26] =	ssyncadd.s32 $0xFFFFF800  }
0x22d: {  	_ =	swait.ge [sflag:s25], $0x800  }
0x22e: {  	[sflag:s25] =	ssyncset.done $0x0  }
0x22f: {  	s2 =	simm.s32 $0x0;
	[sflag:s25] =	ssyncadd.s32 $0xFFFFF800  }
0x230: {  	[tilespmem:s28], [sflag:$0x3] =	stream.linear.gather [hbm4b:s11+s2], $0x8, $0x38;
	[tilespmem:$0x7288] =	vst v63  }
0x231: {  	_ =	swait.ge [sflag:s16], $0x8  }
0x232: {  	[sflag:s16] =	ssyncset.done $0x0  }
0x233: {  	[sflag:s16] =	ssyncadd.s32 $0xFFFFFFF8  }
0x234: {  	[tilespmem:s30], [sflag:$0x3] =	stream.strided.gather [hbm4b:s12+s29], $0x80, s19, s29, $0x38;
	[tilespmem:$0x7288] =	vst v63  }
0x235: {  	_ =	swait.ge [sflag:s16], $0x80  }
0x236: {  	[sflag:s16] =	ssyncset.done $0x0  }
0x237: {  	[sflag:s16] =	ssyncadd.s32 $0xFFFFFF80  }
0x238: {  	v63 =	vld.idx.msk [tilespmem:v0+s30+$0x0], $0xff;
	_ =	sdelay $0x4  }
0x239: {  	[tilespmem:v15+s31+$0x0] =	vst.idx.msk $0xff, v63  }
0x23a: {  	v49 =	vld.idx.msk [tilespmem:v19+s30+$0x0], $0xff;
	_ =	sdelay $0x4  }
0x23b: {  	[tilespmem:v20+s31+$0x0] =	vst.idx.msk $0xff, v49  }
0x23c: {  	v49 =	vld.idx.msk [tilespmem:v21+s30+$0x0], $0xff;
	_ =	sdelay $0x4  }
0x23d: {  	[tilespmem:v22+s31+$0x0] =	vst.idx.msk $0xff, v49  }
0x23e: {  	v49 =	vld.idx.msk [tilespmem:v23+s30+$0x0], $0xff;
	_ =	sdelay $0x4  }
0x23f: {  	[tilespmem:v24+s31+$0x0] =	vst.idx.msk $0xff, v49  }
0x240: {  	v49 =	vld.idx.msk [tilespmem:v25+s30+$0x0], $0xff;
	_ =	sdelay $0x4  }
0x241: {  	[tilespmem:v26+s31+$0x0] =	vst.idx.msk $0xff, v49  }
0x242: {  	v49 =	vld.idx.msk [tilespmem:v27+s30+$0x0], $0xff;
	_ =	sdelay $0x4  }
0x243: {  	[tilespmem:v28+s31+$0x0] =	vst.idx.msk $0xff, v49  }
0x244: {  	v49 =	vld.idx.msk [tilespmem:v29+s30+$0x0], $0xff;
	_ =	sdelay $0x4  }
0x245: {  	[tilespmem:v30+s31+$0x0] =	vst.idx.msk $0xff, v49  }
0x246: {  	v49 =	vld.idx.msk [tilespmem:v31+s30+$0x0], $0xff;
	_ =	sdelay $0x4  }
0x247: {  	[tilespmem:v32+s31+$0x0] =	vst.idx.msk $0xff, v49  }
0x248: {  	v49 =	vld.idx.msk [tilespmem:v33+s30+$0x0], $0xff;
	_ =	sdelay $0x4  }
0x249: {  	[tilespmem:v34+s31+$0x0] =	vst.idx.msk $0xff, v49  }
0x24a: {  	v49 =	vld.idx.msk [tilespmem:v35+s30+$0x0], $0xff;
	_ =	sdelay $0x4  }
0x24b: {  	[tilespmem:v36+s31+$0x0] =	vst.idx.msk $0xff, v49  }
0x24c: {  	v49 =	vld.idx.msk [tilespmem:v37+s30+$0x0], $0xff;
	_ =	sdelay $0x4  }
0x24d: {  	[tilespmem:v38+s31+$0x0] =	vst.idx.msk $0xff, v49  }
0x24e: {  	v49 =	vld.idx.msk [tilespmem:v39+s30+$0x0], $0xff;
	_ =	sdelay $0x4  }
0x24f: {  	[tilespmem:v40+s31+$0x0] =	vst.idx.msk $0xff, v49  }
0x250: {  	v49 =	vld.idx.msk [tilespmem:v41+s30+$0x0], $0xff;
	_ =	sdelay $0x4  }
0x251: {  	[tilespmem:v42+s31+$0x0] =	vst.idx.msk $0xff, v49  }
0x252: {  	v49 =	vld.idx.msk [tilespmem:v43+s30+$0x0], $0xff;
	_ =	sdelay $0x4  }
0x253: {  	[tilespmem:v44+s31+$0x0] =	vst.idx.msk $0xff, v49  }
0x254: {  	v49 =	vld.idx.msk [tilespmem:v45+s30+$0x0], $0xff;
	_ =	sdelay $0x4  }
0x255: {  	[tilespmem:v46+s31+$0x0] =	vst.idx.msk $0xff, v49  }
0x256: {  	v49 =	vld.idx.msk [tilespmem:v47+s30+$0x0], $0xff;
	_ =	sdelay $0x4  }
0x257: {  	[tilespmem:v48+s31+$0x0] =	vst.idx.msk $0xff, v49  }
0x258: {  	[spmem:s1] =	stream.indirect.scatter.add.f32 [tilespmem:s31], [sflag:$0x3], $0x10, s28, s29, $0xb8;
	[tilespmem:$0x7288] =	vst v63  }
0x259: {  	s15 =	stileid.u32;
	_ =	swait.ge [sflag:s16], $0x80  }
0x25a: {  	s3 =	sshrl.u32 s7, $0x3;
	s0 =	sadd.s32 $0x1, s0;
	[sflag:s16] =	ssyncset.done $0x0  }
0x25b: {  	p0 =	sne.s32 s0, s14;
	s2 =	sshll.u32 s15, $0x6;
	[sflag:s16] =	ssyncadd.s32 $0xFFFFFF80  }
.Ltmp5:
0x25c: {  	s2 =	sor.u32 $0x1C03, s2;
	[bflag:$0x0] =	sbarrier.arrive $0xFFFF;
	(pc) =	sbr.rel @p0 .LBB2_1-.Ltmp5, $4  }
0x25d: {  	[hbm:s13], [sflag:s2] =	dma.local [spmem:s3], $0x500  }
0x25e: {  	_ =	swait.ge [sflag:s16], $0x500  }
0x25f: {  	[sflag:s16] =	ssyncset.done $0x0  }
0x260: {  	[sflag:s16] =	ssyncadd.s32 $0xFFFFFB00  }
0x261: {  	_ =	sfence.sel $0x180000  }
0x262: {  	[bflag:$0x0] =	sbarrier.arrive $0xFFFF  }
0x263: {  	_ =	strace $0x9000004A  }
0x264: {  	s0 =	stileid.u32;
	[bflag:$0x2] =	sbarrier.arrive $0xFFFF  }
0x265: {  	p0 =	sne.s32 s0, $0x0;
	s0 =	rddreg [dreg:$0x2]  }
0x266: {  	s0 =	sadd.s32 @!p0 $0x100000, s0  }
0x267: {  	[sflag:s0] =	ssyncadd.tile.s32 @!p0 $0x1;
	_ =	shalt  }
.Lfunc_end2:
_tile_overlayer_lowered:
.L_overlay_start_2:
0x268: {  	(tag) =	ssettag $0x2  }
0x269: {  	s0 =	rddreg [dreg:$0x0];
	s2 =	stileid.u32  }
0x26a: {  	s1 =	rddreg [dreg:$0x1];
	p0 =	sne.s32 s2, $0x0  }
0x26b: {  	s3 =	rddreg [dreg:$0x2];
	[bflag:$0x3] =	sbarrier.arrive $0xFFFF;
	s2 =	simm.s32 @!p0 $0x1C03  }
0x26c: {  	[timem:s3], [sflag:s2] =	dma.local @!p0 [hbm:s0], s1  }
0x26d: {  	s0 =	simm.s32 @!p0 $0x3  }
0x26e: {  	_ =	swait.ge @!p0 [sflag:s0], s1  }
0x26f: {  	s1 =	ssub.s32 @!p0 $0x0, s1;
	[sflag:s0] =	ssyncset.done @!p0 $0x0  }
0x270: {  	[sflag:s0] =	ssyncadd.s32 @!p0 s1  }
0x271: {  	[bflag:$0x3] =	sbarrier.arrive $0xFFFF  }
0x272: {  	_ =	shalt  }

</sc_bundles>
